<compile_context>
chip_gen: v7x
topology: tpu7x:2x2x1
jax: 0.10.2.dev20260603
libtpu: 0.0.44.dev20260713+nightly
codegen_flags: <defaults>
</compile_context>

<pallas_src>
import functools

import jax
import jax.numpy as jnp
from jax import lax
from jax.experimental import pallas as pl
from jax.experimental.pallas import tpu as pltpu
from jax.experimental.pallas import tpu_sc as plsc

_NC = 2
_NS = 16
_NW = _NC * _NS
_L = 16

_CHUNK = 64


_NB = 4
_W = 256


@functools.partial(jax.jit, static_argnames=("R", "D"))
def _detile(embT, tail, *, R, D):
    n_tc = R // 128
    rem = R % 128
    out_rows = (R * D) // 128
    orpr = _W * D // 128

    n_p = n_tc * 128 // _W
    full_r = n_p // _NW
    tail_w = n_p % _NW
    assert (full_r - 1) % _NB == 0 and rem % 8 == 0
    loop_r = full_r - 1

    mesh = plsc.VectorSubcoreMesh(core_axis_name="c", subcore_axis_name="s")

    @functools.partial(
        pl.kernel,
        out_type=jax.ShapeDtypeStruct((out_rows * 128,), jnp.float32),
        mesh=mesh,
        compiler_params=pltpu.CompilerParams(needs_layout_passes=False),
        scratch_types=(
            [pltpu.VMEM((_L, _W), jnp.float32)] * _NB
            + [pltpu.VMEM((_W * D,), jnp.float32)] * _NB
            + [pltpu.SemaphoreType.DMA] * (2 * _NB)
        ),
    )
    def k1(embT_hbm, tail_hbm, out_hbm, *bufs):
        ins = bufs[:_NB]
        ots = bufs[_NB:2 * _NB]
        sis = bufs[2 * _NB:3 * _NB]
        sos = bufs[3 * _NB:4 * _NB]
        wid = lax.axis_index("s") * _NC + lax.axis_index("c")
        iota16 = lax.iota(jnp.int32, _L)

        def issue_in(r, b):
            col = pl.multiple_of((r * _NW + wid) * _W, _W)
            pltpu.async_copy(embT_hbm.at[pl.ds(0, 8), pl.ds(col, _W)],
                             ins[b].at[pl.ds(0, 8)], sis[b])
            pltpu.async_copy(embT_hbm.at[pl.ds(8, 8), pl.ds(col, _W)],
                             ins[b].at[pl.ds(8, 8)], sis[b])

        def wait_in(b):
            pltpu.make_async_copy(embT_hbm.at[pl.ds(0, 8), pl.ds(0, _W)],
                                  ins[b].at[pl.ds(0, 8)], sis[b]).wait()
            pltpu.make_async_copy(embT_hbm.at[pl.ds(0, 8), pl.ds(0, _W)],
                                  ins[b].at[pl.ds(8, 8)], sis[b]).wait()

        dstride = iota16 * D

        def transpose(b, ncols):
            @plsc.parallel_loop(0, ncols, step=_L, unroll=4)
            def _(c0):
                c0 = pl.multiple_of(c0, _L)
                vecs = [ins[b][d, pl.ds(c0, _L)] for d in range(D)]
                for d in range(D):
                    plsc.store_scatter(
                        ots[b], [dstride + (c0 * D + d)], vecs[d])

        def issue_out(r, b):
            off = pl.multiple_of((r * _NW + wid) * (_W * D), _W * D)
            pltpu.async_copy(ots[b], out_hbm.at[pl.ds(off, _W * D)], sos[b])

        def wait_out(b):
            pltpu.make_async_copy(out_hbm.at[pl.ds(0, _W * D)],
                                  ots[b], sos[b]).wait()

        for r0 in range(_NB - 1):
            issue_in(r0, r0)

        def body(g, carry):
            for b in range(_NB):
                r = g * _NB + b
                wait_in(b)

                nxt = r + (_NB - 1)

                @pl.when(nxt < loop_r)
                def _():
                    issue_in(nxt, (b + _NB - 1) % _NB)

                @pl.when(r >= _NB)
                def _():
                    wait_out(b)

                transpose(b, _W)
                issue_out(r, b)
            return carry

        lax.fori_loop(0, loop_r // _NB, body, 0)

        lb = loop_r % _NB
        issue_in(loop_r, lb)
        wait_in(lb)
        wait_out(lb)
        transpose(lb, _W)
        issue_out(loop_r, lb)

        for b in range(_NB):
            wait_out(b) if b != lb else None
        wait_out(lb)

        @pl.when(wid < tail_w)
        def _():
            col = pl.multiple_of((full_r * _NW + wid) * _W, _W)
            pltpu.sync_copy(embT_hbm.at[pl.ds(0, 8), pl.ds(col, _W)],
                            ins[0].at[pl.ds(0, 8)])
            pltpu.sync_copy(embT_hbm.at[pl.ds(8, 8), pl.ds(col, _W)],
                            ins[0].at[pl.ds(8, 8)])
            transpose(0, _W)
            off = pl.multiple_of((full_r * _NW + wid) * (_W * D), _W * D)
            pltpu.sync_copy(ots[0], out_hbm.at[pl.ds(off, _W * D)])

        if rem:
            @pl.when(wid == _NW - 1)
            def _():
                pltpu.sync_copy(tail_hbm, ots[0].at[pl.ds(0, rem * D)])
                pltpu.sync_copy(ots[0].at[pl.ds(0, rem * D)],
                                out_hbm.at[pl.ds(n_tc * 128 * D, rem * D)])

    return k1(embT, tail)


@functools.partial(jax.jit, static_argnames=("B", "F", "V", "D"))
def _fm_sc(cat_flat, emb, lr_flat, bias, *, B, F, V, D):
    rows_per_w = B // _NW
    n_chunks = rows_per_w // _CHUNK
    idx_len = _CHUNK * F

    mesh = plsc.VectorSubcoreMesh(core_axis_name="c", subcore_axis_name="s")

    @functools.partial(
        pl.kernel,
        out_type=jax.ShapeDtypeStruct((B,), jnp.float32),
        mesh=mesh,
        compiler_params=pltpu.CompilerParams(needs_layout_passes=False,
                                             use_tc_tiling_on_sc=False),
        scratch_types=[
            pltpu.VMEM((idx_len,), jnp.int32),
            pltpu.VMEM((F, _CHUNK), jnp.int32),
            pltpu.VMEM((F * _CHUNK, D), jnp.float32),
            pltpu.VMEM((F, _CHUNK), jnp.float32),
            pltpu.VMEM((B // _NW,), jnp.float32),
            pltpu.SemaphoreType.DMA,
        ],
    )
    def fm_kernel(cat_hbm, emb_hbm, lr_hbm, out_hbm,
                  idxraw_v, idx_v, ebuf, lbuf, out_v, sem):
        wid = lax.axis_index("s") * _NC + lax.axis_index("c")
        w_base = wid * (rows_per_w * F)

        zeros16 = jnp.zeros((_L,), jnp.float32)

        jlane = lax.iota(jnp.int32, _L)
        jF = jlane * F

        def chunk_body(c, carry):
            src_off = pl.multiple_of(w_base + c * idx_len, idx_len)
            pltpu.sync_copy(cat_hbm.at[pl.ds(src_off, idx_len)], idxraw_v)

            for f in range(F):
                for g in range(_CHUNK // _L):
                    addr = jF + (g * _L * F + f)
                    vals = plsc.load_gather(idxraw_v, [addr])
                    idx_v[f, pl.ds(g * _L, _L)] = vals + (f * V)

            copies = []
            for f in range(F):
                copies.append(pltpu.async_copy(
                    emb_hbm.at[idx_v.at[f]],
                    ebuf.at[pl.ds(f * _CHUNK, _CHUNK)], sem))
                copies.append(pltpu.async_copy(
                    lr_hbm.at[idx_v.at[f]], lbuf.at[f], sem))
            for cp in copies:
                cp.wait()

            for g in range(_CHUNK // _L):
                jrow = jlane + (g * _L)
                rowv = [jrow + f * _CHUNK for f in range(F)]

                def d_body(d, acc):
                    ss, q = acc
                    dcol = jnp.broadcast_to(d, (_L,))
                    t = zeros16
                    for f in range(F):
                        e = plsc.load_gather(ebuf, [rowv[f], dcol])
                        t = t + e
                        q = q + e * e
                    return ss + t * t, q

                ss, q = lax.fori_loop(0, D, d_body, (zeros16, zeros16))

                fo = zeros16
                for f in range(F):
                    fo = fo + lbuf[f, pl.ds(g * _L, _L)]

                res = 0.5 * (ss - q) + fo
                dst = pl.multiple_of(c * _CHUNK + g * _L, _L)
                out_v[pl.ds(dst, _L)] = res
            return carry

        lax.fori_loop(0, n_chunks, chunk_body, 0)

        out_off = pl.multiple_of(wid * rows_per_w, rows_per_w)
        pltpu.sync_copy(out_v, out_hbm.at[pl.ds(out_off, rows_per_w)])

    return fm_kernel(cat_flat, emb, lr_flat) + bias


def kernel(cat_indices, embed_table, lr_weight, lr_bias):
    B, F = cat_indices.shape
    D = embed_table.shape[1]
    V = embed_table.shape[0] // F
    R = F * V
    assert B % (_NW * _CHUNK) == 0 and D == _L
    assert R % 8 == 0 and (R % 128) in (0, 64)

    rem = R % 128
    tail = embed_table[R - rem:, :].reshape(rem * D)
    tab = _detile(embed_table.T, tail, R=R, D=D).reshape(R, D)
    cat_flat = cat_indices.astype(jnp.int32).reshape(B * F)
    lr_flat = lr_weight.reshape(-1)
    out = _fm_sc(cat_flat, tab, lr_flat, lr_bias, B=B, F=F, V=V, D=D)
    return out[:, None]

# --- scband reference (transcript-rebuilt; emitter-appended) ---
"""Pipeline reference for scband-fmreg-model-36129264894294 (READ-ONLY COPY).

The authoritative reference and input builder live on the scoring server;
editing this copy changes nothing except your own understanding.
"""

import jax, jax.numpy as jnp
import numpy as np

B, F, V, D = 16384, 26, 100000, 16

def setup_inputs(seed: int = 0) -> dict:
    key = jax.random.key(seed)
    k1, k2, k3 = jax.random.split(key, 3)
    cat_indices = jax.random.randint(k1, (B, F), 0, V, dtype=jnp.int64) if jax.config.jax_enable_x64 else jax.random.randint(k1, (B, F), 0, V, dtype=jnp.int32)
    embed_table = jax.random.normal(k2, (F * V, D), dtype=jnp.float32) * 0.01
    lr_weight = jax.random.normal(k3, (F * V, 1), dtype=jnp.float32) * 0.01
    lr_bias = jnp.zeros((1,), dtype=jnp.float32)
    return {"cat_indices": cat_indices, "embed_table": embed_table, "lr_weight": lr_weight, "lr_bias": lr_bias}

def reference(cat_indices, embed_table, lr_weight, lr_bias):
    # Each of the F categorical fields has its own embedding table of size V;
    # tables are concatenated row-wise, so field f uses rows [f*V, (f+1)*V).
    n_fields = cat_indices.shape[1]
    vocab = embed_table.shape[0] // n_fields
    offsets = (jnp.arange(n_fields) * vocab).astype(cat_indices.dtype)
    flat_idx = cat_indices + offsets[None, :]            # [B, F]

    # ---- FMLayer: stack field embeddings then pairwise-interaction term ----
    embd_vecs = jnp.take(embed_table, flat_idx, axis=0)  # [B, F, D]
    # embd_vecs_square = embd_vecs @ embd_vecs^T  -> [B, F, F]
    embd_vecs_square = jnp.einsum('bfd,bgd->bfg', embd_vecs, embd_vecs)
    total = jnp.sum(embd_vecs_square.reshape(embd_vecs_square.shape[0], -1), axis=1)  # [B]
    tr = jnp.trace(embd_vecs_square, axis1=1, axis2=2)   # [B]
    second_order = 0.5 * (total - tr)                    # [B]

    # ---- LRRegModel: first-order linear term over the same categorical ids ----
    first_order = jnp.sum(jnp.take(lr_weight, flat_idx, axis=0), axis=1) + lr_bias  # [B, 1]

    out = first_order + second_order[:, None]            # [B, 1]
    return out

if __name__ == "__main__":
    import jax
    _d = setup_inputs()
    print(jax.jit(kernel)(*tuple(_d.values())))

</pallas_src>

<mosaic_0001>
#map = affine_map<(d0, d1) -> (0, 0)>
#map1 = affine_map<(d0, d1) -> (0)>
module attributes {stable_mosaic.version = 14 : i64} {
  func.func @k1(%arg0: i32, %arg1: i32, %arg2: memref<16x2600000xf32, #tpu.memory_space<hbm>>, %arg3: memref<1024xf32, #tpu.memory_space<hbm>>, %arg4: memref<41600000xf32, #tpu.memory_space<hbm>>, %arg5: memref<16x256xf32, #tpu.memory_space<vmem>>, %arg6: memref<16x256xf32, #tpu.memory_space<vmem>>, %arg7: memref<16x256xf32, #tpu.memory_space<vmem>>, %arg8: memref<16x256xf32, #tpu.memory_space<vmem>>, %arg9: memref<4096xf32, #tpu.memory_space<vmem>>, %arg10: memref<4096xf32, #tpu.memory_space<vmem>>, %arg11: memref<4096xf32, #tpu.memory_space<vmem>>, %arg12: memref<4096xf32, #tpu.memory_space<vmem>>, %arg13: memref<!tpu.dma_semaphore, #tpu.memory_space<semaphore_mem>>, %arg14: memref<!tpu.dma_semaphore, #tpu.memory_space<semaphore_mem>>, %arg15: memref<!tpu.dma_semaphore, #tpu.memory_space<semaphore_mem>>, %arg16: memref<!tpu.dma_semaphore, #tpu.memory_space<semaphore_mem>>, %arg17: memref<!tpu.dma_semaphore, #tpu.memory_space<semaphore_mem>>, %arg18: memref<!tpu.dma_semaphore, #tpu.memory_space<semaphore_mem>>, %arg19: memref<!tpu.dma_semaphore, #tpu.memory_space<semaphore_mem>>, %arg20: memref<!tpu.dma_semaphore, #tpu.memory_space<semaphore_mem>>) attributes {dimension_semantics = [#tpu.dimension_semantics<core_parallel>, #tpu.dimension_semantics<subcore_parallel>], iteration_bounds = array<i64: 2, 16>, scalar_prefetch = 0 : i64, scratch_operands = 16 : i64, tpu.core_type = #tpu.core_type<sc_vector_subcore>, window_params = [{transform_indices = #map}, {transform_indices = #map1}, {transform_indices = #map1}]} {
    %mul3A = arith.constant 2 : i32
    %mul3A_0 = arith.muli %arg1, %mul3A : i32
    %add3A = arith.addi %mul3A_0, %arg0 : i32
    %iota3A = tpu.iota {dimensions = array<i32: 0>} : vector<16xi32>
    %mul3A_1 = arith.constant 16 : i32
    %mul3A_2 = vector.broadcast %mul3A_1 : i32 to vector<16xi32>
    %mul3A_3 = arith.muli %iota3A, %mul3A_2 : vector<16xi32>
    %add3A_4 = arith.constant 0 : i32
    %add3A_5 = arith.addi %add3A_4, %add3A : i32
    %mul3A_6 = arith.constant 256 : i32
    %mul3A_7 = arith.muli %add3A_5, %mul3A_6 : i32
    %multiple_of3A = tpu.assume_multiple %mul3A_7, 256 : i32
    %dma_start3A = arith.constant 0 : i32
    %dma_start3A_8 = arith.constant 0 : i32
    %dma_start3A_9 = tpu.memref_slice %arg5[%dma_start3A, %dma_start3A_8] : memref<16x256xf32, #tpu.memory_space<vmem>> -> memref<8x256xf32, #tpu.memory_space<vmem>>
    %dma_start3A_10 = arith.constant 0 : i32
    %dma_start3A_11 = tpu.memref_slice %arg2[%dma_start3A_10, %multiple_of3A] : memref<16x2600000xf32, #tpu.memory_space<hbm>> -> memref<8x256xf32, #tpu.memory_space<hbm>>
    %dma_start3A_12 = arith.constant 0 : i32
    %dma_start3A_13 = arith.constant 0 : i32
    %dma_start3A_14 = tpu.memref_slice %arg5[%dma_start3A_12, %dma_start3A_13] : memref<16x256xf32, #tpu.memory_space<vmem>> -> memref<8x256xf32, #tpu.memory_space<vmem>>
    %dma_start3A_15 = arith.constant 0 : i32
    %dma_start3A_16 = tpu.memref_slice %arg2[%dma_start3A_15, %multiple_of3A] : memref<16x2600000xf32, #tpu.memory_space<hbm>> -> memref<8x256xf32, #tpu.memory_space<hbm>>
    tpu.enqueue_dma source(%dma_start3A_16 : memref<8x256xf32, #tpu.memory_space<hbm>>) target(%dma_start3A_14 : memref<8x256xf32, #tpu.memory_space<vmem>>) target_semaphore(%arg13 : memref<!tpu.dma_semaphore, #tpu.memory_space<semaphore_mem>>)
    %dma_start3A_17 = arith.constant 8 : i32
    %dma_start3A_18 = arith.constant 0 : i32
    %dma_start3A_19 = tpu.memref_slice %arg5[%dma_start3A_17, %dma_start3A_18] : memref<16x256xf32, #tpu.memory_space<vmem>> -> memref<8x256xf32, #tpu.memory_space<vmem>>
    %dma_start3A_20 = arith.constant 8 : i32
    %dma_start3A_21 = tpu.memref_slice %arg2[%dma_start3A_20, %multiple_of3A] : memref<16x2600000xf32, #tpu.memory_space<hbm>> -> memref<8x256xf32, #tpu.memory_space<hbm>>
    %dma_start3A_22 = arith.constant 8 : i32
    %dma_start3A_23 = arith.constant 0 : i32
    %dma_start3A_24 = tpu.memref_slice %arg5[%dma_start3A_22, %dma_start3A_23] : memref<16x256xf32, #tpu.memory_space<vmem>> -> memref<8x256xf32, #tpu.memory_space<vmem>>
    %dma_start3A_25 = arith.constant 8 : i32
    %dma_start3A_26 = tpu.memref_slice %arg2[%dma_start3A_25, %multiple_of3A] : memref<16x2600000xf32, #tpu.memory_space<hbm>> -> memref<8x256xf32, #tpu.memory_space<hbm>>
    tpu.enqueue_dma source(%dma_start3A_26 : memref<8x256xf32, #tpu.memory_space<hbm>>) target(%dma_start3A_24 : memref<8x256xf32, #tpu.memory_space<vmem>>) target_semaphore(%arg13 : memref<!tpu.dma_semaphore, #tpu.memory_space<semaphore_mem>>)
    %add3A_27 = arith.constant 32 : i32
    %add3A_28 = arith.addi %add3A_27, %add3A : i32
    %mul3A_29 = arith.constant 256 : i32
    %mul3A_30 = arith.muli %add3A_28, %mul3A_29 : i32
    %multiple_of3A_31 = tpu.assume_multiple %mul3A_30, 256 : i32
    %dma_start3A_32 = arith.constant 0 : i32
    %dma_start3A_33 = arith.constant 0 : i32
    %dma_start3A_34 = tpu.memref_slice %arg6[%dma_start3A_32, %dma_start3A_33] : memref<16x256xf32, #tpu.memory_space<vmem>> -> memref<8x256xf32, #tpu.memory_space<vmem>>
    %dma_start3A_35 = arith.constant 0 : i32
    %dma_start3A_36 = tpu.memref_slice %arg2[%dma_start3A_35, %multiple_of3A_31] : memref<16x2600000xf32, #tpu.memory_space<hbm>> -> memref<8x256xf32, #tpu.memory_space<hbm>>
    %dma_start3A_37 = arith.constant 0 : i32
    %dma_start3A_38 = arith.constant 0 : i32
    %dma_start3A_39 = tpu.memref_slice %arg6[%dma_start3A_37, %dma_start3A_38] : memref<16x256xf32, #tpu.memory_space<vmem>> -> memref<8x256xf32, #tpu.memory_space<vmem>>
    %dma_start3A_40 = arith.constant 0 : i32
    %dma_start3A_41 = tpu.memref_slice %arg2[%dma_start3A_40, %multiple_of3A_31] : memref<16x2600000xf32, #tpu.memory_space<hbm>> -> memref<8x256xf32, #tpu.memory_space<hbm>>
    tpu.enqueue_dma source(%dma_start3A_41 : memref<8x256xf32, #tpu.memory_space<hbm>>) target(%dma_start3A_39 : memref<8x256xf32, #tpu.memory_space<vmem>>) target_semaphore(%arg14 : memref<!tpu.dma_semaphore, #tpu.memory_space<semaphore_mem>>)
    %dma_start3A_42 = arith.constant 8 : i32
    %dma_start3A_43 = arith.constant 0 : i32
    %dma_start3A_44 = tpu.memref_slice %arg6[%dma_start3A_42, %dma_start3A_43] : memref<16x256xf32, #tpu.memory_space<vmem>> -> memref<8x256xf32, #tpu.memory_space<vmem>>
    %dma_start3A_45 = arith.constant 8 : i32
    %dma_start3A_46 = tpu.memref_slice %arg2[%dma_start3A_45, %multiple_of3A_31] : memref<16x2600000xf32, #tpu.memory_space<hbm>> -> memref<8x256xf32, #tpu.memory_space<hbm>>
    %dma_start3A_47 = arith.constant 8 : i32
    %dma_start3A_48 = arith.constant 0 : i32
    %dma_start3A_49 = tpu.memref_slice %arg6[%dma_start3A_47, %dma_start3A_48] : memref<16x256xf32, #tpu.memory_space<vmem>> -> memref<8x256xf32, #tpu.memory_space<vmem>>
    %dma_start3A_50 = arith.constant 8 : i32
    %dma_start3A_51 = tpu.memref_slice %arg2[%dma_start3A_50, %multiple_of3A_31] : memref<16x2600000xf32, #tpu.memory_space<hbm>> -> memref<8x256xf32, #tpu.memory_space<hbm>>
    tpu.enqueue_dma source(%dma_start3A_51 : memref<8x256xf32, #tpu.memory_space<hbm>>) target(%dma_start3A_49 : memref<8x256xf32, #tpu.memory_space<vmem>>) target_semaphore(%arg14 : memref<!tpu.dma_semaphore, #tpu.memory_space<semaphore_mem>>)
    %add3A_52 = arith.constant 64 : i32
    %add3A_53 = arith.addi %add3A_52, %add3A : i32
    %mul3A_54 = arith.constant 256 : i32
    %mul3A_55 = arith.muli %add3A_53, %mul3A_54 : i32
    %multiple_of3A_56 = tpu.assume_multiple %mul3A_55, 256 : i32
    %dma_start3A_57 = arith.constant 0 : i32
    %dma_start3A_58 = arith.constant 0 : i32
    %dma_start3A_59 = tpu.memref_slice %arg7[%dma_start3A_57, %dma_start3A_58] : memref<16x256xf32, #tpu.memory_space<vmem>> -> memref<8x256xf32, #tpu.memory_space<vmem>>
    %dma_start3A_60 = arith.constant 0 : i32
    %dma_start3A_61 = tpu.memref_slice %arg2[%dma_start3A_60, %multiple_of3A_56] : memref<16x2600000xf32, #tpu.memory_space<hbm>> -> memref<8x256xf32, #tpu.memory_space<hbm>>
    %dma_start3A_62 = arith.constant 0 : i32
    %dma_start3A_63 = arith.constant 0 : i32
    %dma_start3A_64 = tpu.memref_slice %arg7[%dma_start3A_62, %dma_start3A_63] : memref<16x256xf32, #tpu.memory_space<vmem>> -> memref<8x256xf32, #tpu.memory_space<vmem>>
    %dma_start3A_65 = arith.constant 0 : i32
    %dma_start3A_66 = tpu.memref_slice %arg2[%dma_start3A_65, %multiple_of3A_56] : memref<16x2600000xf32, #tpu.memory_space<hbm>> -> memref<8x256xf32, #tpu.memory_space<hbm>>
    tpu.enqueue_dma source(%dma_start3A_66 : memref<8x256xf32, #tpu.memory_space<hbm>>) target(%dma_start3A_64 : memref<8x256xf32, #tpu.memory_space<vmem>>) target_semaphore(%arg15 : memref<!tpu.dma_semaphore, #tpu.memory_space<semaphore_mem>>)
    %dma_start3A_67 = arith.constant 8 : i32
    %dma_start3A_68 = arith.constant 0 : i32
    %dma_start3A_69 = tpu.memref_slice %arg7[%dma_start3A_67, %dma_start3A_68] : memref<16x256xf32, #tpu.memory_space<vmem>> -> memref<8x256xf32, #tpu.memory_space<vmem>>
    %dma_start3A_70 = arith.constant 8 : i32
    %dma_start3A_71 = tpu.memref_slice %arg2[%dma_start3A_70, %multiple_of3A_56] : memref<16x2600000xf32, #tpu.memory_space<hbm>> -> memref<8x256xf32, #tpu.memory_space<hbm>>
    %dma_start3A_72 = arith.constant 8 : i32
    %dma_start3A_73 = arith.constant 0 : i32
    %dma_start3A_74 = tpu.memref_slice %arg7[%dma_start3A_72, %dma_start3A_73] : memref<16x256xf32, #tpu.memory_space<vmem>> -> memref<8x256xf32, #tpu.memory_space<vmem>>
    %dma_start3A_75 = arith.constant 8 : i32
    %dma_start3A_76 = tpu.memref_slice %arg2[%dma_start3A_75, %multiple_of3A_56] : memref<16x2600000xf32, #tpu.memory_space<hbm>> -> memref<8x256xf32, #tpu.memory_space<hbm>>
    tpu.enqueue_dma source(%dma_start3A_76 : memref<8x256xf32, #tpu.memory_space<hbm>>) target(%dma_start3A_74 : memref<8x256xf32, #tpu.memory_space<vmem>>) target_semaphore(%arg15 : memref<!tpu.dma_semaphore, #tpu.memory_space<semaphore_mem>>)
    %scan3A = arith.constant 0 : i32
    %scan3A_77 = arith.constant 0 : i32
    %scan3A_78 = arith.constant 79 : i32
    %scan3A_79 = arith.addi %scan3A_77, %scan3A_78 : i32
    %scan3A_80 = arith.constant 1 : i32
    scf.for %scan3A_165 = %scan3A_77 to %scan3A_79 step %scan3A_80  : i32 {
      %mul3A_166 = arith.constant 4 : i32
      %mul3A_167 = arith.muli %scan3A_165, %mul3A_166 : i32
      %add3A_168 = arith.constant 0 : i32
      %add3A_169 = arith.addi %mul3A_167, %add3A_168 : i32
      %dma_wait3A_170 = arith.constant 0 : i32
      %dma_wait3A_171 = arith.constant 0 : i32
      %dma_wait3A_172 = tpu.memref_slice %arg5[%dma_wait3A_170, %dma_wait3A_171] : memref<16x256xf32, #tpu.memory_space<vmem>> -> memref<8x256xf32, #tpu.memory_space<vmem>>
      %dma_wait3A_173 = arith.constant 0 : i32
      %dma_wait3A_174 = arith.constant 0 : i32
      %dma_wait3A_175 = tpu.memref_slice %arg2[%dma_wait3A_173, %dma_wait3A_174] : memref<16x2600000xf32, #tpu.memory_space<hbm>> -> memref<8x256xf32, #tpu.memory_space<hbm>>
      %dma_wait3A_176 = arith.constant 0 : i32
      %dma_wait3A_177 = arith.constant 0 : i32
      %dma_wait3A_178 = tpu.memref_slice %arg5[%dma_wait3A_176, %dma_wait3A_177] : memref<16x256xf32, #tpu.memory_space<vmem>> -> memref<8x256xf32, #tpu.memory_space<vmem>>
      %dma_wait3A_179 = arith.constant 0 : i32
      %dma_wait3A_180 = arith.constant 0 : i32
      %dma_wait3A_181 = tpu.memref_slice %arg2[%dma_wait3A_179, %dma_wait3A_180] : memref<16x2600000xf32, #tpu.memory_space<hbm>> -> memref<8x256xf32, #tpu.memory_space<hbm>>
      tpu.wait_dma2 semaphore(%arg13 : memref<!tpu.dma_semaphore, #tpu.memory_space<semaphore_mem>>) src(%dma_wait3A_181 : memref<8x256xf32, #tpu.memory_space<hbm>>) dst(%dma_wait3A_178 : memref<8x256xf32, #tpu.memory_space<vmem>>)
      %dma_wait3A_182 = arith.constant 8 : i32
      %dma_wait3A_183 = arith.constant 0 : i32
      %dma_wait3A_184 = tpu.memref_slice %arg5[%dma_wait3A_182, %dma_wait3A_183] : memref<16x256xf32, #tpu.memory_space<vmem>> -> memref<8x256xf32, #tpu.memory_space<vmem>>
      %dma_wait3A_185 = arith.constant 0 : i32
      %dma_wait3A_186 = arith.constant 0 : i32
      %dma_wait3A_187 = tpu.memref_slice %arg2[%dma_wait3A_185, %dma_wait3A_186] : memref<16x2600000xf32, #tpu.memory_space<hbm>> -> memref<8x256xf32, #tpu.memory_space<hbm>>
      %dma_wait3A_188 = arith.constant 8 : i32
      %dma_wait3A_189 = arith.constant 0 : i32
      %dma_wait3A_190 = tpu.memref_slice %arg5[%dma_wait3A_188, %dma_wait3A_189] : memref<16x256xf32, #tpu.memory_space<vmem>> -> memref<8x256xf32, #tpu.memory_space<vmem>>
      %dma_wait3A_191 = arith.constant 0 : i32
      %dma_wait3A_192 = arith.constant 0 : i32
      %dma_wait3A_193 = tpu.memref_slice %arg2[%dma_wait3A_191, %dma_wait3A_192] : memref<16x2600000xf32, #tpu.memory_space<hbm>> -> memref<8x256xf32, #tpu.memory_space<hbm>>
      tpu.wait_dma2 semaphore(%arg13 : memref<!tpu.dma_semaphore, #tpu.memory_space<semaphore_mem>>) src(%dma_wait3A_193 : memref<8x256xf32, #tpu.memory_space<hbm>>) dst(%dma_wait3A_190 : memref<8x256xf32, #tpu.memory_space<vmem>>)
      %add3A_194 = arith.constant 3 : i32
      %add3A_195 = arith.addi %add3A_169, %add3A_194 : i32
      %lt3A_196 = arith.constant 316 : i32
      %lt3A_197 = arith.cmpi slt, %add3A_195, %lt3A_196 : i32
      %convert_element_type3A_198 = arith.extui %lt3A_197 : i1 to i32
      %cond3A_199 = arith.constant 0 : i32
      %cond3A_200 = arith.cmpi ne, %convert_element_type3A_198, %cond3A_199 : i32
      scf.if %cond3A_200 {
        %mul3A_369 = arith.constant 32 : i32
        %mul3A_370 = arith.muli %add3A_195, %mul3A_369 : i32
        %add3A_371 = arith.addi %mul3A_370, %add3A : i32
        %mul3A_372 = arith.constant 256 : i32
        %mul3A_373 = arith.muli %add3A_371, %mul3A_372 : i32
        %multiple_of3A_374 = tpu.assume_multiple %mul3A_373, 256 : i32
        %dma_start3A_375 = arith.constant 0 : i32
        %dma_start3A_376 = arith.constant 0 : i32
        %dma_start3A_377 = tpu.memref_slice %arg8[%dma_start3A_375, %dma_start3A_376] : memref<16x256xf32, #tpu.memory_space<vmem>> -> memref<8x256xf32, #tpu.memory_space<vmem>>
        %dma_start3A_378 = arith.constant 0 : i32
        %dma_start3A_379 = tpu.memref_slice %arg2[%dma_start3A_378, %multiple_of3A_374] : memref<16x2600000xf32, #tpu.memory_space<hbm>> -> memref<8x256xf32, #tpu.memory_space<hbm>>
        %dma_start3A_380 = arith.constant 0 : i32
        %dma_start3A_381 = arith.constant 0 : i32
        %dma_start3A_382 = tpu.memref_slice %arg8[%dma_start3A_380, %dma_start3A_381] : memref<16x256xf32, #tpu.memory_space<vmem>> -> memref<8x256xf32, #tpu.memory_space<vmem>>
        %dma_start3A_383 = arith.constant 0 : i32
        %dma_start3A_384 = tpu.memref_slice %arg2[%dma_start3A_383, %multiple_of3A_374] : memref<16x2600000xf32, #tpu.memory_space<hbm>> -> memref<8x256xf32, #tpu.memory_space<hbm>>
        tpu.enqueue_dma source(%dma_start3A_384 : memref<8x256xf32, #tpu.memory_space<hbm>>) target(%dma_start3A_382 : memref<8x256xf32, #tpu.memory_space<vmem>>) target_semaphore(%arg16 : memref<!tpu.dma_semaphore, #tpu.memory_space<semaphore_mem>>)
        %dma_start3A_385 = arith.constant 8 : i32
        %dma_start3A_386 = arith.constant 0 : i32
        %dma_start3A_387 = tpu.memref_slice %arg8[%dma_start3A_385, %dma_start3A_386] : memref<16x256xf32, #tpu.memory_space<vmem>> -> memref<8x256xf32, #tpu.memory_space<vmem>>
        %dma_start3A_388 = arith.constant 8 : i32
        %dma_start3A_389 = tpu.memref_slice %arg2[%dma_start3A_388, %multiple_of3A_374] : memref<16x2600000xf32, #tpu.memory_space<hbm>> -> memref<8x256xf32, #tpu.memory_space<hbm>>
        %dma_start3A_390 = arith.constant 8 : i32
        %dma_start3A_391 = arith.constant 0 : i32
        %dma_start3A_392 = tpu.memref_slice %arg8[%dma_start3A_390, %dma_start3A_391] : memref<16x256xf32, #tpu.memory_space<vmem>> -> memref<8x256xf32, #tpu.memory_space<vmem>>
        %dma_start3A_393 = arith.constant 8 : i32
        %dma_start3A_394 = tpu.memref_slice %arg2[%dma_start3A_393, %multiple_of3A_374] : memref<16x2600000xf32, #tpu.memory_space<hbm>> -> memref<8x256xf32, #tpu.memory_space<hbm>>
        tpu.enqueue_dma source(%dma_start3A_394 : memref<8x256xf32, #tpu.memory_space<hbm>>) target(%dma_start3A_392 : memref<8x256xf32, #tpu.memory_space<vmem>>) target_semaphore(%arg16 : memref<!tpu.dma_semaphore, #tpu.memory_space<semaphore_mem>>)
      } else {
      }
      %ge3A = arith.constant 4 : i32
      %ge3A_201 = arith.cmpi sge, %add3A_169, %ge3A : i32
      %convert_element_type3A_202 = arith.extui %ge3A_201 : i1 to i32
      %cond3A_203 = arith.constant 0 : i32
      %cond3A_204 = arith.cmpi ne, %convert_element_type3A_202, %cond3A_203 : i32
      scf.if %cond3A_204 {
        %dma_wait3A_369 = arith.constant 0 : i32
        %dma_wait3A_370 = tpu.memref_slice %arg4[%dma_wait3A_369] : memref<41600000xf32, #tpu.memory_space<hbm>> -> memref<4096xf32, #tpu.memory_space<hbm>>
        %dma_wait3A_371 = arith.constant 0 : i32
        %dma_wait3A_372 = tpu.memref_slice %arg4[%dma_wait3A_371] : memref<41600000xf32, #tpu.memory_space<hbm>> -> memref<4096xf32, #tpu.memory_space<hbm>>
        tpu.wait_dma2 semaphore(%arg17 : memref<!tpu.dma_semaphore, #tpu.memory_space<semaphore_mem>>) src(%dma_wait3A_372 : memref<4096xf32, #tpu.memory_space<hbm>>) dst(%arg9 : memref<4096xf32, #tpu.memory_space<vmem>>)
      } else {
      }
      %parallel_loop3A_205 = arith.constant 0 : i32
      %parallel_loop3A_206 = arith.constant 256 : i32
      %parallel_loop3A_207 = arith.constant 16 : i32
      scf.for %parallel_loop3A_369 = %parallel_loop3A_205 to %parallel_loop3A_206 step %parallel_loop3A_207  : i32 {
        %parallel_loop3A_370 = tpu.assume_multiple %parallel_loop3A_369, 16 : i32
        %parallel_loop3A_371 = arith.constant 0 : i32
        %parallel_loop3A_372 = arith.index_cast %parallel_loop3A_371 : i32 to index
        %parallel_loop3A_373 = arith.index_cast %parallel_loop3A_370 : i32 to index
        %parallel_loop3A_374 = tpu.vector_load %arg5[%parallel_loop3A_372, %parallel_loop3A_373] {strides = array<i32>} : memref<16x256xf32, #tpu.memory_space<vmem>>, vector<16xf32>,
        %parallel_loop3A_375 = arith.constant 1 : i32
        %parallel_loop3A_376 = arith.index_cast %parallel_loop3A_375 : i32 to index
        %parallel_loop3A_377 = arith.index_cast %parallel_loop3A_370 : i32 to index
        %parallel_loop3A_378 = tpu.vector_load %arg5[%parallel_loop3A_376, %parallel_loop3A_377] {strides = array<i32>} : memref<16x256xf32, #tpu.memory_space<vmem>>, vector<16xf32>,
        %parallel_loop3A_379 = arith.constant 2 : i32
        %parallel_loop3A_380 = arith.index_cast %parallel_loop3A_379 : i32 to index
        %parallel_loop3A_381 = arith.index_cast %parallel_loop3A_370 : i32 to index
        %parallel_loop3A_382 = tpu.vector_load %arg5[%parallel_loop3A_380, %parallel_loop3A_381] {strides = array<i32>} : memref<16x256xf32, #tpu.memory_space<vmem>>, vector<16xf32>,
        %parallel_loop3A_383 = arith.constant 3 : i32
        %parallel_loop3A_384 = arith.index_cast %parallel_loop3A_383 : i32 to index
        %parallel_loop3A_385 = arith.index_cast %parallel_loop3A_370 : i32 to index
        %parallel_loop3A_386 = tpu.vector_load %arg5[%parallel_loop3A_384, %parallel_loop3A_385] {strides = array<i32>} : memref<16x256xf32, #tpu.memory_space<vmem>>, vector<16xf32>,
        %parallel_loop3A_387 = arith.constant 4 : i32
        %parallel_loop3A_388 = arith.index_cast %parallel_loop3A_387 : i32 to index
        %parallel_loop3A_389 = arith.index_cast %parallel_loop3A_370 : i32 to index
        %parallel_loop3A_390 = tpu.vector_load %arg5[%parallel_loop3A_388, %parallel_loop3A_389] {strides = array<i32>} : memref<16x256xf32, #tpu.memory_space<vmem>>, vector<16xf32>,
        %parallel_loop3A_391 = arith.constant 5 : i32
        %parallel_loop3A_392 = arith.index_cast %parallel_loop3A_391 : i32 to index
        %parallel_loop3A_393 = arith.index_cast %parallel_loop3A_370 : i32 to index
        %parallel_loop3A_394 = tpu.vector_load %arg5[%parallel_loop3A_392, %parallel_loop3A_393] {strides = array<i32>} : memref<16x256xf32, #tpu.memory_space<vmem>>, vector<16xf32>,
        %parallel_loop3A_395 = arith.constant 6 : i32
        %parallel_loop3A_396 = arith.index_cast %parallel_loop3A_395 : i32 to index
        %parallel_loop3A_397 = arith.index_cast %parallel_loop3A_370 : i32 to index
        %parallel_loop3A_398 = tpu.vector_load %arg5[%parallel_loop3A_396, %parallel_loop3A_397] {strides = array<i32>} : memref<16x256xf32, #tpu.memory_space<vmem>>, vector<16xf32>,
        %parallel_loop3A_399 = arith.constant 7 : i32
        %parallel_loop3A_400 = arith.index_cast %parallel_loop3A_399 : i32 to index
        %parallel_loop3A_401 = arith.index_cast %parallel_loop3A_370 : i32 to index
        %parallel_loop3A_402 = tpu.vector_load %arg5[%parallel_loop3A_400, %parallel_loop3A_401] {strides = array<i32>} : memref<16x256xf32, #tpu.memory_space<vmem>>, vector<16xf32>,
        %parallel_loop3A_403 = arith.constant 8 : i32
        %parallel_loop3A_404 = arith.index_cast %parallel_loop3A_403 : i32 to index
        %parallel_loop3A_405 = arith.index_cast %parallel_loop3A_370 : i32 to index
        %parallel_loop3A_406 = tpu.vector_load %arg5[%parallel_loop3A_404, %parallel_loop3A_405] {strides = array<i32>} : memref<16x256xf32, #tpu.memory_space<vmem>>, vector<16xf32>,
        %parallel_loop3A_407 = arith.constant 9 : i32
        %parallel_loop3A_408 = arith.index_cast %parallel_loop3A_407 : i32 to index
        %parallel_loop3A_409 = arith.index_cast %parallel_loop3A_370 : i32 to index
        %parallel_loop3A_410 = tpu.vector_load %arg5[%parallel_loop3A_408, %parallel_loop3A_409] {strides = array<i32>} : memref<16x256xf32, #tpu.memory_space<vmem>>, vector<16xf32>,
        %parallel_loop3A_411 = arith.constant 10 : i32
        %parallel_loop3A_412 = arith.index_cast %parallel_loop3A_411 : i32 to index
        %parallel_loop3A_413 = arith.index_cast %parallel_loop3A_370 : i32 to index
        %parallel_loop3A_414 = tpu.vector_load %arg5[%parallel_loop3A_412, %parallel_loop3A_413] {strides = array<i32>} : memref<16x256xf32, #tpu.memory_space<vmem>>, vector<16xf32>,
        %parallel_loop3A_415 = arith.constant 11 : i32
        %parallel_loop3A_416 = arith.index_cast %parallel_loop3A_415 : i32 to index
        %parallel_loop3A_417 = arith.index_cast %parallel_loop3A_370 : i32 to index
        %parallel_loop3A_418 = tpu.vector_load %arg5[%parallel_loop3A_416, %parallel_loop3A_417] {strides = array<i32>} : memref<16x256xf32, #tpu.memory_space<vmem>>, vector<16xf32>,
        %parallel_loop3A_419 = arith.constant 12 : i32
        %parallel_loop3A_420 = arith.index_cast %parallel_loop3A_419 : i32 to index
        %parallel_loop3A_421 = arith.index_cast %parallel_loop3A_370 : i32 to index
        %parallel_loop3A_422 = tpu.vector_load %arg5[%parallel_loop3A_420, %parallel_loop3A_421] {strides = array<i32>} : memref<16x256xf32, #tpu.memory_space<vmem>>, vector<16xf32>,
        %parallel_loop3A_423 = arith.constant 13 : i32
        %parallel_loop3A_424 = arith.index_cast %parallel_loop3A_423 : i32 to index
        %parallel_loop3A_425 = arith.index_cast %parallel_loop3A_370 : i32 to index
        %parallel_loop3A_426 = tpu.vector_load %arg5[%parallel_loop3A_424, %parallel_loop3A_425] {strides = array<i32>} : memref<16x256xf32, #tpu.memory_space<vmem>>, vector<16xf32>,
        %parallel_loop3A_427 = arith.constant 14 : i32
        %parallel_loop3A_428 = arith.index_cast %parallel_loop3A_427 : i32 to index
        %parallel_loop3A_429 = arith.index_cast %parallel_loop3A_370 : i32 to index
        %parallel_loop3A_430 = tpu.vector_load %arg5[%parallel_loop3A_428, %parallel_loop3A_429] {strides = array<i32>} : memref<16x256xf32, #tpu.memory_space<vmem>>, vector<16xf32>,
        %parallel_loop3A_431 = arith.constant 15 : i32
        %parallel_loop3A_432 = arith.index_cast %parallel_loop3A_431 : i32 to index
        %parallel_loop3A_433 = arith.index_cast %parallel_loop3A_370 : i32 to index
        %parallel_loop3A_434 = tpu.vector_load %arg5[%parallel_loop3A_432, %parallel_loop3A_433] {strides = array<i32>} : memref<16x256xf32, #tpu.memory_space<vmem>>, vector<16xf32>,
        %parallel_loop3A_435 = arith.constant 16 : i32
        %parallel_loop3A_436 = arith.muli %parallel_loop3A_370, %parallel_loop3A_435 : i32
        %parallel_loop3A_437 = arith.constant 0 : i32
        %parallel_loop3A_438 = arith.addi %parallel_loop3A_436, %parallel_loop3A_437 : i32
        %parallel_loop3A_439 = vector.broadcast %parallel_loop3A_438 : i32 to vector<16xi32>
        %parallel_loop3A_440 = arith.addi %mul3A_3, %parallel_loop3A_439 : vector<16xi32>
        tpu.vector_store_idx %arg9[%parallel_loop3A_440], %parallel_loop3A_374 : memref<4096xf32, #tpu.memory_space<vmem>>[vector<16xi32>], vector<16xf32>,
        %parallel_loop3A_441 = arith.constant 16 : i32
        %parallel_loop3A_442 = arith.muli %parallel_loop3A_370, %parallel_loop3A_441 : i32
        %parallel_loop3A_443 = arith.constant 1 : i32
        %parallel_loop3A_444 = arith.addi %parallel_loop3A_442, %parallel_loop3A_443 : i32
        %parallel_loop3A_445 = vector.broadcast %parallel_loop3A_444 : i32 to vector<16xi32>
        %parallel_loop3A_446 = arith.addi %mul3A_3, %parallel_loop3A_445 : vector<16xi32>
        tpu.vector_store_idx %arg9[%parallel_loop3A_446], %parallel_loop3A_378 : memref<4096xf32, #tpu.memory_space<vmem>>[vector<16xi32>], vector<16xf32>,
        %parallel_loop3A_447 = arith.constant 16 : i32
        %parallel_loop3A_448 = arith.muli %parallel_loop3A_370, %parallel_loop3A_447 : i32
        %parallel_loop3A_449 = arith.constant 2 : i32
        %parallel_loop3A_450 = arith.addi %parallel_loop3A_448, %parallel_loop3A_449 : i32
        %parallel_loop3A_451 = vector.broadcast %parallel_loop3A_450 : i32 to vector<16xi32>
        %parallel_loop3A_452 = arith.addi %mul3A_3, %parallel_loop3A_451 : vector<16xi32>
        tpu.vector_store_idx %arg9[%parallel_loop3A_452], %parallel_loop3A_382 : memref<4096xf32, #tpu.memory_space<vmem>>[vector<16xi32>], vector<16xf32>,
        %parallel_loop3A_453 = arith.constant 16 : i32
        %parallel_loop3A_454 = arith.muli %parallel_loop3A_370, %parallel_loop3A_453 : i32
        %parallel_loop3A_455 = arith.constant 3 : i32
        %parallel_loop3A_456 = arith.addi %parallel_loop3A_454, %parallel_loop3A_455 : i32
        %parallel_loop3A_457 = vector.broadcast %parallel_loop3A_456 : i32 to vector<16xi32>
        %parallel_loop3A_458 = arith.addi %mul3A_3, %parallel_loop3A_457 : vector<16xi32>
        tpu.vector_store_idx %arg9[%parallel_loop3A_458], %parallel_loop3A_386 : memref<4096xf32, #tpu.memory_space<vmem>>[vector<16xi32>], vector<16xf32>,
        %parallel_loop3A_459 = arith.constant 16 : i32
        %parallel_loop3A_460 = arith.muli %parallel_loop3A_370, %parallel_loop3A_459 : i32
        %parallel_loop3A_461 = arith.constant 4 : i32
        %parallel_loop3A_462 = arith.addi %parallel_loop3A_460, %parallel_loop3A_461 : i32
        %parallel_loop3A_463 = vector.broadcast %parallel_loop3A_462 : i32 to vector<16xi32>
        %parallel_loop3A_464 = arith.addi %mul3A_3, %parallel_loop3A_463 : vector<16xi32>
        tpu.vector_store_idx %arg9[%parallel_loop3A_464], %parallel_loop3A_390 : memref<4096xf32, #tpu.memory_space<vmem>>[vector<16xi32>], vector<16xf32>,
        %parallel_loop3A_465 = arith.constant 16 : i32
        %parallel_loop3A_466 = arith.muli %parallel_loop3A_370, %parallel_loop3A_465 : i32
        %parallel_loop3A_467 = arith.constant 5 : i32
        %parallel_loop3A_468 = arith.addi %parallel_loop3A_466, %parallel_loop3A_467 : i32
        %parallel_loop3A_469 = vector.broadcast %parallel_loop3A_468 : i32 to vector<16xi32>
        %parallel_loop3A_470 = arith.addi %mul3A_3, %parallel_loop3A_469 : vector<16xi32>
        tpu.vector_store_idx %arg9[%parallel_loop3A_470], %parallel_loop3A_394 : memref<4096xf32, #tpu.memory_space<vmem>>[vector<16xi32>], vector<16xf32>,
        %parallel_loop3A_471 = arith.constant 16 : i32
        %parallel_loop3A_472 = arith.muli %parallel_loop3A_370, %parallel_loop3A_471 : i32
        %parallel_loop3A_473 = arith.constant 6 : i32
        %parallel_loop3A_474 = arith.addi %parallel_loop3A_472, %parallel_loop3A_473 : i32
        %parallel_loop3A_475 = vector.broadcast %parallel_loop3A_474 : i32 to vector<16xi32>
        %parallel_loop3A_476 = arith.addi %mul3A_3, %parallel_loop3A_475 : vector<16xi32>
        tpu.vector_store_idx %arg9[%parallel_loop3A_476], %parallel_loop3A_398 : memref<4096xf32, #tpu.memory_space<vmem>>[vector<16xi32>], vector<16xf32>,
        %parallel_loop3A_477 = arith.constant 16 : i32
        %parallel_loop3A_478 = arith.muli %parallel_loop3A_370, %parallel_loop3A_477 : i32
        %parallel_loop3A_479 = arith.constant 7 : i32
        %parallel_loop3A_480 = arith.addi %parallel_loop3A_478, %parallel_loop3A_479 : i32
        %parallel_loop3A_481 = vector.broadcast %parallel_loop3A_480 : i32 to vector<16xi32>
        %parallel_loop3A_482 = arith.addi %mul3A_3, %parallel_loop3A_481 : vector<16xi32>
        tpu.vector_store_idx %arg9[%parallel_loop3A_482], %parallel_loop3A_402 : memref<4096xf32, #tpu.memory_space<vmem>>[vector<16xi32>], vector<16xf32>,
        %parallel_loop3A_483 = arith.constant 16 : i32
        %parallel_loop3A_484 = arith.muli %parallel_loop3A_370, %parallel_loop3A_483 : i32
        %parallel_loop3A_485 = arith.constant 8 : i32
        %parallel_loop3A_486 = arith.addi %parallel_loop3A_484, %parallel_loop3A_485 : i32
        %parallel_loop3A_487 = vector.broadcast %parallel_loop3A_486 : i32 to vector<16xi32>
        %parallel_loop3A_488 = arith.addi %mul3A_3, %parallel_loop3A_487 : vector<16xi32>
        tpu.vector_store_idx %arg9[%parallel_loop3A_488], %parallel_loop3A_406 : memref<4096xf32, #tpu.memory_space<vmem>>[vector<16xi32>], vector<16xf32>,
        %parallel_loop3A_489 = arith.constant 16 : i32
        %parallel_loop3A_490 = arith.muli %parallel_loop3A_370, %parallel_loop3A_489 : i32
        %parallel_loop3A_491 = arith.constant 9 : i32
        %parallel_loop3A_492 = arith.addi %parallel_loop3A_490, %parallel_loop3A_491 : i32
        %parallel_loop3A_493 = vector.broadcast %parallel_loop3A_492 : i32 to vector<16xi32>
        %parallel_loop3A_494 = arith.addi %mul3A_3, %parallel_loop3A_493 : vector<16xi32>
        tpu.vector_store_idx %arg9[%parallel_loop3A_494], %parallel_loop3A_410 : memref<4096xf32, #tpu.memory_space<vmem>>[vector<16xi32>], vector<16xf32>,
        %parallel_loop3A_495 = arith.constant 16 : i32
        %parallel_loop3A_496 = arith.muli %parallel_loop3A_370, %parallel_loop3A_495 : i32
        %parallel_loop3A_497 = arith.constant 10 : i32
        %parallel_loop3A_498 = arith.addi %parallel_loop3A_496, %parallel_loop3A_497 : i32
        %parallel_loop3A_499 = vector.broadcast %parallel_loop3A_498 : i32 to vector<16xi32>
        %parallel_loop3A_500 = arith.addi %mul3A_3, %parallel_loop3A_499 : vector<16xi32>
        tpu.vector_store_idx %arg9[%parallel_loop3A_500], %parallel_loop3A_414 : memref<4096xf32, #tpu.memory_space<vmem>>[vector<16xi32>], vector<16xf32>,
        %parallel_loop3A_501 = arith.constant 16 : i32
        %parallel_loop3A_502 = arith.muli %parallel_loop3A_370, %parallel_loop3A_501 : i32
        %parallel_loop3A_503 = arith.constant 11 : i32
        %parallel_loop3A_504 = arith.addi %parallel_loop3A_502, %parallel_loop3A_503 : i32
        %parallel_loop3A_505 = vector.broadcast %parallel_loop3A_504 : i32 to vector<16xi32>
        %parallel_loop3A_506 = arith.addi %mul3A_3, %parallel_loop3A_505 : vector<16xi32>
        tpu.vector_store_idx %arg9[%parallel_loop3A_506], %parallel_loop3A_418 : memref<4096xf32, #tpu.memory_space<vmem>>[vector<16xi32>], vector<16xf32>,
        %parallel_loop3A_507 = arith.constant 16 : i32
        %parallel_loop3A_508 = arith.muli %parallel_loop3A_370, %parallel_loop3A_507 : i32
        %parallel_loop3A_509 = arith.constant 12 : i32
        %parallel_loop3A_510 = arith.addi %parallel_loop3A_508, %parallel_loop3A_509 : i32
        %parallel_loop3A_511 = vector.broadcast %parallel_loop3A_510 : i32 to vector<16xi32>
        %parallel_loop3A_512 = arith.addi %mul3A_3, %parallel_loop3A_511 : vector<16xi32>
        tpu.vector_store_idx %arg9[%parallel_loop3A_512], %parallel_loop3A_422 : memref<4096xf32, #tpu.memory_space<vmem>>[vector<16xi32>], vector<16xf32>,
        %parallel_loop3A_513 = arith.constant 16 : i32
        %parallel_loop3A_514 = arith.muli %parallel_loop3A_370, %parallel_loop3A_513 : i32
        %parallel_loop3A_515 = arith.constant 13 : i32
        %parallel_loop3A_516 = arith.addi %parallel_loop3A_514, %parallel_loop3A_515 : i32
        %parallel_loop3A_517 = vector.broadcast %parallel_loop3A_516 : i32 to vector<16xi32>
        %parallel_loop3A_518 = arith.addi %mul3A_3, %parallel_loop3A_517 : vector<16xi32>
        tpu.vector_store_idx %arg9[%parallel_loop3A_518], %parallel_loop3A_426 : memref<4096xf32, #tpu.memory_space<vmem>>[vector<16xi32>], vector<16xf32>,
        %parallel_loop3A_519 = arith.constant 16 : i32
        %parallel_loop3A_520 = arith.muli %parallel_loop3A_370, %parallel_loop3A_519 : i32
        %parallel_loop3A_521 = arith.constant 14 : i32
        %parallel_loop3A_522 = arith.addi %parallel_loop3A_520, %parallel_loop3A_521 : i32
        %parallel_loop3A_523 = vector.broadcast %parallel_loop3A_522 : i32 to vector<16xi32>
        %parallel_loop3A_524 = arith.addi %mul3A_3, %parallel_loop3A_523 : vector<16xi32>
        tpu.vector_store_idx %arg9[%parallel_loop3A_524], %parallel_loop3A_430 : memref<4096xf32, #tpu.memory_space<vmem>>[vector<16xi32>], vector<16xf32>,
        %parallel_loop3A_525 = arith.constant 16 : i32
        %parallel_loop3A_526 = arith.muli %parallel_loop3A_370, %parallel_loop3A_525 : i32
        %parallel_loop3A_527 = arith.constant 15 : i32
        %parallel_loop3A_528 = arith.addi %parallel_loop3A_526, %parallel_loop3A_527 : i32
        %parallel_loop3A_529 = vector.broadcast %parallel_loop3A_528 : i32 to vector<16xi32>
        %parallel_loop3A_530 = arith.addi %mul3A_3, %parallel_loop3A_529 : vector<16xi32>
        tpu.vector_store_idx %arg9[%parallel_loop3A_530], %parallel_loop3A_434 : memref<4096xf32, #tpu.memory_space<vmem>>[vector<16xi32>], vector<16xf32>,
      } {sc.loop_unroll_factor = 4 : i64, sc.parallel_access}
      %mul3A_208 = arith.constant 32 : i32
      %mul3A_209 = arith.muli %add3A_169, %mul3A_208 : i32
      %add3A_210 = arith.addi %mul3A_209, %add3A : i32
      %mul3A_211 = arith.constant 4096 : i32
      %mul3A_212 = arith.muli %add3A_210, %mul3A_211 : i32
      %multiple_of3A_213 = tpu.assume_multiple %mul3A_212, 4096 : i32
      %dma_start3A_214 = tpu.memref_slice %arg4[%multiple_of3A_213] : memref<41600000xf32, #tpu.memory_space<hbm>> -> memref<4096xf32, #tpu.memory_space<hbm>>
      %dma_start3A_215 = tpu.memref_slice %arg4[%multiple_of3A_213] : memref<41600000xf32, #tpu.memory_space<hbm>> -> memref<4096xf32, #tpu.memory_space<hbm>>
      tpu.enqueue_dma source(%arg9 : memref<4096xf32, #tpu.memory_space<vmem>>) target(%dma_start3A_215 : memref<4096xf32, #tpu.memory_space<hbm>>) target_semaphore(%arg17 : memref<!tpu.dma_semaphore, #tpu.memory_space<semaphore_mem>>)
      %mul3A_216 = arith.constant 4 : i32
      %mul3A_217 = arith.muli %scan3A_165, %mul3A_216 : i32
      %add3A_218 = arith.constant 1 : i32
      %add3A_219 = arith.addi %mul3A_217, %add3A_218 : i32
      %dma_wait3A_220 = arith.constant 0 : i32
      %dma_wait3A_221 = arith.constant 0 : i32
      %dma_wait3A_222 = tpu.memref_slice %arg6[%dma_wait3A_220, %dma_wait3A_221] : memref<16x256xf32, #tpu.memory_space<vmem>> -> memref<8x256xf32, #tpu.memory_space<vmem>>
      %dma_wait3A_223 = arith.constant 0 : i32
      %dma_wait3A_224 = arith.constant 0 : i32
      %dma_wait3A_225 = tpu.memref_slice %arg2[%dma_wait3A_223, %dma_wait3A_224] : memref<16x2600000xf32, #tpu.memory_space<hbm>> -> memref<8x256xf32, #tpu.memory_space<hbm>>
      %dma_wait3A_226 = arith.constant 0 : i32
      %dma_wait3A_227 = arith.constant 0 : i32
      %dma_wait3A_228 = tpu.memref_slice %arg6[%dma_wait3A_226, %dma_wait3A_227] : memref<16x256xf32, #tpu.memory_space<vmem>> -> memref<8x256xf32, #tpu.memory_space<vmem>>
      %dma_wait3A_229 = arith.constant 0 : i32
      %dma_wait3A_230 = arith.constant 0 : i32
      %dma_wait3A_231 = tpu.memref_slice %arg2[%dma_wait3A_229, %dma_wait3A_230] : memref<16x2600000xf32, #tpu.memory_space<hbm>> -> memref<8x256xf32, #tpu.memory_space<hbm>>
      tpu.wait_dma2 semaphore(%arg14 : memref<!tpu.dma_semaphore, #tpu.memory_space<semaphore_mem>>) src(%dma_wait3A_231 : memref<8x256xf32, #tpu.memory_space<hbm>>) dst(%dma_wait3A_228 : memref<8x256xf32, #tpu.memory_space<vmem>>)
      %dma_wait3A_232 = arith.constant 8 : i32
      %dma_wait3A_233 = arith.constant 0 : i32
      %dma_wait3A_234 = tpu.memref_slice %arg6[%dma_wait3A_232, %dma_wait3A_233] : memref<16x256xf32, #tpu.memory_space<vmem>> -> memref<8x256xf32, #tpu.memory_space<vmem>>
      %dma_wait3A_235 = arith.constant 0 : i32
      %dma_wait3A_236 = arith.constant 0 : i32
      %dma_wait3A_237 = tpu.memref_slice %arg2[%dma_wait3A_235, %dma_wait3A_236] : memref<16x2600000xf32, #tpu.memory_space<hbm>> -> memref<8x256xf32, #tpu.memory_space<hbm>>
      %dma_wait3A_238 = arith.constant 8 : i32
      %dma_wait3A_239 = arith.constant 0 : i32
      %dma_wait3A_240 = tpu.memref_slice %arg6[%dma_wait3A_238, %dma_wait3A_239] : memref<16x256xf32, #tpu.memory_space<vmem>> -> memref<8x256xf32, #tpu.memory_space<vmem>>
      %dma_wait3A_241 = arith.constant 0 : i32
      %dma_wait3A_242 = arith.constant 0 : i32
      %dma_wait3A_243 = tpu.memref_slice %arg2[%dma_wait3A_241, %dma_wait3A_242] : memref<16x2600000xf32, #tpu.memory_space<hbm>> -> memref<8x256xf32, #tpu.memory_space<hbm>>
      tpu.wait_dma2 semaphore(%arg14 : memref<!tpu.dma_semaphore, #tpu.memory_space<semaphore_mem>>) src(%dma_wait3A_243 : memref<8x256xf32, #tpu.memory_space<hbm>>) dst(%dma_wait3A_240 : memref<8x256xf32, #tpu.memory_space<vmem>>)
      %add3A_244 = arith.constant 3 : i32
      %add3A_245 = arith.addi %add3A_219, %add3A_244 : i32
      %lt3A_246 = arith.constant 316 : i32
      %lt3A_247 = arith.cmpi slt, %add3A_245, %lt3A_246 : i32
      %convert_element_type3A_248 = arith.extui %lt3A_247 : i1 to i32
      %cond3A_249 = arith.constant 0 : i32
      %cond3A_250 = arith.cmpi ne, %convert_element_type3A_248, %cond3A_249 : i32
      scf.if %cond3A_250 {
        %mul3A_369 = arith.constant 32 : i32
        %mul3A_370 = arith.muli %add3A_245, %mul3A_369 : i32
        %add3A_371 = arith.addi %mul3A_370, %add3A : i32
        %mul3A_372 = arith.constant 256 : i32
        %mul3A_373 = arith.muli %add3A_371, %mul3A_372 : i32
        %multiple_of3A_374 = tpu.assume_multiple %mul3A_373, 256 : i32
        %dma_start3A_375 = arith.constant 0 : i32
        %dma_start3A_376 = arith.constant 0 : i32
        %dma_start3A_377 = tpu.memref_slice %arg5[%dma_start3A_375, %dma_start3A_376] : memref<16x256xf32, #tpu.memory_space<vmem>> -> memref<8x256xf32, #tpu.memory_space<vmem>>
        %dma_start3A_378 = arith.constant 0 : i32
        %dma_start3A_379 = tpu.memref_slice %arg2[%dma_start3A_378, %multiple_of3A_374] : memref<16x2600000xf32, #tpu.memory_space<hbm>> -> memref<8x256xf32, #tpu.memory_space<hbm>>
        %dma_start3A_380 = arith.constant 0 : i32
        %dma_start3A_381 = arith.constant 0 : i32
        %dma_start3A_382 = tpu.memref_slice %arg5[%dma_start3A_380, %dma_start3A_381] : memref<16x256xf32, #tpu.memory_space<vmem>> -> memref<8x256xf32, #tpu.memory_space<vmem>>
        %dma_start3A_383 = arith.constant 0 : i32
        %dma_start3A_384 = tpu.memref_slice %arg2[%dma_start3A_383, %multiple_of3A_374] : memref<16x2600000xf32, #tpu.memory_space<hbm>> -> memref<8x256xf32, #tpu.memory_space<hbm>>
        tpu.enqueue_dma source(%dma_start3A_384 : memref<8x256xf32, #tpu.memory_space<hbm>>) target(%dma_start3A_382 : memref<8x256xf32, #tpu.memory_space<vmem>>) target_semaphore(%arg13 : memref<!tpu.dma_semaphore, #tpu.memory_space<semaphore_mem>>)
        %dma_start3A_385 = arith.constant 8 : i32
        %dma_start3A_386 = arith.constant 0 : i32
        %dma_start3A_387 = tpu.memref_slice %arg5[%dma_start3A_385, %dma_start3A_386] : memref<16x256xf32, #tpu.memory_space<vmem>> -> memref<8x256xf32, #tpu.memory_space<vmem>>
        %dma_start3A_388 = arith.constant 8 : i32
        %dma_start3A_389 = tpu.memref_slice %arg2[%dma_start3A_388, %multiple_of3A_374] : memref<16x2600000xf32, #tpu.memory_space<hbm>> -> memref<8x256xf32, #tpu.memory_space<hbm>>
        %dma_start3A_390 = arith.constant 8 : i32
        %dma_start3A_391 = arith.constant 0 : i32
        %dma_start3A_392 = tpu.memref_slice %arg5[%dma_start3A_390, %dma_start3A_391] : memref<16x256xf32, #tpu.memory_space<vmem>> -> memref<8x256xf32, #tpu.memory_space<vmem>>
        %dma_start3A_393 = arith.constant 8 : i32
        %dma_start3A_394 = tpu.memref_slice %arg2[%dma_start3A_393, %multiple_of3A_374] : memref<16x2600000xf32, #tpu.memory_space<hbm>> -> memref<8x256xf32, #tpu.memory_space<hbm>>
        tpu.enqueue_dma source(%dma_start3A_394 : memref<8x256xf32, #tpu.memory_space<hbm>>) target(%dma_start3A_392 : memref<8x256xf32, #tpu.memory_space<vmem>>) target_semaphore(%arg13 : memref<!tpu.dma_semaphore, #tpu.memory_space<semaphore_mem>>)
      } else {
      }
      %ge3A_251 = arith.constant 4 : i32
      %ge3A_252 = arith.cmpi sge, %add3A_219, %ge3A_251 : i32
      %convert_element_type3A_253 = arith.extui %ge3A_252 : i1 to i32
      %cond3A_254 = arith.constant 0 : i32
      %cond3A_255 = arith.cmpi ne, %convert_element_type3A_253, %cond3A_254 : i32
      scf.if %cond3A_255 {
        %dma_wait3A_369 = arith.constant 0 : i32
        %dma_wait3A_370 = tpu.memref_slice %arg4[%dma_wait3A_369] : memref<41600000xf32, #tpu.memory_space<hbm>> -> memref<4096xf32, #tpu.memory_space<hbm>>
        %dma_wait3A_371 = arith.constant 0 : i32
        %dma_wait3A_372 = tpu.memref_slice %arg4[%dma_wait3A_371] : memref<41600000xf32, #tpu.memory_space<hbm>> -> memref<4096xf32, #tpu.memory_space<hbm>>
        tpu.wait_dma2 semaphore(%arg18 : memref<!tpu.dma_semaphore, #tpu.memory_space<semaphore_mem>>) src(%dma_wait3A_372 : memref<4096xf32, #tpu.memory_space<hbm>>) dst(%arg10 : memref<4096xf32, #tpu.memory_space<vmem>>)
      } else {
      }
      %parallel_loop3A_256 = arith.constant 0 : i32
      %parallel_loop3A_257 = arith.constant 256 : i32
      %parallel_loop3A_258 = arith.constant 16 : i32
      scf.for %parallel_loop3A_369 = %parallel_loop3A_256 to %parallel_loop3A_257 step %parallel_loop3A_258  : i32 {
        %parallel_loop3A_370 = tpu.assume_multiple %parallel_loop3A_369, 16 : i32
        %parallel_loop3A_371 = arith.constant 0 : i32
        %parallel_loop3A_372 = arith.index_cast %parallel_loop3A_371 : i32 to index
        %parallel_loop3A_373 = arith.index_cast %parallel_loop3A_370 : i32 to index
        %parallel_loop3A_374 = tpu.vector_load %arg6[%parallel_loop3A_372, %parallel_loop3A_373] {strides = array<i32>} : memref<16x256xf32, #tpu.memory_space<vmem>>, vector<16xf32>,
        %parallel_loop3A_375 = arith.constant 1 : i32
        %parallel_loop3A_376 = arith.index_cast %parallel_loop3A_375 : i32 to index
        %parallel_loop3A_377 = arith.index_cast %parallel_loop3A_370 : i32 to index
        %parallel_loop3A_378 = tpu.vector_load %arg6[%parallel_loop3A_376, %parallel_loop3A_377] {strides = array<i32>} : memref<16x256xf32, #tpu.memory_space<vmem>>, vector<16xf32>,
        %parallel_loop3A_379 = arith.constant 2 : i32
        %parallel_loop3A_380 = arith.index_cast %parallel_loop3A_379 : i32 to index
        %parallel_loop3A_381 = arith.index_cast %parallel_loop3A_370 : i32 to index
        %parallel_loop3A_382 = tpu.vector_load %arg6[%parallel_loop3A_380, %parallel_loop3A_381] {strides = array<i32>} : memref<16x256xf32, #tpu.memory_space<vmem>>, vector<16xf32>,
        %parallel_loop3A_383 = arith.constant 3 : i32
        %parallel_loop3A_384 = arith.index_cast %parallel_loop3A_383 : i32 to index
        %parallel_loop3A_385 = arith.index_cast %parallel_loop3A_370 : i32 to index
        %parallel_loop3A_386 = tpu.vector_load %arg6[%parallel_loop3A_384, %parallel_loop3A_385] {strides = array<i32>} : memref<16x256xf32, #tpu.memory_space<vmem>>, vector<16xf32>,
        %parallel_loop3A_387 = arith.constant 4 : i32
        %parallel_loop3A_388 = arith.index_cast %parallel_loop3A_387 : i32 to index
        %parallel_loop3A_389 = arith.index_cast %parallel_loop3A_370 : i32 to index
        %parallel_loop3A_390 = tpu.vector_load %arg6[%parallel_loop3A_388, %parallel_loop3A_389] {strides = array<i32>} : memref<16x256xf32, #tpu.memory_space<vmem>>, vector<16xf32>,
        %parallel_loop3A_391 = arith.constant 5 : i32
        %parallel_loop3A_392 = arith.index_cast %parallel_loop3A_391 : i32 to index
        %parallel_loop3A_393 = arith.index_cast %parallel_loop3A_370 : i32 to index
        %parallel_loop3A_394 = tpu.vector_load %arg6[%parallel_loop3A_392, %parallel_loop3A_393] {strides = array<i32>} : memref<16x256xf32, #tpu.memory_space<vmem>>, vector<16xf32>,
        %parallel_loop3A_395 = arith.constant 6 : i32
        %parallel_loop3A_396 = arith.index_cast %parallel_loop3A_395 : i32 to index
        %parallel_loop3A_397 = arith.index_cast %parallel_loop3A_370 : i32 to index
        %parallel_loop3A_398 = tpu.vector_load %arg6[%parallel_loop3A_396, %parallel_loop3A_397] {strides = array<i32>} : memref<16x256xf32, #tpu.memory_space<vmem>>, vector<16xf32>,
        %parallel_loop3A_399 = arith.constant 7 : i32
        %parallel_loop3A_400 = arith.index_cast %parallel_loop3A_399 : i32 to index
        %parallel_loop3A_401 = arith.index_cast %parallel_loop3A_370 : i32 to index
        %parallel_loop3A_402 = tpu.vector_load %arg6[%parallel_loop3A_400, %parallel_loop3A_401] {strides = array<i32>} : memref<16x256xf32, #tpu.memory_space<vmem>>, vector<16xf32>,
        %parallel_loop3A_403 = arith.constant 8 : i32
        %parallel_loop3A_404 = arith.index_cast %parallel_loop3A_403 : i32 to index
        %parallel_loop3A_405 = arith.index_cast %parallel_loop3A_370 : i32 to index
        %parallel_loop3A_406 = tpu.vector_load %arg6[%parallel_loop3A_404, %parallel_loop3A_405] {strides = array<i32>} : memref<16x256xf32, #tpu.memory_space<vmem>>, vector<16xf32>,
        %parallel_loop3A_407 = arith.constant 9 : i32
        %parallel_loop3A_408 = arith.index_cast %parallel_loop3A_407 : i32 to index
        %parallel_loop3A_409 = arith.index_cast %parallel_loop3A_370 : i32 to index
        %parallel_loop3A_410 = tpu.vector_load %arg6[%parallel_loop3A_408, %parallel_loop3A_409] {strides = array<i32>} : memref<16x256xf32, #tpu.memory_space<vmem>>, vector<16xf32>,
        %parallel_loop3A_411 = arith.constant 10 : i32
        %parallel_loop3A_412 = arith.index_cast %parallel_loop3A_411 : i32 to index
        %parallel_loop3A_413 = arith.index_cast %parallel_loop3A_370 : i32 to index
        %parallel_loop3A_414 = tpu.vector_load %arg6[%parallel_loop3A_412, %parallel_loop3A_413] {strides = array<i32>} : memref<16x256xf32, #tpu.memory_space<vmem>>, vector<16xf32>,
        %parallel_loop3A_415 = arith.constant 11 : i32
        %parallel_loop3A_416 = arith.index_cast %parallel_loop3A_415 : i32 to index
        %parallel_loop3A_417 = arith.index_cast %parallel_loop3A_370 : i32 to index
        %parallel_loop3A_418 = tpu.vector_load %arg6[%parallel_loop3A_416, %parallel_loop3A_417] {strides = array<i32>} : memref<16x256xf32, #tpu.memory_space<vmem>>, vector<16xf32>,
        %parallel_loop3A_419 = arith.constant 12 : i32
        %parallel_loop3A_420 = arith.index_cast %parallel_loop3A_419 : i32 to index
        %parallel_loop3A_421 = arith.index_cast %parallel_loop3A_370 : i32 to index
        %parallel_loop3A_422 = tpu.vector_load %arg6[%parallel_loop3A_420, %parallel_loop3A_421] {strides = array<i32>} : memref<16x256xf32, #tpu.memory_space<vmem>>, vector<16xf32>,
        %parallel_loop3A_423 = arith.constant 13 : i32
        %parallel_loop3A_424 = arith.index_cast %parallel_loop3A_423 : i32 to index
        %parallel_loop3A_425 = arith.index_cast %parallel_loop3A_370 : i32 to index
        %parallel_loop3A_426 = tpu.vector_load %arg6[%parallel_loop3A_424, %parallel_loop3A_425] {strides = array<i32>} : memref<16x256xf32, #tpu.memory_space<vmem>>, vector<16xf32>,
        %parallel_loop3A_427 = arith.constant 14 : i32
        %parallel_loop3A_428 = arith.index_cast %parallel_loop3A_427 : i32 to index
        %parallel_loop3A_429 = arith.index_cast %parallel_loop3A_370 : i32 to index
        %parallel_loop3A_430 = tpu.vector_load %arg6[%parallel_loop3A_428, %parallel_loop3A_429] {strides = array<i32>} : memref<16x256xf32, #tpu.memory_space<vmem>>, vector<16xf32>,
        %parallel_loop3A_431 = arith.constant 15 : i32
        %parallel_loop3A_432 = arith.index_cast %parallel_loop3A_431 : i32 to index
        %parallel_loop3A_433 = arith.index_cast %parallel_loop3A_370 : i32 to index
        %parallel_loop3A_434 = tpu.vector_load %arg6[%parallel_loop3A_432, %parallel_loop3A_433] {strides = array<i32>} : memref<16x256xf32, #tpu.memory_space<vmem>>, vector<16xf32>,
        %parallel_loop3A_435 = arith.constant 16 : i32
        %parallel_loop3A_436 = arith.muli %parallel_loop3A_370, %parallel_loop3A_435 : i32
        %parallel_loop3A_437 = arith.constant 0 : i32
        %parallel_loop3A_438 = arith.addi %parallel_loop3A_436, %parallel_loop3A_437 : i32
        %parallel_loop3A_439 = vector.broadcast %parallel_loop3A_438 : i32 to vector<16xi32>
        %parallel_loop3A_440 = arith.addi %mul3A_3, %parallel_loop3A_439 : vector<16xi32>
        tpu.vector_store_idx %arg10[%parallel_loop3A_440], %parallel_loop3A_374 : memref<4096xf32, #tpu.memory_space<vmem>>[vector<16xi32>], vector<16xf32>,
        %parallel_loop3A_441 = arith.constant 16 : i32
        %parallel_loop3A_442 = arith.muli %parallel_loop3A_370, %parallel_loop3A_441 : i32
        %parallel_loop3A_443 = arith.constant 1 : i32
        %parallel_loop3A_444 = arith.addi %parallel_loop3A_442, %parallel_loop3A_443 : i32
        %parallel_loop3A_445 = vector.broadcast %parallel_loop3A_444 : i32 to vector<16xi32>
        %parallel_loop3A_446 = arith.addi %mul3A_3, %parallel_loop3A_445 : vector<16xi32>
        tpu.vector_store_idx %arg10[%parallel_loop3A_446], %parallel_loop3A_378 : memref<4096xf32, #tpu.memory_space<vmem>>[vector<16xi32>], vector<16xf32>,
        %parallel_loop3A_447 = arith.constant 16 : i32
        %parallel_loop3A_448 = arith.muli %parallel_loop3A_370, %parallel_loop3A_447 : i32
        %parallel_loop3A_449 = arith.constant 2 : i32
        %parallel_loop3A_450 = arith.addi %parallel_loop3A_448, %parallel_loop3A_449 : i32
        %parallel_loop3A_451 = vector.broadcast %parallel_loop3A_450 : i32 to vector<16xi32>
        %parallel_loop3A_452 = arith.addi %mul3A_3, %parallel_loop3A_451 : vector<16xi32>
        tpu.vector_store_idx %arg10[%parallel_loop3A_452], %parallel_loop3A_382 : memref<4096xf32, #tpu.memory_space<vmem>>[vector<16xi32>], vector<16xf32>,
        %parallel_loop3A_453 = arith.constant 16 : i32
        %parallel_loop3A_454 = arith.muli %parallel_loop3A_370, %parallel_loop3A_453 : i32
        %parallel_loop3A_455 = arith.constant 3 : i32
        %parallel_loop3A_456 = arith.addi %parallel_loop3A_454, %parallel_loop3A_455 : i32
        %parallel_loop3A_457 = vector.broadcast %parallel_loop3A_456 : i32 to vector<16xi32>
        %parallel_loop3A_458 = arith.addi %mul3A_3, %parallel_loop3A_457 : vector<16xi32>
        tpu.vector_store_idx %arg10[%parallel_loop3A_458], %parallel_loop3A_386 : memref<4096xf32, #tpu.memory_space<vmem>>[vector<16xi32>], vector<16xf32>,
        %parallel_loop3A_459 = arith.constant 16 : i32
        %parallel_loop3A_460 = arith.muli %parallel_loop3A_370, %parallel_loop3A_459 : i32
        %parallel_loop3A_461 = arith.constant 4 : i32
        %parallel_loop3A_462 = arith.addi %parallel_loop3A_460, %parallel_loop3A_461 : i32
        %parallel_loop3A_463 = vector.broadcast %parallel_loop3A_462 : i32 to vector<16xi32>
        %parallel_loop3A_464 = arith.addi %mul3A_3, %parallel_loop3A_463 : vector<16xi32>
        tpu.vector_store_idx %arg10[%parallel_loop3A_464], %parallel_loop3A_390 : memref<4096xf32, #tpu.memory_space<vmem>>[vector<16xi32>], vector<16xf32>,
        %parallel_loop3A_465 = arith.constant 16 : i32
        %parallel_loop3A_466 = arith.muli %parallel_loop3A_370, %parallel_loop3A_465 : i32
        %parallel_loop3A_467 = arith.constant 5 : i32
        %parallel_loop3A_468 = arith.addi %parallel_loop3A_466, %parallel_loop3A_467 : i32
        %parallel_loop3A_469 = vector.broadcast %parallel_loop3A_468 : i32 to vector<16xi32>
        %parallel_loop3A_470 = arith.addi %mul3A_3, %parallel_loop3A_469 : vector<16xi32>
        tpu.vector_store_idx %arg10[%parallel_loop3A_470], %parallel_loop3A_394 : memref<4096xf32, #tpu.memory_space<vmem>>[vector<16xi32>], vector<16xf32>,
        %parallel_loop3A_471 = arith.constant 16 : i32
        %parallel_loop3A_472 = arith.muli %parallel_loop3A_370, %parallel_loop3A_471 : i32
        %parallel_loop3A_473 = arith.constant 6 : i32
        %parallel_loop3A_474 = arith.addi %parallel_loop3A_472, %parallel_loop3A_473 : i32
        %parallel_loop3A_475 = vector.broadcast %parallel_loop3A_474 : i32 to vector<16xi32>
        %parallel_loop3A_476 = arith.addi %mul3A_3, %parallel_loop3A_475 : vector<16xi32>
        tpu.vector_store_idx %arg10[%parallel_loop3A_476], %parallel_loop3A_398 : memref<4096xf32, #tpu.memory_space<vmem>>[vector<16xi32>], vector<16xf32>,
        %parallel_loop3A_477 = arith.constant 16 : i32
        %parallel_loop3A_478 = arith.muli %parallel_loop3A_370, %parallel_loop3A_477 : i32
        %parallel_loop3A_479 = arith.constant 7 : i32
        %parallel_loop3A_480 = arith.addi %parallel_loop3A_478, %parallel_loop3A_479 : i32
        %parallel_loop3A_481 = vector.broadcast %parallel_loop3A_480 : i32 to vector<16xi32>
        %parallel_loop3A_482 = arith.addi %mul3A_3, %parallel_loop3A_481 : vector<16xi32>
        tpu.vector_store_idx %arg10[%parallel_loop3A_482], %parallel_loop3A_402 : memref<4096xf32, #tpu.memory_space<vmem>>[vector<16xi32>], vector<16xf32>,
        %parallel_loop3A_483 = arith.constant 16 : i32
        %parallel_loop3A_484 = arith.muli %parallel_loop3A_370, %parallel_loop3A_483 : i32
        %parallel_loop3A_485 = arith.constant 8 : i32
        %parallel_loop3A_486 = arith.addi %parallel_loop3A_484, %parallel_loop3A_485 : i32
        %parallel_loop3A_487 = vector.broadcast %parallel_loop3A_486 : i32 to vector<16xi32>
        %parallel_loop3A_488 = arith.addi %mul3A_3, %parallel_loop3A_487 : vector<16xi32>
        tpu.vector_store_idx %arg10[%parallel_loop3A_488], %parallel_loop3A_406 : memref<4096xf32, #tpu.memory_space<vmem>>[vector<16xi32>], vector<16xf32>,
        %parallel_loop3A_489 = arith.constant 16 : i32
        %parallel_loop3A_490 = arith.muli %parallel_loop3A_370, %parallel_loop3A_489 : i32
        %parallel_loop3A_491 = arith.constant 9 : i32
        %parallel_loop3A_492 = arith.addi %parallel_loop3A_490, %parallel_loop3A_491 : i32
        %parallel_loop3A_493 = vector.broadcast %parallel_loop3A_492 : i32 to vector<16xi32>
        %parallel_loop3A_494 = arith.addi %mul3A_3, %parallel_loop3A_493 : vector<16xi32>
        tpu.vector_store_idx %arg10[%parallel_loop3A_494], %parallel_loop3A_410 : memref<4096xf32, #tpu.memory_space<vmem>>[vector<16xi32>], vector<16xf32>,
        %parallel_loop3A_495 = arith.constant 16 : i32
        %parallel_loop3A_496 = arith.muli %parallel_loop3A_370, %parallel_loop3A_495 : i32
        %parallel_loop3A_497 = arith.constant 10 : i32
        %parallel_loop3A_498 = arith.addi %parallel_loop3A_496, %parallel_loop3A_497 : i32
        %parallel_loop3A_499 = vector.broadcast %parallel_loop3A_498 : i32 to vector<16xi32>
        %parallel_loop3A_500 = arith.addi %mul3A_3, %parallel_loop3A_499 : vector<16xi32>
        tpu.vector_store_idx %arg10[%parallel_loop3A_500], %parallel_loop3A_414 : memref<4096xf32, #tpu.memory_space<vmem>>[vector<16xi32>], vector<16xf32>,
        %parallel_loop3A_501 = arith.constant 16 : i32
        %parallel_loop3A_502 = arith.muli %parallel_loop3A_370, %parallel_loop3A_501 : i32
        %parallel_loop3A_503 = arith.constant 11 : i32
        %parallel_loop3A_504 = arith.addi %parallel_loop3A_502, %parallel_loop3A_503 : i32
        %parallel_loop3A_505 = vector.broadcast %parallel_loop3A_504 : i32 to vector<16xi32>
        %parallel_loop3A_506 = arith.addi %mul3A_3, %parallel_loop3A_505 : vector<16xi32>
        tpu.vector_store_idx %arg10[%parallel_loop3A_506], %parallel_loop3A_418 : memref<4096xf32, #tpu.memory_space<vmem>>[vector<16xi32>], vector<16xf32>,
        %parallel_loop3A_507 = arith.constant 16 : i32
        %parallel_loop3A_508 = arith.muli %parallel_loop3A_370, %parallel_loop3A_507 : i32
        %parallel_loop3A_509 = arith.constant 12 : i32
        %parallel_loop3A_510 = arith.addi %parallel_loop3A_508, %parallel_loop3A_509 : i32
        %parallel_loop3A_511 = vector.broadcast %parallel_loop3A_510 : i32 to vector<16xi32>
        %parallel_loop3A_512 = arith.addi %mul3A_3, %parallel_loop3A_511 : vector<16xi32>
        tpu.vector_store_idx %arg10[%parallel_loop3A_512], %parallel_loop3A_422 : memref<4096xf32, #tpu.memory_space<vmem>>[vector<16xi32>], vector<16xf32>,
        %parallel_loop3A_513 = arith.constant 16 : i32
        %parallel_loop3A_514 = arith.muli %parallel_loop3A_370, %parallel_loop3A_513 : i32
        %parallel_loop3A_515 = arith.constant 13 : i32
        %parallel_loop3A_516 = arith.addi %parallel_loop3A_514, %parallel_loop3A_515 : i32
        %parallel_loop3A_517 = vector.broadcast %parallel_loop3A_516 : i32 to vector<16xi32>
        %parallel_loop3A_518 = arith.addi %mul3A_3, %parallel_loop3A_517 : vector<16xi32>
        tpu.vector_store_idx %arg10[%parallel_loop3A_518], %parallel_loop3A_426 : memref<4096xf32, #tpu.memory_space<vmem>>[vector<16xi32>], vector<16xf32>,
        %parallel_loop3A_519 = arith.constant 16 : i32
        %parallel_loop3A_520 = arith.muli %parallel_loop3A_370, %parallel_loop3A_519 : i32
        %parallel_loop3A_521 = arith.constant 14 : i32
        %parallel_loop3A_522 = arith.addi %parallel_loop3A_520, %parallel_loop3A_521 : i32
        %parallel_loop3A_523 = vector.broadcast %parallel_loop3A_522 : i32 to vector<16xi32>
        %parallel_loop3A_524 = arith.addi %mul3A_3, %parallel_loop3A_523 : vector<16xi32>
        tpu.vector_store_idx %arg10[%parallel_loop3A_524], %parallel_loop3A_430 : memref<4096xf32, #tpu.memory_space<vmem>>[vector<16xi32>], vector<16xf32>,
        %parallel_loop3A_525 = arith.constant 16 : i32
        %parallel_loop3A_526 = arith.muli %parallel_loop3A_370, %parallel_loop3A_525 : i32
        %parallel_loop3A_527 = arith.constant 15 : i32
        %parallel_loop3A_528 = arith.addi %parallel_loop3A_526, %parallel_loop3A_527 : i32
        %parallel_loop3A_529 = vector.broadcast %parallel_loop3A_528 : i32 to vector<16xi32>
        %parallel_loop3A_530 = arith.addi %mul3A_3, %parallel_loop3A_529 : vector<16xi32>
        tpu.vector_store_idx %arg10[%parallel_loop3A_530], %parallel_loop3A_434 : memref<4096xf32, #tpu.memory_space<vmem>>[vector<16xi32>], vector<16xf32>,
      } {sc.loop_unroll_factor = 4 : i64, sc.parallel_access}
      %mul3A_259 = arith.constant 32 : i32
      %mul3A_260 = arith.muli %add3A_219, %mul3A_259 : i32
      %add3A_261 = arith.addi %mul3A_260, %add3A : i32
      %mul3A_262 = arith.constant 4096 : i32
      %mul3A_263 = arith.muli %add3A_261, %mul3A_262 : i32
      %multiple_of3A_264 = tpu.assume_multiple %mul3A_263, 4096 : i32
      %dma_start3A_265 = tpu.memref_slice %arg4[%multiple_of3A_264] : memref<41600000xf32, #tpu.memory_space<hbm>> -> memref<4096xf32, #tpu.memory_space<hbm>>
      %dma_start3A_266 = tpu.memref_slice %arg4[%multiple_of3A_264] : memref<41600000xf32, #tpu.memory_space<hbm>> -> memref<4096xf32, #tpu.memory_space<hbm>>
      tpu.enqueue_dma source(%arg10 : memref<4096xf32, #tpu.memory_space<vmem>>) target(%dma_start3A_266 : memref<4096xf32, #tpu.memory_space<hbm>>) target_semaphore(%arg18 : memref<!tpu.dma_semaphore, #tpu.memory_space<semaphore_mem>>)
      %mul3A_267 = arith.constant 4 : i32
      %mul3A_268 = arith.muli %scan3A_165, %mul3A_267 : i32
      %add3A_269 = arith.constant 2 : i32
      %add3A_270 = arith.addi %mul3A_268, %add3A_269 : i32
      %dma_wait3A_271 = arith.constant 0 : i32
      %dma_wait3A_272 = arith.constant 0 : i32
      %dma_wait3A_273 = tpu.memref_slice %arg7[%dma_wait3A_271, %dma_wait3A_272] : memref<16x256xf32, #tpu.memory_space<vmem>> -> memref<8x256xf32, #tpu.memory_space<vmem>>
      %dma_wait3A_274 = arith.constant 0 : i32
      %dma_wait3A_275 = arith.constant 0 : i32
      %dma_wait3A_276 = tpu.memref_slice %arg2[%dma_wait3A_274, %dma_wait3A_275] : memref<16x2600000xf32, #tpu.memory_space<hbm>> -> memref<8x256xf32, #tpu.memory_space<hbm>>
      %dma_wait3A_277 = arith.constant 0 : i32
      %dma_wait3A_278 = arith.constant 0 : i32
      %dma_wait3A_279 = tpu.memref_slice %arg7[%dma_wait3A_277, %dma_wait3A_278] : memref<16x256xf32, #tpu.memory_space<vmem>> -> memref<8x256xf32, #tpu.memory_space<vmem>>
      %dma_wait3A_280 = arith.constant 0 : i32
      %dma_wait3A_281 = arith.constant 0 : i32
      %dma_wait3A_282 = tpu.memref_slice %arg2[%dma_wait3A_280, %dma_wait3A_281] : memref<16x2600000xf32, #tpu.memory_space<hbm>> -> memref<8x256xf32, #tpu.memory_space<hbm>>
      tpu.wait_dma2 semaphore(%arg15 : memref<!tpu.dma_semaphore, #tpu.memory_space<semaphore_mem>>) src(%dma_wait3A_282 : memref<8x256xf32, #tpu.memory_space<hbm>>) dst(%dma_wait3A_279 : memref<8x256xf32, #tpu.memory_space<vmem>>)
      %dma_wait3A_283 = arith.constant 8 : i32
      %dma_wait3A_284 = arith.constant 0 : i32
      %dma_wait3A_285 = tpu.memref_slice %arg7[%dma_wait3A_283, %dma_wait3A_284] : memref<16x256xf32, #tpu.memory_space<vmem>> -> memref<8x256xf32, #tpu.memory_space<vmem>>
      %dma_wait3A_286 = arith.constant 0 : i32
      %dma_wait3A_287 = arith.constant 0 : i32
      %dma_wait3A_288 = tpu.memref_slice %arg2[%dma_wait3A_286, %dma_wait3A_287] : memref<16x2600000xf32, #tpu.memory_space<hbm>> -> memref<8x256xf32, #tpu.memory_space<hbm>>
      %dma_wait3A_289 = arith.constant 8 : i32
      %dma_wait3A_290 = arith.constant 0 : i32
      %dma_wait3A_291 = tpu.memref_slice %arg7[%dma_wait3A_289, %dma_wait3A_290] : memref<16x256xf32, #tpu.memory_space<vmem>> -> memref<8x256xf32, #tpu.memory_space<vmem>>
      %dma_wait3A_292 = arith.constant 0 : i32
      %dma_wait3A_293 = arith.constant 0 : i32
      %dma_wait3A_294 = tpu.memref_slice %arg2[%dma_wait3A_292, %dma_wait3A_293] : memref<16x2600000xf32, #tpu.memory_space<hbm>> -> memref<8x256xf32, #tpu.memory_space<hbm>>
      tpu.wait_dma2 semaphore(%arg15 : memref<!tpu.dma_semaphore, #tpu.memory_space<semaphore_mem>>) src(%dma_wait3A_294 : memref<8x256xf32, #tpu.memory_space<hbm>>) dst(%dma_wait3A_291 : memref<8x256xf32, #tpu.memory_space<vmem>>)
      %add3A_295 = arith.constant 3 : i32
      %add3A_296 = arith.addi %add3A_270, %add3A_295 : i32
      %lt3A_297 = arith.constant 316 : i32
      %lt3A_298 = arith.cmpi slt, %add3A_296, %lt3A_297 : i32
      %convert_element_type3A_299 = arith.extui %lt3A_298 : i1 to i32
      %cond3A_300 = arith.constant 0 : i32
      %cond3A_301 = arith.cmpi ne, %convert_element_type3A_299, %cond3A_300 : i32
      scf.if %cond3A_301 {
        %mul3A_369 = arith.constant 32 : i32
        %mul3A_370 = arith.muli %add3A_296, %mul3A_369 : i32
        %add3A_371 = arith.addi %mul3A_370, %add3A : i32
        %mul3A_372 = arith.constant 256 : i32
        %mul3A_373 = arith.muli %add3A_371, %mul3A_372 : i32
        %multiple_of3A_374 = tpu.assume_multiple %mul3A_373, 256 : i32
        %dma_start3A_375 = arith.constant 0 : i32
        %dma_start3A_376 = arith.constant 0 : i32
        %dma_start3A_377 = tpu.memref_slice %arg6[%dma_start3A_375, %dma_start3A_376] : memref<16x256xf32, #tpu.memory_space<vmem>> -> memref<8x256xf32, #tpu.memory_space<vmem>>
        %dma_start3A_378 = arith.constant 0 : i32
        %dma_start3A_379 = tpu.memref_slice %arg2[%dma_start3A_378, %multiple_of3A_374] : memref<16x2600000xf32, #tpu.memory_space<hbm>> -> memref<8x256xf32, #tpu.memory_space<hbm>>
        %dma_start3A_380 = arith.constant 0 : i32
        %dma_start3A_381 = arith.constant 0 : i32
        %dma_start3A_382 = tpu.memref_slice %arg6[%dma_start3A_380, %dma_start3A_381] : memref<16x256xf32, #tpu.memory_space<vmem>> -> memref<8x256xf32, #tpu.memory_space<vmem>>
        %dma_start3A_383 = arith.constant 0 : i32
        %dma_start3A_384 = tpu.memref_slice %arg2[%dma_start3A_383, %multiple_of3A_374] : memref<16x2600000xf32, #tpu.memory_space<hbm>> -> memref<8x256xf32, #tpu.memory_space<hbm>>
        tpu.enqueue_dma source(%dma_start3A_384 : memref<8x256xf32, #tpu.memory_space<hbm>>) target(%dma_start3A_382 : memref<8x256xf32, #tpu.memory_space<vmem>>) target_semaphore(%arg14 : memref<!tpu.dma_semaphore, #tpu.memory_space<semaphore_mem>>)
        %dma_start3A_385 = arith.constant 8 : i32
        %dma_start3A_386 = arith.constant 0 : i32
        %dma_start3A_387 = tpu.memref_slice %arg6[%dma_start3A_385, %dma_start3A_386] : memref<16x256xf32, #tpu.memory_space<vmem>> -> memref<8x256xf32, #tpu.memory_space<vmem>>
        %dma_start3A_388 = arith.constant 8 : i32
        %dma_start3A_389 = tpu.memref_slice %arg2[%dma_start3A_388, %multiple_of3A_374] : memref<16x2600000xf32, #tpu.memory_space<hbm>> -> memref<8x256xf32, #tpu.memory_space<hbm>>
        %dma_start3A_390 = arith.constant 8 : i32
        %dma_start3A_391 = arith.constant 0 : i32
        %dma_start3A_392 = tpu.memref_slice %arg6[%dma_start3A_390, %dma_start3A_391] : memref<16x256xf32, #tpu.memory_space<vmem>> -> memref<8x256xf32, #tpu.memory_space<vmem>>
        %dma_start3A_393 = arith.constant 8 : i32
        %dma_start3A_394 = tpu.memref_slice %arg2[%dma_start3A_393, %multiple_of3A_374] : memref<16x2600000xf32, #tpu.memory_space<hbm>> -> memref<8x256xf32, #tpu.memory_space<hbm>>
        tpu.enqueue_dma source(%dma_start3A_394 : memref<8x256xf32, #tpu.memory_space<hbm>>) target(%dma_start3A_392 : memref<8x256xf32, #tpu.memory_space<vmem>>) target_semaphore(%arg14 : memref<!tpu.dma_semaphore, #tpu.memory_space<semaphore_mem>>)
      } else {
      }
      %ge3A_302 = arith.constant 4 : i32
      %ge3A_303 = arith.cmpi sge, %add3A_270, %ge3A_302 : i32
      %convert_element_type3A_304 = arith.extui %ge3A_303 : i1 to i32
      %cond3A_305 = arith.constant 0 : i32
      %cond3A_306 = arith.cmpi ne, %convert_element_type3A_304, %cond3A_305 : i32
      scf.if %cond3A_306 {
        %dma_wait3A_369 = arith.constant 0 : i32
        %dma_wait3A_370 = tpu.memref_slice %arg4[%dma_wait3A_369] : memref<41600000xf32, #tpu.memory_space<hbm>> -> memref<4096xf32, #tpu.memory_space<hbm>>
        %dma_wait3A_371 = arith.constant 0 : i32
        %dma_wait3A_372 = tpu.memref_slice %arg4[%dma_wait3A_371] : memref<41600000xf32, #tpu.memory_space<hbm>> -> memref<4096xf32, #tpu.memory_space<hbm>>
        tpu.wait_dma2 semaphore(%arg19 : memref<!tpu.dma_semaphore, #tpu.memory_space<semaphore_mem>>) src(%dma_wait3A_372 : memref<4096xf32, #tpu.memory_space<hbm>>) dst(%arg11 : memref<4096xf32, #tpu.memory_space<vmem>>)
      } else {
      }
      %parallel_loop3A_307 = arith.constant 0 : i32
      %parallel_loop3A_308 = arith.constant 256 : i32
      %parallel_loop3A_309 = arith.constant 16 : i32
      scf.for %parallel_loop3A_369 = %parallel_loop3A_307 to %parallel_loop3A_308 step %parallel_loop3A_309  : i32 {
        %parallel_loop3A_370 = tpu.assume_multiple %parallel_loop3A_369, 16 : i32
        %parallel_loop3A_371 = arith.constant 0 : i32
        %parallel_loop3A_372 = arith.index_cast %parallel_loop3A_371 : i32 to index
        %parallel_loop3A_373 = arith.index_cast %parallel_loop3A_370 : i32 to index
        %parallel_loop3A_374 = tpu.vector_load %arg7[%parallel_loop3A_372, %parallel_loop3A_373] {strides = array<i32>} : memref<16x256xf32, #tpu.memory_space<vmem>>, vector<16xf32>,
        %parallel_loop3A_375 = arith.constant 1 : i32
        %parallel_loop3A_376 = arith.index_cast %parallel_loop3A_375 : i32 to index
        %parallel_loop3A_377 = arith.index_cast %parallel_loop3A_370 : i32 to index
        %parallel_loop3A_378 = tpu.vector_load %arg7[%parallel_loop3A_376, %parallel_loop3A_377] {strides = array<i32>} : memref<16x256xf32, #tpu.memory_space<vmem>>, vector<16xf32>,
        %parallel_loop3A_379 = arith.constant 2 : i32
        %parallel_loop3A_380 = arith.index_cast %parallel_loop3A_379 : i32 to index
        %parallel_loop3A_381 = arith.index_cast %parallel_loop3A_370 : i32 to index
        %parallel_loop3A_382 = tpu.vector_load %arg7[%parallel_loop3A_380, %parallel_loop3A_381] {strides = array<i32>} : memref<16x256xf32, #tpu.memory_space<vmem>>, vector<16xf32>,
        %parallel_loop3A_383 = arith.constant 3 : i32
        %parallel_loop3A_384 = arith.index_cast %parallel_loop3A_383 : i32 to index
        %parallel_loop3A_385 = arith.index_cast %parallel_loop3A_370 : i32 to index
        %parallel_loop3A_386 = tpu.vector_load %arg7[%parallel_loop3A_384, %parallel_loop3A_385] {strides = array<i32>} : memref<16x256xf32, #tpu.memory_space<vmem>>, vector<16xf32>,
        %parallel_loop3A_387 = arith.constant 4 : i32
        %parallel_loop3A_388 = arith.index_cast %parallel_loop3A_387 : i32 to index
        %parallel_loop3A_389 = arith.index_cast %parallel_loop3A_370 : i32 to index
        %parallel_loop3A_390 = tpu.vector_load %arg7[%parallel_loop3A_388, %parallel_loop3A_389] {strides = array<i32>} : memref<16x256xf32, #tpu.memory_space<vmem>>, vector<16xf32>,
        %parallel_loop3A_391 = arith.constant 5 : i32
        %parallel_loop3A_392 = arith.index_cast %parallel_loop3A_391 : i32 to index
        %parallel_loop3A_393 = arith.index_cast %parallel_loop3A_370 : i32 to index
        %parallel_loop3A_394 = tpu.vector_load %arg7[%parallel_loop3A_392, %parallel_loop3A_393] {strides = array<i32>} : memref<16x256xf32, #tpu.memory_space<vmem>>, vector<16xf32>,
        %parallel_loop3A_395 = arith.constant 6 : i32
        %parallel_loop3A_396 = arith.index_cast %parallel_loop3A_395 : i32 to index
        %parallel_loop3A_397 = arith.index_cast %parallel_loop3A_370 : i32 to index
        %parallel_loop3A_398 = tpu.vector_load %arg7[%parallel_loop3A_396, %parallel_loop3A_397] {strides = array<i32>} : memref<16x256xf32, #tpu.memory_space<vmem>>, vector<16xf32>,
        %parallel_loop3A_399 = arith.constant 7 : i32
        %parallel_loop3A_400 = arith.index_cast %parallel_loop3A_399 : i32 to index
        %parallel_loop3A_401 = arith.index_cast %parallel_loop3A_370 : i32 to index
        %parallel_loop3A_402 = tpu.vector_load %arg7[%parallel_loop3A_400, %parallel_loop3A_401] {strides = array<i32>} : memref<16x256xf32, #tpu.memory_space<vmem>>, vector<16xf32>,
        %parallel_loop3A_403 = arith.constant 8 : i32
        %parallel_loop3A_404 = arith.index_cast %parallel_loop3A_403 : i32 to index
        %parallel_loop3A_405 = arith.index_cast %parallel_loop3A_370 : i32 to index
        %parallel_loop3A_406 = tpu.vector_load %arg7[%parallel_loop3A_404, %parallel_loop3A_405] {strides = array<i32>} : memref<16x256xf32, #tpu.memory_space<vmem>>, vector<16xf32>,
        %parallel_loop3A_407 = arith.constant 9 : i32
        %parallel_loop3A_408 = arith.index_cast %parallel_loop3A_407 : i32 to index
        %parallel_loop3A_409 = arith.index_cast %parallel_loop3A_370 : i32 to index
        %parallel_loop3A_410 = tpu.vector_load %arg7[%parallel_loop3A_408, %parallel_loop3A_409] {strides = array<i32>} : memref<16x256xf32, #tpu.memory_space<vmem>>, vector<16xf32>,
        %parallel_loop3A_411 = arith.constant 10 : i32
        %parallel_loop3A_412 = arith.index_cast %parallel_loop3A_411 : i32 to index
        %parallel_loop3A_413 = arith.index_cast %parallel_loop3A_370 : i32 to index
        %parallel_loop3A_414 = tpu.vector_load %arg7[%parallel_loop3A_412, %parallel_loop3A_413] {strides = array<i32>} : memref<16x256xf32, #tpu.memory_space<vmem>>, vector<16xf32>,
        %parallel_loop3A_415 = arith.constant 11 : i32
        %parallel_loop3A_416 = arith.index_cast %parallel_loop3A_415 : i32 to index
        %parallel_loop3A_417 = arith.index_cast %parallel_loop3A_370 : i32 to index
        %parallel_loop3A_418 = tpu.vector_load %arg7[%parallel_loop3A_416, %parallel_loop3A_417] {strides = array<i32>} : memref<16x256xf32, #tpu.memory_space<vmem>>, vector<16xf32>,
        %parallel_loop3A_419 = arith.constant 12 : i32
        %parallel_loop3A_420 = arith.index_cast %parallel_loop3A_419 : i32 to index
        %parallel_loop3A_421 = arith.index_cast %parallel_loop3A_370 : i32 to index
        %parallel_loop3A_422 = tpu.vector_load %arg7[%parallel_loop3A_420, %parallel_loop3A_421] {strides = array<i32>} : memref<16x256xf32, #tpu.memory_space<vmem>>, vector<16xf32>,
        %parallel_loop3A_423 = arith.constant 13 : i32
        %parallel_loop3A_424 = arith.index_cast %parallel_loop3A_423 : i32 to index
        %parallel_loop3A_425 = arith.index_cast %parallel_loop3A_370 : i32 to index
        %parallel_loop3A_426 = tpu.vector_load %arg7[%parallel_loop3A_424, %parallel_loop3A_425] {strides = array<i32>} : memref<16x256xf32, #tpu.memory_space<vmem>>, vector<16xf32>,
        %parallel_loop3A_427 = arith.constant 14 : i32
        %parallel_loop3A_428 = arith.index_cast %parallel_loop3A_427 : i32 to index
        %parallel_loop3A_429 = arith.index_cast %parallel_loop3A_370 : i32 to index
        %parallel_loop3A_430 = tpu.vector_load %arg7[%parallel_loop3A_428, %parallel_loop3A_429] {strides = array<i32>} : memref<16x256xf32, #tpu.memory_space<vmem>>, vector<16xf32>,
        %parallel_loop3A_431 = arith.constant 15 : i32
        %parallel_loop3A_432 = arith.index_cast %parallel_loop3A_431 : i32 to index
        %parallel_loop3A_433 = arith.index_cast %parallel_loop3A_370 : i32 to index
        %parallel_loop3A_434 = tpu.vector_load %arg7[%parallel_loop3A_432, %parallel_loop3A_433] {strides = array<i32>} : memref<16x256xf32, #tpu.memory_space<vmem>>, vector<16xf32>,
        %parallel_loop3A_435 = arith.constant 16 : i32
        %parallel_loop3A_436 = arith.muli %parallel_loop3A_370, %parallel_loop3A_435 : i32
        %parallel_loop3A_437 = arith.constant 0 : i32
        %parallel_loop3A_438 = arith.addi %parallel_loop3A_436, %parallel_loop3A_437 : i32
        %parallel_loop3A_439 = vector.broadcast %parallel_loop3A_438 : i32 to vector<16xi32>
        %parallel_loop3A_440 = arith.addi %mul3A_3, %parallel_loop3A_439 : vector<16xi32>
        tpu.vector_store_idx %arg11[%parallel_loop3A_440], %parallel_loop3A_374 : memref<4096xf32, #tpu.memory_space<vmem>>[vector<16xi32>], vector<16xf32>,
        %parallel_loop3A_441 = arith.constant 16 : i32
        %parallel_loop3A_442 = arith.muli %parallel_loop3A_370, %parallel_loop3A_441 : i32
        %parallel_loop3A_443 = arith.constant 1 : i32
        %parallel_loop3A_444 = arith.addi %parallel_loop3A_442, %parallel_loop3A_443 : i32
        %parallel_loop3A_445 = vector.broadcast %parallel_loop3A_444 : i32 to vector<16xi32>
        %parallel_loop3A_446 = arith.addi %mul3A_3, %parallel_loop3A_445 : vector<16xi32>
        tpu.vector_store_idx %arg11[%parallel_loop3A_446], %parallel_loop3A_378 : memref<4096xf32, #tpu.memory_space<vmem>>[vector<16xi32>], vector<16xf32>,
        %parallel_loop3A_447 = arith.constant 16 : i32
        %parallel_loop3A_448 = arith.muli %parallel_loop3A_370, %parallel_loop3A_447 : i32
        %parallel_loop3A_449 = arith.constant 2 : i32
        %parallel_loop3A_450 = arith.addi %parallel_loop3A_448, %parallel_loop3A_449 : i32
        %parallel_loop3A_451 = vector.broadcast %parallel_loop3A_450 : i32 to vector<16xi32>
        %parallel_loop3A_452 = arith.addi %mul3A_3, %parallel_loop3A_451 : vector<16xi32>
        tpu.vector_store_idx %arg11[%parallel_loop3A_452], %parallel_loop3A_382 : memref<4096xf32, #tpu.memory_space<vmem>>[vector<16xi32>], vector<16xf32>,
        %parallel_loop3A_453 = arith.constant 16 : i32
        %parallel_loop3A_454 = arith.muli %parallel_loop3A_370, %parallel_loop3A_453 : i32
        %parallel_loop3A_455 = arith.constant 3 : i32
        %parallel_loop3A_456 = arith.addi %parallel_loop3A_454, %parallel_loop3A_455 : i32
        %parallel_loop3A_457 = vector.broadcast %parallel_loop3A_456 : i32 to vector<16xi32>
        %parallel_loop3A_458 = arith.addi %mul3A_3, %parallel_loop3A_457 : vector<16xi32>
        tpu.vector_store_idx %arg11[%parallel_loop3A_458], %parallel_loop3A_386 : memref<4096xf32, #tpu.memory_space<vmem>>[vector<16xi32>], vector<16xf32>,
        %parallel_loop3A_459 = arith.constant 16 : i32
        %parallel_loop3A_460 = arith.muli %parallel_loop3A_370, %parallel_loop3A_459 : i32
        %parallel_loop3A_461 = arith.constant 4 : i32
        %parallel_loop3A_462 = arith.addi %parallel_loop3A_460, %parallel_loop3A_461 : i32
        %parallel_loop3A_463 = vector.broadcast %parallel_loop3A_462 : i32 to vector<16xi32>
        %parallel_loop3A_464 = arith.addi %mul3A_3, %parallel_loop3A_463 : vector<16xi32>
        tpu.vector_store_idx %arg11[%parallel_loop3A_464], %parallel_loop3A_390 : memref<4096xf32, #tpu.memory_space<vmem>>[vector<16xi32>], vector<16xf32>,
        %parallel_loop3A_465 = arith.constant 16 : i32
        %parallel_loop3A_466 = arith.muli %parallel_loop3A_370, %parallel_loop3A_465 : i32
        %parallel_loop3A_467 = arith.constant 5 : i32
        %parallel_loop3A_468 = arith.addi %parallel_loop3A_466, %parallel_loop3A_467 : i32
        %parallel_loop3A_469 = vector.broadcast %parallel_loop3A_468 : i32 to vector<16xi32>
        %parallel_loop3A_470 = arith.addi %mul3A_3, %parallel_loop3A_469 : vector<16xi32>
        tpu.vector_store_idx %arg11[%parallel_loop3A_470], %parallel_loop3A_394 : memref<4096xf32, #tpu.memory_space<vmem>>[vector<16xi32>], vector<16xf32>,
        %parallel_loop3A_471 = arith.constant 16 : i32
        %parallel_loop3A_472 = arith.muli %parallel_loop3A_370, %parallel_loop3A_471 : i32
        %parallel_loop3A_473 = arith.constant 6 : i32
        %parallel_loop3A_474 = arith.addi %parallel_loop3A_472, %parallel_loop3A_473 : i32
        %parallel_loop3A_475 = vector.broadcast %parallel_loop3A_474 : i32 to vector<16xi32>
        %parallel_loop3A_476 = arith.addi %mul3A_3, %parallel_loop3A_475 : vector<16xi32>
        tpu.vector_store_idx %arg11[%parallel_loop3A_476], %parallel_loop3A_398 : memref<4096xf32, #tpu.memory_space<vmem>>[vector<16xi32>], vector<16xf32>,
        %parallel_loop3A_477 = arith.constant 16 : i32
        %parallel_loop3A_478 = arith.muli %parallel_loop3A_370, %parallel_loop3A_477 : i32
        %parallel_loop3A_479 = arith.constant 7 : i32
        %parallel_loop3A_480 = arith.addi %parallel_loop3A_478, %parallel_loop3A_479 : i32
        %parallel_loop3A_481 = vector.broadcast %parallel_loop3A_480 : i32 to vector<16xi32>
        %parallel_loop3A_482 = arith.addi %mul3A_3, %parallel_loop3A_481 : vector<16xi32>
        tpu.vector_store_idx %arg11[%parallel_loop3A_482], %parallel_loop3A_402 : memref<4096xf32, #tpu.memory_space<vmem>>[vector<16xi32>], vector<16xf32>,
        %parallel_loop3A_483 = arith.constant 16 : i32
        %parallel_loop3A_484 = arith.muli %parallel_loop3A_370, %parallel_loop3A_483 : i32
        %parallel_loop3A_485 = arith.constant 8 : i32
        %parallel_loop3A_486 = arith.addi %parallel_loop3A_484, %parallel_loop3A_485 : i32
        %parallel_loop3A_487 = vector.broadcast %parallel_loop3A_486 : i32 to vector<16xi32>
        %parallel_loop3A_488 = arith.addi %mul3A_3, %parallel_loop3A_487 : vector<16xi32>
        tpu.vector_store_idx %arg11[%parallel_loop3A_488], %parallel_loop3A_406 : memref<4096xf32, #tpu.memory_space<vmem>>[vector<16xi32>], vector<16xf32>,
        %parallel_loop3A_489 = arith.constant 16 : i32
        %parallel_loop3A_490 = arith.muli %parallel_loop3A_370, %parallel_loop3A_489 : i32
        %parallel_loop3A_491 = arith.constant 9 : i32
        %parallel_loop3A_492 = arith.addi %parallel_loop3A_490, %parallel_loop3A_491 : i32
        %parallel_loop3A_493 = vector.broadcast %parallel_loop3A_492 : i32 to vector<16xi32>
        %parallel_loop3A_494 = arith.addi %mul3A_3, %parallel_loop3A_493 : vector<16xi32>
        tpu.vector_store_idx %arg11[%parallel_loop3A_494], %parallel_loop3A_410 : memref<4096xf32, #tpu.memory_space<vmem>>[vector<16xi32>], vector<16xf32>,
        %parallel_loop3A_495 = arith.constant 16 : i32
        %parallel_loop3A_496 = arith.muli %parallel_loop3A_370, %parallel_loop3A_495 : i32
        %parallel_loop3A_497 = arith.constant 10 : i32
        %parallel_loop3A_498 = arith.addi %parallel_loop3A_496, %parallel_loop3A_497 : i32
        %parallel_loop3A_499 = vector.broadcast %parallel_loop3A_498 : i32 to vector<16xi32>
        %parallel_loop3A_500 = arith.addi %mul3A_3, %parallel_loop3A_499 : vector<16xi32>
        tpu.vector_store_idx %arg11[%parallel_loop3A_500], %parallel_loop3A_414 : memref<4096xf32, #tpu.memory_space<vmem>>[vector<16xi32>], vector<16xf32>,
        %parallel_loop3A_501 = arith.constant 16 : i32
        %parallel_loop3A_502 = arith.muli %parallel_loop3A_370, %parallel_loop3A_501 : i32
        %parallel_loop3A_503 = arith.constant 11 : i32
        %parallel_loop3A_504 = arith.addi %parallel_loop3A_502, %parallel_loop3A_503 : i32
        %parallel_loop3A_505 = vector.broadcast %parallel_loop3A_504 : i32 to vector<16xi32>
        %parallel_loop3A_506 = arith.addi %mul3A_3, %parallel_loop3A_505 : vector<16xi32>
        tpu.vector_store_idx %arg11[%parallel_loop3A_506], %parallel_loop3A_418 : memref<4096xf32, #tpu.memory_space<vmem>>[vector<16xi32>], vector<16xf32>,
        %parallel_loop3A_507 = arith.constant 16 : i32
        %parallel_loop3A_508 = arith.muli %parallel_loop3A_370, %parallel_loop3A_507 : i32
        %parallel_loop3A_509 = arith.constant 12 : i32
        %parallel_loop3A_510 = arith.addi %parallel_loop3A_508, %parallel_loop3A_509 : i32
        %parallel_loop3A_511 = vector.broadcast %parallel_loop3A_510 : i32 to vector<16xi32>
        %parallel_loop3A_512 = arith.addi %mul3A_3, %parallel_loop3A_511 : vector<16xi32>
        tpu.vector_store_idx %arg11[%parallel_loop3A_512], %parallel_loop3A_422 : memref<4096xf32, #tpu.memory_space<vmem>>[vector<16xi32>], vector<16xf32>,
        %parallel_loop3A_513 = arith.constant 16 : i32
        %parallel_loop3A_514 = arith.muli %parallel_loop3A_370, %parallel_loop3A_513 : i32
        %parallel_loop3A_515 = arith.constant 13 : i32
        %parallel_loop3A_516 = arith.addi %parallel_loop3A_514, %parallel_loop3A_515 : i32
        %parallel_loop3A_517 = vector.broadcast %parallel_loop3A_516 : i32 to vector<16xi32>
        %parallel_loop3A_518 = arith.addi %mul3A_3, %parallel_loop3A_517 : vector<16xi32>
        tpu.vector_store_idx %arg11[%parallel_loop3A_518], %parallel_loop3A_426 : memref<4096xf32, #tpu.memory_space<vmem>>[vector<16xi32>], vector<16xf32>,
        %parallel_loop3A_519 = arith.constant 16 : i32
        %parallel_loop3A_520 = arith.muli %parallel_loop3A_370, %parallel_loop3A_519 : i32
        %parallel_loop3A_521 = arith.constant 14 : i32
        %parallel_loop3A_522 = arith.addi %parallel_loop3A_520, %parallel_loop3A_521 : i32
        %parallel_loop3A_523 = vector.broadcast %parallel_loop3A_522 : i32 to vector<16xi32>
        %parallel_loop3A_524 = arith.addi %mul3A_3, %parallel_loop3A_523 : vector<16xi32>
        tpu.vector_store_idx %arg11[%parallel_loop3A_524], %parallel_loop3A_430 : memref<4096xf32, #tpu.memory_space<vmem>>[vector<16xi32>], vector<16xf32>,
        %parallel_loop3A_525 = arith.constant 16 : i32
        %parallel_loop3A_526 = arith.muli %parallel_loop3A_370, %parallel_loop3A_525 : i32
        %parallel_loop3A_527 = arith.constant 15 : i32
        %parallel_loop3A_528 = arith.addi %parallel_loop3A_526, %parallel_loop3A_527 : i32
        %parallel_loop3A_529 = vector.broadcast %parallel_loop3A_528 : i32 to vector<16xi32>
        %parallel_loop3A_530 = arith.addi %mul3A_3, %parallel_loop3A_529 : vector<16xi32>
        tpu.vector_store_idx %arg11[%parallel_loop3A_530], %parallel_loop3A_434 : memref<4096xf32, #tpu.memory_space<vmem>>[vector<16xi32>], vector<16xf32>,
      } {sc.loop_unroll_factor = 4 : i64, sc.parallel_access}
      %mul3A_310 = arith.constant 32 : i32
      %mul3A_311 = arith.muli %add3A_270, %mul3A_310 : i32
      %add3A_312 = arith.addi %mul3A_311, %add3A : i32
      %mul3A_313 = arith.constant 4096 : i32
      %mul3A_314 = arith.muli %add3A_312, %mul3A_313 : i32
      %multiple_of3A_315 = tpu.assume_multiple %mul3A_314, 4096 : i32
      %dma_start3A_316 = tpu.memref_slice %arg4[%multiple_of3A_315] : memref<41600000xf32, #tpu.memory_space<hbm>> -> memref<4096xf32, #tpu.memory_space<hbm>>
      %dma_start3A_317 = tpu.memref_slice %arg4[%multiple_of3A_315] : memref<41600000xf32, #tpu.memory_space<hbm>> -> memref<4096xf32, #tpu.memory_space<hbm>>
      tpu.enqueue_dma source(%arg11 : memref<4096xf32, #tpu.memory_space<vmem>>) target(%dma_start3A_317 : memref<4096xf32, #tpu.memory_space<hbm>>) target_semaphore(%arg19 : memref<!tpu.dma_semaphore, #tpu.memory_space<semaphore_mem>>)
      %mul3A_318 = arith.constant 4 : i32
      %mul3A_319 = arith.muli %scan3A_165, %mul3A_318 : i32
      %add3A_320 = arith.constant 3 : i32
      %add3A_321 = arith.addi %mul3A_319, %add3A_320 : i32
      %dma_wait3A_322 = arith.constant 0 : i32
      %dma_wait3A_323 = arith.constant 0 : i32
      %dma_wait3A_324 = tpu.memref_slice %arg8[%dma_wait3A_322, %dma_wait3A_323] : memref<16x256xf32, #tpu.memory_space<vmem>> -> memref<8x256xf32, #tpu.memory_space<vmem>>
      %dma_wait3A_325 = arith.constant 0 : i32
      %dma_wait3A_326 = arith.constant 0 : i32
      %dma_wait3A_327 = tpu.memref_slice %arg2[%dma_wait3A_325, %dma_wait3A_326] : memref<16x2600000xf32, #tpu.memory_space<hbm>> -> memref<8x256xf32, #tpu.memory_space<hbm>>
      %dma_wait3A_328 = arith.constant 0 : i32
      %dma_wait3A_329 = arith.constant 0 : i32
      %dma_wait3A_330 = tpu.memref_slice %arg8[%dma_wait3A_328, %dma_wait3A_329] : memref<16x256xf32, #tpu.memory_space<vmem>> -> memref<8x256xf32, #tpu.memory_space<vmem>>
      %dma_wait3A_331 = arith.constant 0 : i32
      %dma_wait3A_332 = arith.constant 0 : i32
      %dma_wait3A_333 = tpu.memref_slice %arg2[%dma_wait3A_331, %dma_wait3A_332] : memref<16x2600000xf32, #tpu.memory_space<hbm>> -> memref<8x256xf32, #tpu.memory_space<hbm>>
      tpu.wait_dma2 semaphore(%arg16 : memref<!tpu.dma_semaphore, #tpu.memory_space<semaphore_mem>>) src(%dma_wait3A_333 : memref<8x256xf32, #tpu.memory_space<hbm>>) dst(%dma_wait3A_330 : memref<8x256xf32, #tpu.memory_space<vmem>>)
      %dma_wait3A_334 = arith.constant 8 : i32
      %dma_wait3A_335 = arith.constant 0 : i32
      %dma_wait3A_336 = tpu.memref_slice %arg8[%dma_wait3A_334, %dma_wait3A_335] : memref<16x256xf32, #tpu.memory_space<vmem>> -> memref<8x256xf32, #tpu.memory_space<vmem>>
      %dma_wait3A_337 = arith.constant 0 : i32
      %dma_wait3A_338 = arith.constant 0 : i32
      %dma_wait3A_339 = tpu.memref_slice %arg2[%dma_wait3A_337, %dma_wait3A_338] : memref<16x2600000xf32, #tpu.memory_space<hbm>> -> memref<8x256xf32, #tpu.memory_space<hbm>>
      %dma_wait3A_340 = arith.constant 8 : i32
      %dma_wait3A_341 = arith.constant 0 : i32
      %dma_wait3A_342 = tpu.memref_slice %arg8[%dma_wait3A_340, %dma_wait3A_341] : memref<16x256xf32, #tpu.memory_space<vmem>> -> memref<8x256xf32, #tpu.memory_space<vmem>>
      %dma_wait3A_343 = arith.constant 0 : i32
      %dma_wait3A_344 = arith.constant 0 : i32
      %dma_wait3A_345 = tpu.memref_slice %arg2[%dma_wait3A_343, %dma_wait3A_344] : memref<16x2600000xf32, #tpu.memory_space<hbm>> -> memref<8x256xf32, #tpu.memory_space<hbm>>
      tpu.wait_dma2 semaphore(%arg16 : memref<!tpu.dma_semaphore, #tpu.memory_space<semaphore_mem>>) src(%dma_wait3A_345 : memref<8x256xf32, #tpu.memory_space<hbm>>) dst(%dma_wait3A_342 : memref<8x256xf32, #tpu.memory_space<vmem>>)
      %add3A_346 = arith.constant 3 : i32
      %add3A_347 = arith.addi %add3A_321, %add3A_346 : i32
      %lt3A_348 = arith.constant 316 : i32
      %lt3A_349 = arith.cmpi slt, %add3A_347, %lt3A_348 : i32
      %convert_element_type3A_350 = arith.extui %lt3A_349 : i1 to i32
      %cond3A_351 = arith.constant 0 : i32
      %cond3A_352 = arith.cmpi ne, %convert_element_type3A_350, %cond3A_351 : i32
      scf.if %cond3A_352 {
        %mul3A_369 = arith.constant 32 : i32
        %mul3A_370 = arith.muli %add3A_347, %mul3A_369 : i32
        %add3A_371 = arith.addi %mul3A_370, %add3A : i32
        %mul3A_372 = arith.constant 256 : i32
        %mul3A_373 = arith.muli %add3A_371, %mul3A_372 : i32
        %multiple_of3A_374 = tpu.assume_multiple %mul3A_373, 256 : i32
        %dma_start3A_375 = arith.constant 0 : i32
        %dma_start3A_376 = arith.constant 0 : i32
        %dma_start3A_377 = tpu.memref_slice %arg7[%dma_start3A_375, %dma_start3A_376] : memref<16x256xf32, #tpu.memory_space<vmem>> -> memref<8x256xf32, #tpu.memory_space<vmem>>
        %dma_start3A_378 = arith.constant 0 : i32
        %dma_start3A_379 = tpu.memref_slice %arg2[%dma_start3A_378, %multiple_of3A_374] : memref<16x2600000xf32, #tpu.memory_space<hbm>> -> memref<8x256xf32, #tpu.memory_space<hbm>>
        %dma_start3A_380 = arith.constant 0 : i32
        %dma_start3A_381 = arith.constant 0 : i32
        %dma_start3A_382 = tpu.memref_slice %arg7[%dma_start3A_380, %dma_start3A_381] : memref<16x256xf32, #tpu.memory_space<vmem>> -> memref<8x256xf32, #tpu.memory_space<vmem>>
        %dma_start3A_383 = arith.constant 0 : i32
        %dma_start3A_384 = tpu.memref_slice %arg2[%dma_start3A_383, %multiple_of3A_374] : memref<16x2600000xf32, #tpu.memory_space<hbm>> -> memref<8x256xf32, #tpu.memory_space<hbm>>
        tpu.enqueue_dma source(%dma_start3A_384 : memref<8x256xf32, #tpu.memory_space<hbm>>) target(%dma_start3A_382 : memref<8x256xf32, #tpu.memory_space<vmem>>) target_semaphore(%arg15 : memref<!tpu.dma_semaphore, #tpu.memory_space<semaphore_mem>>)
        %dma_start3A_385 = arith.constant 8 : i32
        %dma_start3A_386 = arith.constant 0 : i32
        %dma_start3A_387 = tpu.memref_slice %arg7[%dma_start3A_385, %dma_start3A_386] : memref<16x256xf32, #tpu.memory_space<vmem>> -> memref<8x256xf32, #tpu.memory_space<vmem>>
        %dma_start3A_388 = arith.constant 8 : i32
        %dma_start3A_389 = tpu.memref_slice %arg2[%dma_start3A_388, %multiple_of3A_374] : memref<16x2600000xf32, #tpu.memory_space<hbm>> -> memref<8x256xf32, #tpu.memory_space<hbm>>
        %dma_start3A_390 = arith.constant 8 : i32
        %dma_start3A_391 = arith.constant 0 : i32
        %dma_start3A_392 = tpu.memref_slice %arg7[%dma_start3A_390, %dma_start3A_391] : memref<16x256xf32, #tpu.memory_space<vmem>> -> memref<8x256xf32, #tpu.memory_space<vmem>>
        %dma_start3A_393 = arith.constant 8 : i32
        %dma_start3A_394 = tpu.memref_slice %arg2[%dma_start3A_393, %multiple_of3A_374] : memref<16x2600000xf32, #tpu.memory_space<hbm>> -> memref<8x256xf32, #tpu.memory_space<hbm>>
        tpu.enqueue_dma source(%dma_start3A_394 : memref<8x256xf32, #tpu.memory_space<hbm>>) target(%dma_start3A_392 : memref<8x256xf32, #tpu.memory_space<vmem>>) target_semaphore(%arg15 : memref<!tpu.dma_semaphore, #tpu.memory_space<semaphore_mem>>)
      } else {
      }
      %ge3A_353 = arith.constant 4 : i32
      %ge3A_354 = arith.cmpi sge, %add3A_321, %ge3A_353 : i32
      %convert_element_type3A_355 = arith.extui %ge3A_354 : i1 to i32
      %cond3A_356 = arith.constant 0 : i32
      %cond3A_357 = arith.cmpi ne, %convert_element_type3A_355, %cond3A_356 : i32
      scf.if %cond3A_357 {
        %dma_wait3A_369 = arith.constant 0 : i32
        %dma_wait3A_370 = tpu.memref_slice %arg4[%dma_wait3A_369] : memref<41600000xf32, #tpu.memory_space<hbm>> -> memref<4096xf32, #tpu.memory_space<hbm>>
        %dma_wait3A_371 = arith.constant 0 : i32
        %dma_wait3A_372 = tpu.memref_slice %arg4[%dma_wait3A_371] : memref<41600000xf32, #tpu.memory_space<hbm>> -> memref<4096xf32, #tpu.memory_space<hbm>>
        tpu.wait_dma2 semaphore(%arg20 : memref<!tpu.dma_semaphore, #tpu.memory_space<semaphore_mem>>) src(%dma_wait3A_372 : memref<4096xf32, #tpu.memory_space<hbm>>) dst(%arg12 : memref<4096xf32, #tpu.memory_space<vmem>>)
      } else {
      }
      %parallel_loop3A_358 = arith.constant 0 : i32
      %parallel_loop3A_359 = arith.constant 256 : i32
      %parallel_loop3A_360 = arith.constant 16 : i32
      scf.for %parallel_loop3A_369 = %parallel_loop3A_358 to %parallel_loop3A_359 step %parallel_loop3A_360  : i32 {
        %parallel_loop3A_370 = tpu.assume_multiple %parallel_loop3A_369, 16 : i32
        %parallel_loop3A_371 = arith.constant 0 : i32
        %parallel_loop3A_372 = arith.index_cast %parallel_loop3A_371 : i32 to index
        %parallel_loop3A_373 = arith.index_cast %parallel_loop3A_370 : i32 to index
        %parallel_loop3A_374 = tpu.vector_load %arg8[%parallel_loop3A_372, %parallel_loop3A_373] {strides = array<i32>} : memref<16x256xf32, #tpu.memory_space<vmem>>, vector<16xf32>,
        %parallel_loop3A_375 = arith.constant 1 : i32
        %parallel_loop3A_376 = arith.index_cast %parallel_loop3A_375 : i32 to index
        %parallel_loop3A_377 = arith.index_cast %parallel_loop3A_370 : i32 to index
        %parallel_loop3A_378 = tpu.vector_load %arg8[%parallel_loop3A_376, %parallel_loop3A_377] {strides = array<i32>} : memref<16x256xf32, #tpu.memory_space<vmem>>, vector<16xf32>,
        %parallel_loop3A_379 = arith.constant 2 : i32
        %parallel_loop3A_380 = arith.index_cast %parallel_loop3A_379 : i32 to index
        %parallel_loop3A_381 = arith.index_cast %parallel_loop3A_370 : i32 to index
        %parallel_loop3A_382 = tpu.vector_load %arg8[%parallel_loop3A_380, %parallel_loop3A_381] {strides = array<i32>} : memref<16x256xf32, #tpu.memory_space<vmem>>, vector<16xf32>,
        %parallel_loop3A_383 = arith.constant 3 : i32
        %parallel_loop3A_384 = arith.index_cast %parallel_loop3A_383 : i32 to index
        %parallel_loop3A_385 = arith.index_cast %parallel_loop3A_370 : i32 to index
        %parallel_loop3A_386 = tpu.vector_load %arg8[%parallel_loop3A_384, %parallel_loop3A_385] {strides = array<i32>} : memref<16x256xf32, #tpu.memory_space<vmem>>, vector<16xf32>,
        %parallel_loop3A_387 = arith.constant 4 : i32
        %parallel_loop3A_388 = arith.index_cast %parallel_loop3A_387 : i32 to index
        %parallel_loop3A_389 = arith.index_cast %parallel_loop3A_370 : i32 to index
        %parallel_loop3A_390 = tpu.vector_load %arg8[%parallel_loop3A_388, %parallel_loop3A_389] {strides = array<i32>} : memref<16x256xf32, #tpu.memory_space<vmem>>, vector<16xf32>,
        %parallel_loop3A_391 = arith.constant 5 : i32
        %parallel_loop3A_392 = arith.index_cast %parallel_loop3A_391 : i32 to index
        %parallel_loop3A_393 = arith.index_cast %parallel_loop3A_370 : i32 to index
        %parallel_loop3A_394 = tpu.vector_load %arg8[%parallel_loop3A_392, %parallel_loop3A_393] {strides = array<i32>} : memref<16x256xf32, #tpu.memory_space<vmem>>, vector<16xf32>,
        %parallel_loop3A_395 = arith.constant 6 : i32
        %parallel_loop3A_396 = arith.index_cast %parallel_loop3A_395 : i32 to index
        %parallel_loop3A_397 = arith.index_cast %parallel_loop3A_370 : i32 to index
        %parallel_loop3A_398 = tpu.vector_load %arg8[%parallel_loop3A_396, %parallel_loop3A_397] {strides = array<i32>} : memref<16x256xf32, #tpu.memory_space<vmem>>, vector<16xf32>,
        %parallel_loop3A_399 = arith.constant 7 : i32
        %parallel_loop3A_400 = arith.index_cast %parallel_loop3A_399 : i32 to index
        %parallel_loop3A_401 = arith.index_cast %parallel_loop3A_370 : i32 to index
        %parallel_loop3A_402 = tpu.vector_load %arg8[%parallel_loop3A_400, %parallel_loop3A_401] {strides = array<i32>} : memref<16x256xf32, #tpu.memory_space<vmem>>, vector<16xf32>,
        %parallel_loop3A_403 = arith.constant 8 : i32
        %parallel_loop3A_404 = arith.index_cast %parallel_loop3A_403 : i32 to index
        %parallel_loop3A_405 = arith.index_cast %parallel_loop3A_370 : i32 to index
        %parallel_loop3A_406 = tpu.vector_load %arg8[%parallel_loop3A_404, %parallel_loop3A_405] {strides = array<i32>} : memref<16x256xf32, #tpu.memory_space<vmem>>, vector<16xf32>,
        %parallel_loop3A_407 = arith.constant 9 : i32
        %parallel_loop3A_408 = arith.index_cast %parallel_loop3A_407 : i32 to index
        %parallel_loop3A_409 = arith.index_cast %parallel_loop3A_370 : i32 to index
        %parallel_loop3A_410 = tpu.vector_load %arg8[%parallel_loop3A_408, %parallel_loop3A_409] {strides = array<i32>} : memref<16x256xf32, #tpu.memory_space<vmem>>, vector<16xf32>,
        %parallel_loop3A_411 = arith.constant 10 : i32
        %parallel_loop3A_412 = arith.index_cast %parallel_loop3A_411 : i32 to index
        %parallel_loop3A_413 = arith.index_cast %parallel_loop3A_370 : i32 to index
        %parallel_loop3A_414 = tpu.vector_load %arg8[%parallel_loop3A_412, %parallel_loop3A_413] {strides = array<i32>} : memref<16x256xf32, #tpu.memory_space<vmem>>, vector<16xf32>,
        %parallel_loop3A_415 = arith.constant 11 : i32
        %parallel_loop3A_416 = arith.index_cast %parallel_loop3A_415 : i32 to index
        %parallel_loop3A_417 = arith.index_cast %parallel_loop3A_370 : i32 to index
        %parallel_loop3A_418 = tpu.vector_load %arg8[%parallel_loop3A_416, %parallel_loop3A_417] {strides = array<i32>} : memref<16x256xf32, #tpu.memory_space<vmem>>, vector<16xf32>,
        %parallel_loop3A_419 = arith.constant 12 : i32
        %parallel_loop3A_420 = arith.index_cast %parallel_loop3A_419 : i32 to index
        %parallel_loop3A_421 = arith.index_cast %parallel_loop3A_370 : i32 to index
        %parallel_loop3A_422 = tpu.vector_load %arg8[%parallel_loop3A_420, %parallel_loop3A_421] {strides = array<i32>} : memref<16x256xf32, #tpu.memory_space<vmem>>, vector<16xf32>,
        %parallel_loop3A_423 = arith.constant 13 : i32
        %parallel_loop3A_424 = arith.index_cast %parallel_loop3A_423 : i32 to index
        %parallel_loop3A_425 = arith.index_cast %parallel_loop3A_370 : i32 to index
        %parallel_loop3A_426 = tpu.vector_load %arg8[%parallel_loop3A_424, %parallel_loop3A_425] {strides = array<i32>} : memref<16x256xf32, #tpu.memory_space<vmem>>, vector<16xf32>,
        %parallel_loop3A_427 = arith.constant 14 : i32
        %parallel_loop3A_428 = arith.index_cast %parallel_loop3A_427 : i32 to index
        %parallel_loop3A_429 = arith.index_cast %parallel_loop3A_370 : i32 to index
        %parallel_loop3A_430 = tpu.vector_load %arg8[%parallel_loop3A_428, %parallel_loop3A_429] {strides = array<i32>} : memref<16x256xf32, #tpu.memory_space<vmem>>, vector<16xf32>,
        %parallel_loop3A_431 = arith.constant 15 : i32
        %parallel_loop3A_432 = arith.index_cast %parallel_loop3A_431 : i32 to index
        %parallel_loop3A_433 = arith.index_cast %parallel_loop3A_370 : i32 to index
        %parallel_loop3A_434 = tpu.vector_load %arg8[%parallel_loop3A_432, %parallel_loop3A_433] {strides = array<i32>} : memref<16x256xf32, #tpu.memory_space<vmem>>, vector<16xf32>,
        %parallel_loop3A_435 = arith.constant 16 : i32
        %parallel_loop3A_436 = arith.muli %parallel_loop3A_370, %parallel_loop3A_435 : i32
        %parallel_loop3A_437 = arith.constant 0 : i32
        %parallel_loop3A_438 = arith.addi %parallel_loop3A_436, %parallel_loop3A_437 : i32
        %parallel_loop3A_439 = vector.broadcast %parallel_loop3A_438 : i32 to vector<16xi32>
        %parallel_loop3A_440 = arith.addi %mul3A_3, %parallel_loop3A_439 : vector<16xi32>
        tpu.vector_store_idx %arg12[%parallel_loop3A_440], %parallel_loop3A_374 : memref<4096xf32, #tpu.memory_space<vmem>>[vector<16xi32>], vector<16xf32>,
        %parallel_loop3A_441 = arith.constant 16 : i32
        %parallel_loop3A_442 = arith.muli %parallel_loop3A_370, %parallel_loop3A_441 : i32
        %parallel_loop3A_443 = arith.constant 1 : i32
        %parallel_loop3A_444 = arith.addi %parallel_loop3A_442, %parallel_loop3A_443 : i32
        %parallel_loop3A_445 = vector.broadcast %parallel_loop3A_444 : i32 to vector<16xi32>
        %parallel_loop3A_446 = arith.addi %mul3A_3, %parallel_loop3A_445 : vector<16xi32>
        tpu.vector_store_idx %arg12[%parallel_loop3A_446], %parallel_loop3A_378 : memref<4096xf32, #tpu.memory_space<vmem>>[vector<16xi32>], vector<16xf32>,
        %parallel_loop3A_447 = arith.constant 16 : i32
        %parallel_loop3A_448 = arith.muli %parallel_loop3A_370, %parallel_loop3A_447 : i32
        %parallel_loop3A_449 = arith.constant 2 : i32
        %parallel_loop3A_450 = arith.addi %parallel_loop3A_448, %parallel_loop3A_449 : i32
        %parallel_loop3A_451 = vector.broadcast %parallel_loop3A_450 : i32 to vector<16xi32>
        %parallel_loop3A_452 = arith.addi %mul3A_3, %parallel_loop3A_451 : vector<16xi32>
        tpu.vector_store_idx %arg12[%parallel_loop3A_452], %parallel_loop3A_382 : memref<4096xf32, #tpu.memory_space<vmem>>[vector<16xi32>], vector<16xf32>,
        %parallel_loop3A_453 = arith.constant 16 : i32
        %parallel_loop3A_454 = arith.muli %parallel_loop3A_370, %parallel_loop3A_453 : i32
        %parallel_loop3A_455 = arith.constant 3 : i32
        %parallel_loop3A_456 = arith.addi %parallel_loop3A_454, %parallel_loop3A_455 : i32
        %parallel_loop3A_457 = vector.broadcast %parallel_loop3A_456 : i32 to vector<16xi32>
        %parallel_loop3A_458 = arith.addi %mul3A_3, %parallel_loop3A_457 : vector<16xi32>
        tpu.vector_store_idx %arg12[%parallel_loop3A_458], %parallel_loop3A_386 : memref<4096xf32, #tpu.memory_space<vmem>>[vector<16xi32>], vector<16xf32>,
        %parallel_loop3A_459 = arith.constant 16 : i32
        %parallel_loop3A_460 = arith.muli %parallel_loop3A_370, %parallel_loop3A_459 : i32
        %parallel_loop3A_461 = arith.constant 4 : i32
        %parallel_loop3A_462 = arith.addi %parallel_loop3A_460, %parallel_loop3A_461 : i32
        %parallel_loop3A_463 = vector.broadcast %parallel_loop3A_462 : i32 to vector<16xi32>
        %parallel_loop3A_464 = arith.addi %mul3A_3, %parallel_loop3A_463 : vector<16xi32>
        tpu.vector_store_idx %arg12[%parallel_loop3A_464], %parallel_loop3A_390 : memref<4096xf32, #tpu.memory_space<vmem>>[vector<16xi32>], vector<16xf32>,
        %parallel_loop3A_465 = arith.constant 16 : i32
        %parallel_loop3A_466 = arith.muli %parallel_loop3A_370, %parallel_loop3A_465 : i32
        %parallel_loop3A_467 = arith.constant 5 : i32
        %parallel_loop3A_468 = arith.addi %parallel_loop3A_466, %parallel_loop3A_467 : i32
        %parallel_loop3A_469 = vector.broadcast %parallel_loop3A_468 : i32 to vector<16xi32>
        %parallel_loop3A_470 = arith.addi %mul3A_3, %parallel_loop3A_469 : vector<16xi32>
        tpu.vector_store_idx %arg12[%parallel_loop3A_470], %parallel_loop3A_394 : memref<4096xf32, #tpu.memory_space<vmem>>[vector<16xi32>], vector<16xf32>,
        %parallel_loop3A_471 = arith.constant 16 : i32
        %parallel_loop3A_472 = arith.muli %parallel_loop3A_370, %parallel_loop3A_471 : i32
        %parallel_loop3A_473 = arith.constant 6 : i32
        %parallel_loop3A_474 = arith.addi %parallel_loop3A_472, %parallel_loop3A_473 : i32
        %parallel_loop3A_475 = vector.broadcast %parallel_loop3A_474 : i32 to vector<16xi32>
        %parallel_loop3A_476 = arith.addi %mul3A_3, %parallel_loop3A_475 : vector<16xi32>
        tpu.vector_store_idx %arg12[%parallel_loop3A_476], %parallel_loop3A_398 : memref<4096xf32, #tpu.memory_space<vmem>>[vector<16xi32>], vector<16xf32>,
        %parallel_loop3A_477 = arith.constant 16 : i32
        %parallel_loop3A_478 = arith.muli %parallel_loop3A_370, %parallel_loop3A_477 : i32
        %parallel_loop3A_479 = arith.constant 7 : i32
        %parallel_loop3A_480 = arith.addi %parallel_loop3A_478, %parallel_loop3A_479 : i32
        %parallel_loop3A_481 = vector.broadcast %parallel_loop3A_480 : i32 to vector<16xi32>
        %parallel_loop3A_482 = arith.addi %mul3A_3, %parallel_loop3A_481 : vector<16xi32>
        tpu.vector_store_idx %arg12[%parallel_loop3A_482], %parallel_loop3A_402 : memref<4096xf32, #tpu.memory_space<vmem>>[vector<16xi32>], vector<16xf32>,
        %parallel_loop3A_483 = arith.constant 16 : i32
        %parallel_loop3A_484 = arith.muli %parallel_loop3A_370, %parallel_loop3A_483 : i32
        %parallel_loop3A_485 = arith.constant 8 : i32
        %parallel_loop3A_486 = arith.addi %parallel_loop3A_484, %parallel_loop3A_485 : i32
        %parallel_loop3A_487 = vector.broadcast %parallel_loop3A_486 : i32 to vector<16xi32>
        %parallel_loop3A_488 = arith.addi %mul3A_3, %parallel_loop3A_487 : vector<16xi32>
        tpu.vector_store_idx %arg12[%parallel_loop3A_488], %parallel_loop3A_406 : memref<4096xf32, #tpu.memory_space<vmem>>[vector<16xi32>], vector<16xf32>,
        %parallel_loop3A_489 = arith.constant 16 : i32
        %parallel_loop3A_490 = arith.muli %parallel_loop3A_370, %parallel_loop3A_489 : i32
        %parallel_loop3A_491 = arith.constant 9 : i32
        %parallel_loop3A_492 = arith.addi %parallel_loop3A_490, %parallel_loop3A_491 : i32
        %parallel_loop3A_493 = vector.broadcast %parallel_loop3A_492 : i32 to vector<16xi32>
        %parallel_loop3A_494 = arith.addi %mul3A_3, %parallel_loop3A_493 : vector<16xi32>
        tpu.vector_store_idx %arg12[%parallel_loop3A_494], %parallel_loop3A_410 : memref<4096xf32, #tpu.memory_space<vmem>>[vector<16xi32>], vector<16xf32>,
        %parallel_loop3A_495 = arith.constant 16 : i32
        %parallel_loop3A_496 = arith.muli %parallel_loop3A_370, %parallel_loop3A_495 : i32
        %parallel_loop3A_497 = arith.constant 10 : i32
        %parallel_loop3A_498 = arith.addi %parallel_loop3A_496, %parallel_loop3A_497 : i32
        %parallel_loop3A_499 = vector.broadcast %parallel_loop3A_498 : i32 to vector<16xi32>
        %parallel_loop3A_500 = arith.addi %mul3A_3, %parallel_loop3A_499 : vector<16xi32>
        tpu.vector_store_idx %arg12[%parallel_loop3A_500], %parallel_loop3A_414 : memref<4096xf32, #tpu.memory_space<vmem>>[vector<16xi32>], vector<16xf32>,
        %parallel_loop3A_501 = arith.constant 16 : i32
        %parallel_loop3A_502 = arith.muli %parallel_loop3A_370, %parallel_loop3A_501 : i32
        %parallel_loop3A_503 = arith.constant 11 : i32
        %parallel_loop3A_504 = arith.addi %parallel_loop3A_502, %parallel_loop3A_503 : i32
        %parallel_loop3A_505 = vector.broadcast %parallel_loop3A_504 : i32 to vector<16xi32>
        %parallel_loop3A_506 = arith.addi %mul3A_3, %parallel_loop3A_505 : vector<16xi32>
        tpu.vector_store_idx %arg12[%parallel_loop3A_506], %parallel_loop3A_418 : memref<4096xf32, #tpu.memory_space<vmem>>[vector<16xi32>], vector<16xf32>,
        %parallel_loop3A_507 = arith.constant 16 : i32
        %parallel_loop3A_508 = arith.muli %parallel_loop3A_370, %parallel_loop3A_507 : i32
        %parallel_loop3A_509 = arith.constant 12 : i32
        %parallel_loop3A_510 = arith.addi %parallel_loop3A_508, %parallel_loop3A_509 : i32
        %parallel_loop3A_511 = vector.broadcast %parallel_loop3A_510 : i32 to vector<16xi32>
        %parallel_loop3A_512 = arith.addi %mul3A_3, %parallel_loop3A_511 : vector<16xi32>
        tpu.vector_store_idx %arg12[%parallel_loop3A_512], %parallel_loop3A_422 : memref<4096xf32, #tpu.memory_space<vmem>>[vector<16xi32>], vector<16xf32>,
        %parallel_loop3A_513 = arith.constant 16 : i32
        %parallel_loop3A_514 = arith.muli %parallel_loop3A_370, %parallel_loop3A_513 : i32
        %parallel_loop3A_515 = arith.constant 13 : i32
        %parallel_loop3A_516 = arith.addi %parallel_loop3A_514, %parallel_loop3A_515 : i32
        %parallel_loop3A_517 = vector.broadcast %parallel_loop3A_516 : i32 to vector<16xi32>
        %parallel_loop3A_518 = arith.addi %mul3A_3, %parallel_loop3A_517 : vector<16xi32>
        tpu.vector_store_idx %arg12[%parallel_loop3A_518], %parallel_loop3A_426 : memref<4096xf32, #tpu.memory_space<vmem>>[vector<16xi32>], vector<16xf32>,
        %parallel_loop3A_519 = arith.constant 16 : i32
        %parallel_loop3A_520 = arith.muli %parallel_loop3A_370, %parallel_loop3A_519 : i32
        %parallel_loop3A_521 = arith.constant 14 : i32
        %parallel_loop3A_522 = arith.addi %parallel_loop3A_520, %parallel_loop3A_521 : i32
        %parallel_loop3A_523 = vector.broadcast %parallel_loop3A_522 : i32 to vector<16xi32>
        %parallel_loop3A_524 = arith.addi %mul3A_3, %parallel_loop3A_523 : vector<16xi32>
        tpu.vector_store_idx %arg12[%parallel_loop3A_524], %parallel_loop3A_430 : memref<4096xf32, #tpu.memory_space<vmem>>[vector<16xi32>], vector<16xf32>,
        %parallel_loop3A_525 = arith.constant 16 : i32
        %parallel_loop3A_526 = arith.muli %parallel_loop3A_370, %parallel_loop3A_525 : i32
        %parallel_loop3A_527 = arith.constant 15 : i32
        %parallel_loop3A_528 = arith.addi %parallel_loop3A_526, %parallel_loop3A_527 : i32
        %parallel_loop3A_529 = vector.broadcast %parallel_loop3A_528 : i32 to vector<16xi32>
        %parallel_loop3A_530 = arith.addi %mul3A_3, %parallel_loop3A_529 : vector<16xi32>
        tpu.vector_store_idx %arg12[%parallel_loop3A_530], %parallel_loop3A_434 : memref<4096xf32, #tpu.memory_space<vmem>>[vector<16xi32>], vector<16xf32>,
      } {sc.loop_unroll_factor = 4 : i64, sc.parallel_access}
      %mul3A_361 = arith.constant 32 : i32
      %mul3A_362 = arith.muli %add3A_321, %mul3A_361 : i32
      %add3A_363 = arith.addi %mul3A_362, %add3A : i32
      %mul3A_364 = arith.constant 4096 : i32
      %mul3A_365 = arith.muli %add3A_363, %mul3A_364 : i32
      %multiple_of3A_366 = tpu.assume_multiple %mul3A_365, 4096 : i32
      %dma_start3A_367 = tpu.memref_slice %arg4[%multiple_of3A_366] : memref<41600000xf32, #tpu.memory_space<hbm>> -> memref<4096xf32, #tpu.memory_space<hbm>>
      %dma_start3A_368 = tpu.memref_slice %arg4[%multiple_of3A_366] : memref<41600000xf32, #tpu.memory_space<hbm>> -> memref<4096xf32, #tpu.memory_space<hbm>>
      tpu.enqueue_dma source(%arg12 : memref<4096xf32, #tpu.memory_space<vmem>>) target(%dma_start3A_368 : memref<4096xf32, #tpu.memory_space<hbm>>) target_semaphore(%arg20 : memref<!tpu.dma_semaphore, #tpu.memory_space<semaphore_mem>>)
    }
    %scan3A_81 = arith.constant 79 : i32
    %add3A_82 = arith.constant 10112 : i32
    %add3A_83 = arith.addi %add3A_82, %add3A : i32
    %mul3A_84 = arith.constant 256 : i32
    %mul3A_85 = arith.muli %add3A_83, %mul3A_84 : i32
    %multiple_of3A_86 = tpu.assume_multiple %mul3A_85, 256 : i32
    %dma_start3A_87 = arith.constant 0 : i32
    %dma_start3A_88 = arith.constant 0 : i32
    %dma_start3A_89 = tpu.memref_slice %arg5[%dma_start3A_87, %dma_start3A_88] : memref<16x256xf32, #tpu.memory_space<vmem>> -> memref<8x256xf32, #tpu.memory_space<vmem>>
    %dma_start3A_90 = arith.constant 0 : i32
    %dma_start3A_91 = tpu.memref_slice %arg2[%dma_start3A_90, %multiple_of3A_86] : memref<16x2600000xf32, #tpu.memory_space<hbm>> -> memref<8x256xf32, #tpu.memory_space<hbm>>
    %dma_start3A_92 = arith.constant 0 : i32
    %dma_start3A_93 = arith.constant 0 : i32
    %dma_start3A_94 = tpu.memref_slice %arg5[%dma_start3A_92, %dma_start3A_93] : memref<16x256xf32, #tpu.memory_space<vmem>> -> memref<8x256xf32, #tpu.memory_space<vmem>>
    %dma_start3A_95 = arith.constant 0 : i32
    %dma_start3A_96 = tpu.memref_slice %arg2[%dma_start3A_95, %multiple_of3A_86] : memref<16x2600000xf32, #tpu.memory_space<hbm>> -> memref<8x256xf32, #tpu.memory_space<hbm>>
    tpu.enqueue_dma source(%dma_start3A_96 : memref<8x256xf32, #tpu.memory_space<hbm>>) target(%dma_start3A_94 : memref<8x256xf32, #tpu.memory_space<vmem>>) target_semaphore(%arg13 : memref<!tpu.dma_semaphore, #tpu.memory_space<semaphore_mem>>)
    %dma_start3A_97 = arith.constant 8 : i32
    %dma_start3A_98 = arith.constant 0 : i32
    %dma_start3A_99 = tpu.memref_slice %arg5[%dma_start3A_97, %dma_start3A_98] : memref<16x256xf32, #tpu.memory_space<vmem>> -> memref<8x256xf32, #tpu.memory_space<vmem>>
    %dma_start3A_100 = arith.constant 8 : i32
    %dma_start3A_101 = tpu.memref_slice %arg2[%dma_start3A_100, %multiple_of3A_86] : memref<16x2600000xf32, #tpu.memory_space<hbm>> -> memref<8x256xf32, #tpu.memory_space<hbm>>
    %dma_start3A_102 = arith.constant 8 : i32
    %dma_start3A_103 = arith.constant 0 : i32
    %dma_start3A_104 = tpu.memref_slice %arg5[%dma_start3A_102, %dma_start3A_103] : memref<16x256xf32, #tpu.memory_space<vmem>> -> memref<8x256xf32, #tpu.memory_space<vmem>>
    %dma_start3A_105 = arith.constant 8 : i32
    %dma_start3A_106 = tpu.memref_slice %arg2[%dma_start3A_105, %multiple_of3A_86] : memref<16x2600000xf32, #tpu.memory_space<hbm>> -> memref<8x256xf32, #tpu.memory_space<hbm>>
    tpu.enqueue_dma source(%dma_start3A_106 : memref<8x256xf32, #tpu.memory_space<hbm>>) target(%dma_start3A_104 : memref<8x256xf32, #tpu.memory_space<vmem>>) target_semaphore(%arg13 : memref<!tpu.dma_semaphore, #tpu.memory_space<semaphore_mem>>)
    %dma_wait3A = arith.constant 0 : i32
    %dma_wait3A_107 = arith.constant 0 : i32
    %dma_wait3A_108 = tpu.memref_slice %arg5[%dma_wait3A, %dma_wait3A_107] : memref<16x256xf32, #tpu.memory_space<vmem>> -> memref<8x256xf32, #tpu.memory_space<vmem>>
    %dma_wait3A_109 = arith.constant 0 : i32
    %dma_wait3A_110 = arith.constant 0 : i32
    %dma_wait3A_111 = tpu.memref_slice %arg2[%dma_wait3A_109, %dma_wait3A_110] : memref<16x2600000xf32, #tpu.memory_space<hbm>> -> memref<8x256xf32, #tpu.memory_space<hbm>>
    %dma_wait3A_112 = arith.constant 0 : i32
    %dma_wait3A_113 = arith.constant 0 : i32
    %dma_wait3A_114 = tpu.memref_slice %arg5[%dma_wait3A_112, %dma_wait3A_113] : memref<16x256xf32, #tpu.memory_space<vmem>> -> memref<8x256xf32, #tpu.memory_space<vmem>>
    %dma_wait3A_115 = arith.constant 0 : i32
    %dma_wait3A_116 = arith.constant 0 : i32
    %dma_wait3A_117 = tpu.memref_slice %arg2[%dma_wait3A_115, %dma_wait3A_116] : memref<16x2600000xf32, #tpu.memory_space<hbm>> -> memref<8x256xf32, #tpu.memory_space<hbm>>
    tpu.wait_dma2 semaphore(%arg13 : memref<!tpu.dma_semaphore, #tpu.memory_space<semaphore_mem>>) src(%dma_wait3A_117 : memref<8x256xf32, #tpu.memory_space<hbm>>) dst(%dma_wait3A_114 : memref<8x256xf32, #tpu.memory_space<vmem>>)
    %dma_wait3A_118 = arith.constant 8 : i32
    %dma_wait3A_119 = arith.constant 0 : i32
    %dma_wait3A_120 = tpu.memref_slice %arg5[%dma_wait3A_118, %dma_wait3A_119] : memref<16x256xf32, #tpu.memory_space<vmem>> -> memref<8x256xf32, #tpu.memory_space<vmem>>
    %dma_wait3A_121 = arith.constant 0 : i32
    %dma_wait3A_122 = arith.constant 0 : i32
    %dma_wait3A_123 = tpu.memref_slice %arg2[%dma_wait3A_121, %dma_wait3A_122] : memref<16x2600000xf32, #tpu.memory_space<hbm>> -> memref<8x256xf32, #tpu.memory_space<hbm>>
    %dma_wait3A_124 = arith.constant 8 : i32
    %dma_wait3A_125 = arith.constant 0 : i32
    %dma_wait3A_126 = tpu.memref_slice %arg5[%dma_wait3A_124, %dma_wait3A_125] : memref<16x256xf32, #tpu.memory_space<vmem>> -> memref<8x256xf32, #tpu.memory_space<vmem>>
    %dma_wait3A_127 = arith.constant 0 : i32
    %dma_wait3A_128 = arith.constant 0 : i32
    %dma_wait3A_129 = tpu.memref_slice %arg2[%dma_wait3A_127, %dma_wait3A_128] : memref<16x2600000xf32, #tpu.memory_space<hbm>> -> memref<8x256xf32, #tpu.memory_space<hbm>>
    tpu.wait_dma2 semaphore(%arg13 : memref<!tpu.dma_semaphore, #tpu.memory_space<semaphore_mem>>) src(%dma_wait3A_129 : memref<8x256xf32, #tpu.memory_space<hbm>>) dst(%dma_wait3A_126 : memref<8x256xf32, #tpu.memory_space<vmem>>)
    %dma_wait3A_130 = arith.constant 0 : i32
    %dma_wait3A_131 = tpu.memref_slice %arg4[%dma_wait3A_130] : memref<41600000xf32, #tpu.memory_space<hbm>> -> memref<4096xf32, #tpu.memory_space<hbm>>
    %dma_wait3A_132 = arith.constant 0 : i32
    %dma_wait3A_133 = tpu.memref_slice %arg4[%dma_wait3A_132] : memref<41600000xf32, #tpu.memory_space<hbm>> -> memref<4096xf32, #tpu.memory_space<hbm>>
    tpu.wait_dma2 semaphore(%arg17 : memref<!tpu.dma_semaphore, #tpu.memory_space<semaphore_mem>>) src(%dma_wait3A_133 : memref<4096xf32, #tpu.memory_space<hbm>>) dst(%arg9 : memref<4096xf32, #tpu.memory_space<vmem>>)
    %parallel_loop3A = arith.constant 0 : i32
    %parallel_loop3A_134 = arith.constant 256 : i32
    %parallel_loop3A_135 = arith.constant 16 : i32
    scf.for %parallel_loop3A_165 = %parallel_loop3A to %parallel_loop3A_134 step %parallel_loop3A_135  : i32 {
      %parallel_loop3A_166 = tpu.assume_multiple %parallel_loop3A_165, 16 : i32
      %parallel_loop3A_167 = arith.constant 0 : i32
      %parallel_loop3A_168 = arith.index_cast %parallel_loop3A_167 : i32 to index
      %parallel_loop3A_169 = arith.index_cast %parallel_loop3A_166 : i32 to index
      %parallel_loop3A_170 = tpu.vector_load %arg5[%parallel_loop3A_168, %parallel_loop3A_169] {strides = array<i32>} : memref<16x256xf32, #tpu.memory_space<vmem>>, vector<16xf32>,
      %parallel_loop3A_171 = arith.constant 1 : i32
      %parallel_loop3A_172 = arith.index_cast %parallel_loop3A_171 : i32 to index
      %parallel_loop3A_173 = arith.index_cast %parallel_loop3A_166 : i32 to index
      %parallel_loop3A_174 = tpu.vector_load %arg5[%parallel_loop3A_172, %parallel_loop3A_173] {strides = array<i32>} : memref<16x256xf32, #tpu.memory_space<vmem>>, vector<16xf32>,
      %parallel_loop3A_175 = arith.constant 2 : i32
      %parallel_loop3A_176 = arith.index_cast %parallel_loop3A_175 : i32 to index
      %parallel_loop3A_177 = arith.index_cast %parallel_loop3A_166 : i32 to index
      %parallel_loop3A_178 = tpu.vector_load %arg5[%parallel_loop3A_176, %parallel_loop3A_177] {strides = array<i32>} : memref<16x256xf32, #tpu.memory_space<vmem>>, vector<16xf32>,
      %parallel_loop3A_179 = arith.constant 3 : i32
      %parallel_loop3A_180 = arith.index_cast %parallel_loop3A_179 : i32 to index
      %parallel_loop3A_181 = arith.index_cast %parallel_loop3A_166 : i32 to index
      %parallel_loop3A_182 = tpu.vector_load %arg5[%parallel_loop3A_180, %parallel_loop3A_181] {strides = array<i32>} : memref<16x256xf32, #tpu.memory_space<vmem>>, vector<16xf32>,
      %parallel_loop3A_183 = arith.constant 4 : i32
      %parallel_loop3A_184 = arith.index_cast %parallel_loop3A_183 : i32 to index
      %parallel_loop3A_185 = arith.index_cast %parallel_loop3A_166 : i32 to index
      %parallel_loop3A_186 = tpu.vector_load %arg5[%parallel_loop3A_184, %parallel_loop3A_185] {strides = array<i32>} : memref<16x256xf32, #tpu.memory_space<vmem>>, vector<16xf32>,
      %parallel_loop3A_187 = arith.constant 5 : i32
      %parallel_loop3A_188 = arith.index_cast %parallel_loop3A_187 : i32 to index
      %parallel_loop3A_189 = arith.index_cast %parallel_loop3A_166 : i32 to index
      %parallel_loop3A_190 = tpu.vector_load %arg5[%parallel_loop3A_188, %parallel_loop3A_189] {strides = array<i32>} : memref<16x256xf32, #tpu.memory_space<vmem>>, vector<16xf32>,
      %parallel_loop3A_191 = arith.constant 6 : i32
      %parallel_loop3A_192 = arith.index_cast %parallel_loop3A_191 : i32 to index
      %parallel_loop3A_193 = arith.index_cast %parallel_loop3A_166 : i32 to index
      %parallel_loop3A_194 = tpu.vector_load %arg5[%parallel_loop3A_192, %parallel_loop3A_193] {strides = array<i32>} : memref<16x256xf32, #tpu.memory_space<vmem>>, vector<16xf32>,
      %parallel_loop3A_195 = arith.constant 7 : i32
      %parallel_loop3A_196 = arith.index_cast %parallel_loop3A_195 : i32 to index
      %parallel_loop3A_197 = arith.index_cast %parallel_loop3A_166 : i32 to index
      %parallel_loop3A_198 = tpu.vector_load %arg5[%parallel_loop3A_196, %parallel_loop3A_197] {strides = array<i32>} : memref<16x256xf32, #tpu.memory_space<vmem>>, vector<16xf32>,
      %parallel_loop3A_199 = arith.constant 8 : i32
      %parallel_loop3A_200 = arith.index_cast %parallel_loop3A_199 : i32 to index
      %parallel_loop3A_201 = arith.index_cast %parallel_loop3A_166 : i32 to index
      %parallel_loop3A_202 = tpu.vector_load %arg5[%parallel_loop3A_200, %parallel_loop3A_201] {strides = array<i32>} : memref<16x256xf32, #tpu.memory_space<vmem>>, vector<16xf32>,
      %parallel_loop3A_203 = arith.constant 9 : i32
      %parallel_loop3A_204 = arith.index_cast %parallel_loop3A_203 : i32 to index
      %parallel_loop3A_205 = arith.index_cast %parallel_loop3A_166 : i32 to index
      %parallel_loop3A_206 = tpu.vector_load %arg5[%parallel_loop3A_204, %parallel_loop3A_205] {strides = array<i32>} : memref<16x256xf32, #tpu.memory_space<vmem>>, vector<16xf32>,
      %parallel_loop3A_207 = arith.constant 10 : i32
      %parallel_loop3A_208 = arith.index_cast %parallel_loop3A_207 : i32 to index
      %parallel_loop3A_209 = arith.index_cast %parallel_loop3A_166 : i32 to index
      %parallel_loop3A_210 = tpu.vector_load %arg5[%parallel_loop3A_208, %parallel_loop3A_209] {strides = array<i32>} : memref<16x256xf32, #tpu.memory_space<vmem>>, vector<16xf32>,
      %parallel_loop3A_211 = arith.constant 11 : i32
      %parallel_loop3A_212 = arith.index_cast %parallel_loop3A_211 : i32 to index
      %parallel_loop3A_213 = arith.index_cast %parallel_loop3A_166 : i32 to index
      %parallel_loop3A_214 = tpu.vector_load %arg5[%parallel_loop3A_212, %parallel_loop3A_213] {strides = array<i32>} : memref<16x256xf32, #tpu.memory_space<vmem>>, vector<16xf32>,
      %parallel_loop3A_215 = arith.constant 12 : i32
      %parallel_loop3A_216 = arith.index_cast %parallel_loop3A_215 : i32 to index
      %parallel_loop3A_217 = arith.index_cast %parallel_loop3A_166 : i32 to index
      %parallel_loop3A_218 = tpu.vector_load %arg5[%parallel_loop3A_216, %parallel_loop3A_217] {strides = array<i32>} : memref<16x256xf32, #tpu.memory_space<vmem>>, vector<16xf32>,
      %parallel_loop3A_219 = arith.constant 13 : i32
      %parallel_loop3A_220 = arith.index_cast %parallel_loop3A_219 : i32 to index
      %parallel_loop3A_221 = arith.index_cast %parallel_loop3A_166 : i32 to index
      %parallel_loop3A_222 = tpu.vector_load %arg5[%parallel_loop3A_220, %parallel_loop3A_221] {strides = array<i32>} : memref<16x256xf32, #tpu.memory_space<vmem>>, vector<16xf32>,
      %parallel_loop3A_223 = arith.constant 14 : i32
      %parallel_loop3A_224 = arith.index_cast %parallel_loop3A_223 : i32 to index
      %parallel_loop3A_225 = arith.index_cast %parallel_loop3A_166 : i32 to index
      %parallel_loop3A_226 = tpu.vector_load %arg5[%parallel_loop3A_224, %parallel_loop3A_225] {strides = array<i32>} : memref<16x256xf32, #tpu.memory_space<vmem>>, vector<16xf32>,
      %parallel_loop3A_227 = arith.constant 15 : i32
      %parallel_loop3A_228 = arith.index_cast %parallel_loop3A_227 : i32 to index
      %parallel_loop3A_229 = arith.index_cast %parallel_loop3A_166 : i32 to index
      %parallel_loop3A_230 = tpu.vector_load %arg5[%parallel_loop3A_228, %parallel_loop3A_229] {strides = array<i32>} : memref<16x256xf32, #tpu.memory_space<vmem>>, vector<16xf32>,
      %parallel_loop3A_231 = arith.constant 16 : i32
      %parallel_loop3A_232 = arith.muli %parallel_loop3A_166, %parallel_loop3A_231 : i32
      %parallel_loop3A_233 = arith.constant 0 : i32
      %parallel_loop3A_234 = arith.addi %parallel_loop3A_232, %parallel_loop3A_233 : i32
      %parallel_loop3A_235 = vector.broadcast %parallel_loop3A_234 : i32 to vector<16xi32>
      %parallel_loop3A_236 = arith.addi %mul3A_3, %parallel_loop3A_235 : vector<16xi32>
      tpu.vector_store_idx %arg9[%parallel_loop3A_236], %parallel_loop3A_170 : memref<4096xf32, #tpu.memory_space<vmem>>[vector<16xi32>], vector<16xf32>,
      %parallel_loop3A_237 = arith.constant 16 : i32
      %parallel_loop3A_238 = arith.muli %parallel_loop3A_166, %parallel_loop3A_237 : i32
      %parallel_loop3A_239 = arith.constant 1 : i32
      %parallel_loop3A_240 = arith.addi %parallel_loop3A_238, %parallel_loop3A_239 : i32
      %parallel_loop3A_241 = vector.broadcast %parallel_loop3A_240 : i32 to vector<16xi32>
      %parallel_loop3A_242 = arith.addi %mul3A_3, %parallel_loop3A_241 : vector<16xi32>
      tpu.vector_store_idx %arg9[%parallel_loop3A_242], %parallel_loop3A_174 : memref<4096xf32, #tpu.memory_space<vmem>>[vector<16xi32>], vector<16xf32>,
      %parallel_loop3A_243 = arith.constant 16 : i32
      %parallel_loop3A_244 = arith.muli %parallel_loop3A_166, %parallel_loop3A_243 : i32
      %parallel_loop3A_245 = arith.constant 2 : i32
      %parallel_loop3A_246 = arith.addi %parallel_loop3A_244, %parallel_loop3A_245 : i32
      %parallel_loop3A_247 = vector.broadcast %parallel_loop3A_246 : i32 to vector<16xi32>
      %parallel_loop3A_248 = arith.addi %mul3A_3, %parallel_loop3A_247 : vector<16xi32>
      tpu.vector_store_idx %arg9[%parallel_loop3A_248], %parallel_loop3A_178 : memref<4096xf32, #tpu.memory_space<vmem>>[vector<16xi32>], vector<16xf32>,
      %parallel_loop3A_249 = arith.constant 16 : i32
      %parallel_loop3A_250 = arith.muli %parallel_loop3A_166, %parallel_loop3A_249 : i32
      %parallel_loop3A_251 = arith.constant 3 : i32
      %parallel_loop3A_252 = arith.addi %parallel_loop3A_250, %parallel_loop3A_251 : i32
      %parallel_loop3A_253 = vector.broadcast %parallel_loop3A_252 : i32 to vector<16xi32>
      %parallel_loop3A_254 = arith.addi %mul3A_3, %parallel_loop3A_253 : vector<16xi32>
      tpu.vector_store_idx %arg9[%parallel_loop3A_254], %parallel_loop3A_182 : memref<4096xf32, #tpu.memory_space<vmem>>[vector<16xi32>], vector<16xf32>,
      %parallel_loop3A_255 = arith.constant 16 : i32
      %parallel_loop3A_256 = arith.muli %parallel_loop3A_166, %parallel_loop3A_255 : i32
      %parallel_loop3A_257 = arith.constant 4 : i32
      %parallel_loop3A_258 = arith.addi %parallel_loop3A_256, %parallel_loop3A_257 : i32
      %parallel_loop3A_259 = vector.broadcast %parallel_loop3A_258 : i32 to vector<16xi32>
      %parallel_loop3A_260 = arith.addi %mul3A_3, %parallel_loop3A_259 : vector<16xi32>
      tpu.vector_store_idx %arg9[%parallel_loop3A_260], %parallel_loop3A_186 : memref<4096xf32, #tpu.memory_space<vmem>>[vector<16xi32>], vector<16xf32>,
      %parallel_loop3A_261 = arith.constant 16 : i32
      %parallel_loop3A_262 = arith.muli %parallel_loop3A_166, %parallel_loop3A_261 : i32
      %parallel_loop3A_263 = arith.constant 5 : i32
      %parallel_loop3A_264 = arith.addi %parallel_loop3A_262, %parallel_loop3A_263 : i32
      %parallel_loop3A_265 = vector.broadcast %parallel_loop3A_264 : i32 to vector<16xi32>
      %parallel_loop3A_266 = arith.addi %mul3A_3, %parallel_loop3A_265 : vector<16xi32>
      tpu.vector_store_idx %arg9[%parallel_loop3A_266], %parallel_loop3A_190 : memref<4096xf32, #tpu.memory_space<vmem>>[vector<16xi32>], vector<16xf32>,
      %parallel_loop3A_267 = arith.constant 16 : i32
      %parallel_loop3A_268 = arith.muli %parallel_loop3A_166, %parallel_loop3A_267 : i32
      %parallel_loop3A_269 = arith.constant 6 : i32
      %parallel_loop3A_270 = arith.addi %parallel_loop3A_268, %parallel_loop3A_269 : i32
      %parallel_loop3A_271 = vector.broadcast %parallel_loop3A_270 : i32 to vector<16xi32>
      %parallel_loop3A_272 = arith.addi %mul3A_3, %parallel_loop3A_271 : vector<16xi32>
      tpu.vector_store_idx %arg9[%parallel_loop3A_272], %parallel_loop3A_194 : memref<4096xf32, #tpu.memory_space<vmem>>[vector<16xi32>], vector<16xf32>,
      %parallel_loop3A_273 = arith.constant 16 : i32
      %parallel_loop3A_274 = arith.muli %parallel_loop3A_166, %parallel_loop3A_273 : i32
      %parallel_loop3A_275 = arith.constant 7 : i32
      %parallel_loop3A_276 = arith.addi %parallel_loop3A_274, %parallel_loop3A_275 : i32
      %parallel_loop3A_277 = vector.broadcast %parallel_loop3A_276 : i32 to vector<16xi32>
      %parallel_loop3A_278 = arith.addi %mul3A_3, %parallel_loop3A_277 : vector<16xi32>
      tpu.vector_store_idx %arg9[%parallel_loop3A_278], %parallel_loop3A_198 : memref<4096xf32, #tpu.memory_space<vmem>>[vector<16xi32>], vector<16xf32>,
      %parallel_loop3A_279 = arith.constant 16 : i32
      %parallel_loop3A_280 = arith.muli %parallel_loop3A_166, %parallel_loop3A_279 : i32
      %parallel_loop3A_281 = arith.constant 8 : i32
      %parallel_loop3A_282 = arith.addi %parallel_loop3A_280, %parallel_loop3A_281 : i32
      %parallel_loop3A_283 = vector.broadcast %parallel_loop3A_282 : i32 to vector<16xi32>
      %parallel_loop3A_284 = arith.addi %mul3A_3, %parallel_loop3A_283 : vector<16xi32>
      tpu.vector_store_idx %arg9[%parallel_loop3A_284], %parallel_loop3A_202 : memref<4096xf32, #tpu.memory_space<vmem>>[vector<16xi32>], vector<16xf32>,
      %parallel_loop3A_285 = arith.constant 16 : i32
      %parallel_loop3A_286 = arith.muli %parallel_loop3A_166, %parallel_loop3A_285 : i32
      %parallel_loop3A_287 = arith.constant 9 : i32
      %parallel_loop3A_288 = arith.addi %parallel_loop3A_286, %parallel_loop3A_287 : i32
      %parallel_loop3A_289 = vector.broadcast %parallel_loop3A_288 : i32 to vector<16xi32>
      %parallel_loop3A_290 = arith.addi %mul3A_3, %parallel_loop3A_289 : vector<16xi32>
      tpu.vector_store_idx %arg9[%parallel_loop3A_290], %parallel_loop3A_206 : memref<4096xf32, #tpu.memory_space<vmem>>[vector<16xi32>], vector<16xf32>,
      %parallel_loop3A_291 = arith.constant 16 : i32
      %parallel_loop3A_292 = arith.muli %parallel_loop3A_166, %parallel_loop3A_291 : i32
      %parallel_loop3A_293 = arith.constant 10 : i32
      %parallel_loop3A_294 = arith.addi %parallel_loop3A_292, %parallel_loop3A_293 : i32
      %parallel_loop3A_295 = vector.broadcast %parallel_loop3A_294 : i32 to vector<16xi32>
      %parallel_loop3A_296 = arith.addi %mul3A_3, %parallel_loop3A_295 : vector<16xi32>
      tpu.vector_store_idx %arg9[%parallel_loop3A_296], %parallel_loop3A_210 : memref<4096xf32, #tpu.memory_space<vmem>>[vector<16xi32>], vector<16xf32>,
      %parallel_loop3A_297 = arith.constant 16 : i32
      %parallel_loop3A_298 = arith.muli %parallel_loop3A_166, %parallel_loop3A_297 : i32
      %parallel_loop3A_299 = arith.constant 11 : i32
      %parallel_loop3A_300 = arith.addi %parallel_loop3A_298, %parallel_loop3A_299 : i32
      %parallel_loop3A_301 = vector.broadcast %parallel_loop3A_300 : i32 to vector<16xi32>
      %parallel_loop3A_302 = arith.addi %mul3A_3, %parallel_loop3A_301 : vector<16xi32>
      tpu.vector_store_idx %arg9[%parallel_loop3A_302], %parallel_loop3A_214 : memref<4096xf32, #tpu.memory_space<vmem>>[vector<16xi32>], vector<16xf32>,
      %parallel_loop3A_303 = arith.constant 16 : i32
      %parallel_loop3A_304 = arith.muli %parallel_loop3A_166, %parallel_loop3A_303 : i32
      %parallel_loop3A_305 = arith.constant 12 : i32
      %parallel_loop3A_306 = arith.addi %parallel_loop3A_304, %parallel_loop3A_305 : i32
      %parallel_loop3A_307 = vector.broadcast %parallel_loop3A_306 : i32 to vector<16xi32>
      %parallel_loop3A_308 = arith.addi %mul3A_3, %parallel_loop3A_307 : vector<16xi32>
      tpu.vector_store_idx %arg9[%parallel_loop3A_308], %parallel_loop3A_218 : memref<4096xf32, #tpu.memory_space<vmem>>[vector<16xi32>], vector<16xf32>,
      %parallel_loop3A_309 = arith.constant 16 : i32
      %parallel_loop3A_310 = arith.muli %parallel_loop3A_166, %parallel_loop3A_309 : i32
      %parallel_loop3A_311 = arith.constant 13 : i32
      %parallel_loop3A_312 = arith.addi %parallel_loop3A_310, %parallel_loop3A_311 : i32
      %parallel_loop3A_313 = vector.broadcast %parallel_loop3A_312 : i32 to vector<16xi32>
      %parallel_loop3A_314 = arith.addi %mul3A_3, %parallel_loop3A_313 : vector<16xi32>
      tpu.vector_store_idx %arg9[%parallel_loop3A_314], %parallel_loop3A_222 : memref<4096xf32, #tpu.memory_space<vmem>>[vector<16xi32>], vector<16xf32>,
      %parallel_loop3A_315 = arith.constant 16 : i32
      %parallel_loop3A_316 = arith.muli %parallel_loop3A_166, %parallel_loop3A_315 : i32
      %parallel_loop3A_317 = arith.constant 14 : i32
      %parallel_loop3A_318 = arith.addi %parallel_loop3A_316, %parallel_loop3A_317 : i32
      %parallel_loop3A_319 = vector.broadcast %parallel_loop3A_318 : i32 to vector<16xi32>
      %parallel_loop3A_320 = arith.addi %mul3A_3, %parallel_loop3A_319 : vector<16xi32>
      tpu.vector_store_idx %arg9[%parallel_loop3A_320], %parallel_loop3A_226 : memref<4096xf32, #tpu.memory_space<vmem>>[vector<16xi32>], vector<16xf32>,
      %parallel_loop3A_321 = arith.constant 16 : i32
      %parallel_loop3A_322 = arith.muli %parallel_loop3A_166, %parallel_loop3A_321 : i32
      %parallel_loop3A_323 = arith.constant 15 : i32
      %parallel_loop3A_324 = arith.addi %parallel_loop3A_322, %parallel_loop3A_323 : i32
      %parallel_loop3A_325 = vector.broadcast %parallel_loop3A_324 : i32 to vector<16xi32>
      %parallel_loop3A_326 = arith.addi %mul3A_3, %parallel_loop3A_325 : vector<16xi32>
      tpu.vector_store_idx %arg9[%parallel_loop3A_326], %parallel_loop3A_230 : memref<4096xf32, #tpu.memory_space<vmem>>[vector<16xi32>], vector<16xf32>,
    } {sc.loop_unroll_factor = 4 : i64, sc.parallel_access}
    %add3A_136 = arith.constant 10112 : i32
    %add3A_137 = arith.addi %add3A_136, %add3A : i32
    %mul3A_138 = arith.constant 4096 : i32
    %mul3A_139 = arith.muli %add3A_137, %mul3A_138 : i32
    %multiple_of3A_140 = tpu.assume_multiple %mul3A_139, 4096 : i32
    %dma_start3A_141 = tpu.memref_slice %arg4[%multiple_of3A_140] : memref<41600000xf32, #tpu.memory_space<hbm>> -> memref<4096xf32, #tpu.memory_space<hbm>>
    %dma_start3A_142 = tpu.memref_slice %arg4[%multiple_of3A_140] : memref<41600000xf32, #tpu.memory_space<hbm>> -> memref<4096xf32, #tpu.memory_space<hbm>>
    tpu.enqueue_dma source(%arg9 : memref<4096xf32, #tpu.memory_space<vmem>>) target(%dma_start3A_142 : memref<4096xf32, #tpu.memory_space<hbm>>) target_semaphore(%arg17 : memref<!tpu.dma_semaphore, #tpu.memory_space<semaphore_mem>>)
    %dma_wait3A_143 = arith.constant 0 : i32
    %dma_wait3A_144 = tpu.memref_slice %arg4[%dma_wait3A_143] : memref<41600000xf32, #tpu.memory_space<hbm>> -> memref<4096xf32, #tpu.memory_space<hbm>>
    %dma_wait3A_145 = arith.constant 0 : i32
    %dma_wait3A_146 = tpu.memref_slice %arg4[%dma_wait3A_145] : memref<41600000xf32, #tpu.memory_space<hbm>> -> memref<4096xf32, #tpu.memory_space<hbm>>
    tpu.wait_dma2 semaphore(%arg18 : memref<!tpu.dma_semaphore, #tpu.memory_space<semaphore_mem>>) src(%dma_wait3A_146 : memref<4096xf32, #tpu.memory_space<hbm>>) dst(%arg10 : memref<4096xf32, #tpu.memory_space<vmem>>)
    %dma_wait3A_147 = arith.constant 0 : i32
    %dma_wait3A_148 = tpu.memref_slice %arg4[%dma_wait3A_147] : memref<41600000xf32, #tpu.memory_space<hbm>> -> memref<4096xf32, #tpu.memory_space<hbm>>
    %dma_wait3A_149 = arith.constant 0 : i32
    %dma_wait3A_150 = tpu.memref_slice %arg4[%dma_wait3A_149] : memref<41600000xf32, #tpu.memory_space<hbm>> -> memref<4096xf32, #tpu.memory_space<hbm>>
    tpu.wait_dma2 semaphore(%arg19 : memref<!tpu.dma_semaphore, #tpu.memory_space<semaphore_mem>>) src(%dma_wait3A_150 : memref<4096xf32, #tpu.memory_space<hbm>>) dst(%arg11 : memref<4096xf32, #tpu.memory_space<vmem>>)
    %dma_wait3A_151 = arith.constant 0 : i32
    %dma_wait3A_152 = tpu.memref_slice %arg4[%dma_wait3A_151] : memref<41600000xf32, #tpu.memory_space<hbm>> -> memref<4096xf32, #tpu.memory_space<hbm>>
    %dma_wait3A_153 = arith.constant 0 : i32
    %dma_wait3A_154 = tpu.memref_slice %arg4[%dma_wait3A_153] : memref<41600000xf32, #tpu.memory_space<hbm>> -> memref<4096xf32, #tpu.memory_space<hbm>>
    tpu.wait_dma2 semaphore(%arg20 : memref<!tpu.dma_semaphore, #tpu.memory_space<semaphore_mem>>) src(%dma_wait3A_154 : memref<4096xf32, #tpu.memory_space<hbm>>) dst(%arg12 : memref<4096xf32, #tpu.memory_space<vmem>>)
    %dma_wait3A_155 = arith.constant 0 : i32
    %dma_wait3A_156 = tpu.memref_slice %arg4[%dma_wait3A_155] : memref<41600000xf32, #tpu.memory_space<hbm>> -> memref<4096xf32, #tpu.memory_space<hbm>>
    %dma_wait3A_157 = arith.constant 0 : i32
    %dma_wait3A_158 = tpu.memref_slice %arg4[%dma_wait3A_157] : memref<41600000xf32, #tpu.memory_space<hbm>> -> memref<4096xf32, #tpu.memory_space<hbm>>
    tpu.wait_dma2 semaphore(%arg17 : memref<!tpu.dma_semaphore, #tpu.memory_space<semaphore_mem>>) src(%dma_wait3A_158 : memref<4096xf32, #tpu.memory_space<hbm>>) dst(%arg9 : memref<4096xf32, #tpu.memory_space<vmem>>)
    %lt3A = arith.constant 12 : i32
    %lt3A_159 = arith.cmpi slt, %add3A, %lt3A : i32
    %convert_element_type3A = arith.extui %lt3A_159 : i1 to i32
    %cond3A = arith.constant 0 : i32
    %cond3A_160 = arith.cmpi ne, %convert_element_type3A, %cond3A : i32
    scf.if %cond3A_160 {
      %add3A_165 = arith.constant 10144 : i32
      %add3A_166 = arith.addi %add3A_165, %add3A : i32
      %mul3A_167 = arith.constant 256 : i32
      %mul3A_168 = arith.muli %add3A_166, %mul3A_167 : i32
      %multiple_of3A_169 = tpu.assume_multiple %mul3A_168, 256 : i32
      "tpu.region"() ({
        %run_scoped3A = tpu.sem_alloc : memref<!tpu.dma_semaphore, #tpu.memory_space<semaphore_mem>>
        %dma_start3A_178 = arith.constant 0 : i32
        %dma_start3A_179 = arith.constant 0 : i32
        %dma_start3A_180 = tpu.memref_slice %arg5[%dma_start3A_178, %dma_start3A_179] : memref<16x256xf32, #tpu.memory_space<vmem>> -> memref<8x256xf32, #tpu.memory_space<vmem>>
        %dma_start3A_181 = arith.constant 0 : i32
        %dma_start3A_182 = tpu.memref_slice %arg2[%dma_start3A_181, %multiple_of3A_169] : memref<16x2600000xf32, #tpu.memory_space<hbm>> -> memref<8x256xf32, #tpu.memory_space<hbm>>
        %dma_start3A_183 = arith.constant 0 : i32
        %dma_start3A_184 = arith.constant 0 : i32
        %dma_start3A_185 = tpu.memref_slice %arg5[%dma_start3A_183, %dma_start3A_184] : memref<16x256xf32, #tpu.memory_space<vmem>> -> memref<8x256xf32, #tpu.memory_space<vmem>>
        %dma_start3A_186 = arith.constant 0 : i32
        %dma_start3A_187 = tpu.memref_slice %arg2[%dma_start3A_186, %multiple_of3A_169] : memref<16x2600000xf32, #tpu.memory_space<hbm>> -> memref<8x256xf32, #tpu.memory_space<hbm>>
        tpu.enqueue_dma source(%dma_start3A_187 : memref<8x256xf32, #tpu.memory_space<hbm>>) target(%dma_start3A_185 : memref<8x256xf32, #tpu.memory_space<vmem>>) target_semaphore(%run_scoped3A : memref<!tpu.dma_semaphore, #tpu.memory_space<semaphore_mem>>)
        %dma_wait3A_188 = arith.constant 0 : i32
        %dma_wait3A_189 = arith.constant 0 : i32
        %dma_wait3A_190 = tpu.memref_slice %arg5[%dma_wait3A_188, %dma_wait3A_189] : memref<16x256xf32, #tpu.memory_space<vmem>> -> memref<8x256xf32, #tpu.memory_space<vmem>>
        %dma_wait3A_191 = arith.constant 0 : i32
        %dma_wait3A_192 = tpu.memref_slice %arg2[%dma_wait3A_191, %multiple_of3A_169] : memref<16x2600000xf32, #tpu.memory_space<hbm>> -> memref<8x256xf32, #tpu.memory_space<hbm>>
        %dma_wait3A_193 = arith.constant 0 : i32
        %dma_wait3A_194 = arith.constant 0 : i32
        %dma_wait3A_195 = tpu.memref_slice %arg5[%dma_wait3A_193, %dma_wait3A_194] : memref<16x256xf32, #tpu.memory_space<vmem>> -> memref<8x256xf32, #tpu.memory_space<vmem>>
        %dma_wait3A_196 = arith.constant 0 : i32
        %dma_wait3A_197 = tpu.memref_slice %arg2[%dma_wait3A_196, %multiple_of3A_169] : memref<16x2600000xf32, #tpu.memory_space<hbm>> -> memref<8x256xf32, #tpu.memory_space<hbm>>
        tpu.wait_dma2 semaphore(%run_scoped3A : memref<!tpu.dma_semaphore, #tpu.memory_space<semaphore_mem>>) src(%dma_wait3A_197 : memref<8x256xf32, #tpu.memory_space<hbm>>) dst(%dma_wait3A_195 : memref<8x256xf32, #tpu.memory_space<vmem>>)
        tpu.yield
      }) : () -> ()
      "tpu.region"() ({
        %run_scoped3A = tpu.sem_alloc : memref<!tpu.dma_semaphore, #tpu.memory_space<semaphore_mem>>
        %dma_start3A_178 = arith.constant 8 : i32
        %dma_start3A_179 = arith.constant 0 : i32
        %dma_start3A_180 = tpu.memref_slice %arg5[%dma_start3A_178, %dma_start3A_179] : memref<16x256xf32, #tpu.memory_space<vmem>> -> memref<8x256xf32, #tpu.memory_space<vmem>>
        %dma_start3A_181 = arith.constant 8 : i32
        %dma_start3A_182 = tpu.memref_slice %arg2[%dma_start3A_181, %multiple_of3A_169] : memref<16x2600000xf32, #tpu.memory_space<hbm>> -> memref<8x256xf32, #tpu.memory_space<hbm>>
        %dma_start3A_183 = arith.constant 8 : i32
        %dma_start3A_184 = arith.constant 0 : i32
        %dma_start3A_185 = tpu.memref_slice %arg5[%dma_start3A_183, %dma_start3A_184] : memref<16x256xf32, #tpu.memory_space<vmem>> -> memref<8x256xf32, #tpu.memory_space<vmem>>
        %dma_start3A_186 = arith.constant 8 : i32
        %dma_start3A_187 = tpu.memref_slice %arg2[%dma_start3A_186, %multiple_of3A_169] : memref<16x2600000xf32, #tpu.memory_space<hbm>> -> memref<8x256xf32, #tpu.memory_space<hbm>>
        tpu.enqueue_dma source(%dma_start3A_187 : memref<8x256xf32, #tpu.memory_space<hbm>>) target(%dma_start3A_185 : memref<8x256xf32, #tpu.memory_space<vmem>>) target_semaphore(%run_scoped3A : memref<!tpu.dma_semaphore, #tpu.memory_space<semaphore_mem>>)
        %dma_wait3A_188 = arith.constant 8 : i32
        %dma_wait3A_189 = arith.constant 0 : i32
        %dma_wait3A_190 = tpu.memref_slice %arg5[%dma_wait3A_188, %dma_wait3A_189] : memref<16x256xf32, #tpu.memory_space<vmem>> -> memref<8x256xf32, #tpu.memory_space<vmem>>
        %dma_wait3A_191 = arith.constant 8 : i32
        %dma_wait3A_192 = tpu.memref_slice %arg2[%dma_wait3A_191, %multiple_of3A_169] : memref<16x2600000xf32, #tpu.memory_space<hbm>> -> memref<8x256xf32, #tpu.memory_space<hbm>>
        %dma_wait3A_193 = arith.constant 8 : i32
        %dma_wait3A_194 = arith.constant 0 : i32
        %dma_wait3A_195 = tpu.memref_slice %arg5[%dma_wait3A_193, %dma_wait3A_194] : memref<16x256xf32, #tpu.memory_space<vmem>> -> memref<8x256xf32, #tpu.memory_space<vmem>>
        %dma_wait3A_196 = arith.constant 8 : i32
        %dma_wait3A_197 = tpu.memref_slice %arg2[%dma_wait3A_196, %multiple_of3A_169] : memref<16x2600000xf32, #tpu.memory_space<hbm>> -> memref<8x256xf32, #tpu.memory_space<hbm>>
        tpu.wait_dma2 semaphore(%run_scoped3A : memref<!tpu.dma_semaphore, #tpu.memory_space<semaphore_mem>>) src(%dma_wait3A_197 : memref<8x256xf32, #tpu.memory_space<hbm>>) dst(%dma_wait3A_195 : memref<8x256xf32, #tpu.memory_space<vmem>>)
        tpu.yield
      }) : () -> ()
      %parallel_loop3A_170 = arith.constant 0 : i32
      %parallel_loop3A_171 = arith.constant 256 : i32
      %parallel_loop3A_172 = arith.constant 16 : i32
      scf.for %parallel_loop3A_178 = %parallel_loop3A_170 to %parallel_loop3A_171 step %parallel_loop3A_172  : i32 {
        %parallel_loop3A_179 = tpu.assume_multiple %parallel_loop3A_178, 16 : i32
        %parallel_loop3A_180 = arith.constant 0 : i32
        %parallel_loop3A_181 = arith.index_cast %parallel_loop3A_180 : i32 to index
        %parallel_loop3A_182 = arith.index_cast %parallel_loop3A_179 : i32 to index
        %parallel_loop3A_183 = tpu.vector_load %arg5[%parallel_loop3A_181, %parallel_loop3A_182] {strides = array<i32>} : memref<16x256xf32, #tpu.memory_space<vmem>>, vector<16xf32>,
        %parallel_loop3A_184 = arith.constant 1 : i32
        %parallel_loop3A_185 = arith.index_cast %parallel_loop3A_184 : i32 to index
        %parallel_loop3A_186 = arith.index_cast %parallel_loop3A_179 : i32 to index
        %parallel_loop3A_187 = tpu.vector_load %arg5[%parallel_loop3A_185, %parallel_loop3A_186] {strides = array<i32>} : memref<16x256xf32, #tpu.memory_space<vmem>>, vector<16xf32>,
        %parallel_loop3A_188 = arith.constant 2 : i32
        %parallel_loop3A_189 = arith.index_cast %parallel_loop3A_188 : i32 to index
        %parallel_loop3A_190 = arith.index_cast %parallel_loop3A_179 : i32 to index
        %parallel_loop3A_191 = tpu.vector_load %arg5[%parallel_loop3A_189, %parallel_loop3A_190] {strides = array<i32>} : memref<16x256xf32, #tpu.memory_space<vmem>>, vector<16xf32>,
        %parallel_loop3A_192 = arith.constant 3 : i32
        %parallel_loop3A_193 = arith.index_cast %parallel_loop3A_192 : i32 to index
        %parallel_loop3A_194 = arith.index_cast %parallel_loop3A_179 : i32 to index
        %parallel_loop3A_195 = tpu.vector_load %arg5[%parallel_loop3A_193, %parallel_loop3A_194] {strides = array<i32>} : memref<16x256xf32, #tpu.memory_space<vmem>>, vector<16xf32>,
        %parallel_loop3A_196 = arith.constant 4 : i32
        %parallel_loop3A_197 = arith.index_cast %parallel_loop3A_196 : i32 to index
        %parallel_loop3A_198 = arith.index_cast %parallel_loop3A_179 : i32 to index
        %parallel_loop3A_199 = tpu.vector_load %arg5[%parallel_loop3A_197, %parallel_loop3A_198] {strides = array<i32>} : memref<16x256xf32, #tpu.memory_space<vmem>>, vector<16xf32>,
        %parallel_loop3A_200 = arith.constant 5 : i32
        %parallel_loop3A_201 = arith.index_cast %parallel_loop3A_200 : i32 to index
        %parallel_loop3A_202 = arith.index_cast %parallel_loop3A_179 : i32 to index
        %parallel_loop3A_203 = tpu.vector_load %arg5[%parallel_loop3A_201, %parallel_loop3A_202] {strides = array<i32>} : memref<16x256xf32, #tpu.memory_space<vmem>>, vector<16xf32>,
        %parallel_loop3A_204 = arith.constant 6 : i32
        %parallel_loop3A_205 = arith.index_cast %parallel_loop3A_204 : i32 to index
        %parallel_loop3A_206 = arith.index_cast %parallel_loop3A_179 : i32 to index
        %parallel_loop3A_207 = tpu.vector_load %arg5[%parallel_loop3A_205, %parallel_loop3A_206] {strides = array<i32>} : memref<16x256xf32, #tpu.memory_space<vmem>>, vector<16xf32>,
        %parallel_loop3A_208 = arith.constant 7 : i32
        %parallel_loop3A_209 = arith.index_cast %parallel_loop3A_208 : i32 to index
        %parallel_loop3A_210 = arith.index_cast %parallel_loop3A_179 : i32 to index
        %parallel_loop3A_211 = tpu.vector_load %arg5[%parallel_loop3A_209, %parallel_loop3A_210] {strides = array<i32>} : memref<16x256xf32, #tpu.memory_space<vmem>>, vector<16xf32>,
        %parallel_loop3A_212 = arith.constant 8 : i32
        %parallel_loop3A_213 = arith.index_cast %parallel_loop3A_212 : i32 to index
        %parallel_loop3A_214 = arith.index_cast %parallel_loop3A_179 : i32 to index
        %parallel_loop3A_215 = tpu.vector_load %arg5[%parallel_loop3A_213, %parallel_loop3A_214] {strides = array<i32>} : memref<16x256xf32, #tpu.memory_space<vmem>>, vector<16xf32>,
        %parallel_loop3A_216 = arith.constant 9 : i32
        %parallel_loop3A_217 = arith.index_cast %parallel_loop3A_216 : i32 to index
        %parallel_loop3A_218 = arith.index_cast %parallel_loop3A_179 : i32 to index
        %parallel_loop3A_219 = tpu.vector_load %arg5[%parallel_loop3A_217, %parallel_loop3A_218] {strides = array<i32>} : memref<16x256xf32, #tpu.memory_space<vmem>>, vector<16xf32>,
        %parallel_loop3A_220 = arith.constant 10 : i32
        %parallel_loop3A_221 = arith.index_cast %parallel_loop3A_220 : i32 to index
        %parallel_loop3A_222 = arith.index_cast %parallel_loop3A_179 : i32 to index
        %parallel_loop3A_223 = tpu.vector_load %arg5[%parallel_loop3A_221, %parallel_loop3A_222] {strides = array<i32>} : memref<16x256xf32, #tpu.memory_space<vmem>>, vector<16xf32>,
        %parallel_loop3A_224 = arith.constant 11 : i32
        %parallel_loop3A_225 = arith.index_cast %parallel_loop3A_224 : i32 to index
        %parallel_loop3A_226 = arith.index_cast %parallel_loop3A_179 : i32 to index
        %parallel_loop3A_227 = tpu.vector_load %arg5[%parallel_loop3A_225, %parallel_loop3A_226] {strides = array<i32>} : memref<16x256xf32, #tpu.memory_space<vmem>>, vector<16xf32>,
        %parallel_loop3A_228 = arith.constant 12 : i32
        %parallel_loop3A_229 = arith.index_cast %parallel_loop3A_228 : i32 to index
        %parallel_loop3A_230 = arith.index_cast %parallel_loop3A_179 : i32 to index
        %parallel_loop3A_231 = tpu.vector_load %arg5[%parallel_loop3A_229, %parallel_loop3A_230] {strides = array<i32>} : memref<16x256xf32, #tpu.memory_space<vmem>>, vector<16xf32>,
        %parallel_loop3A_232 = arith.constant 13 : i32
        %parallel_loop3A_233 = arith.index_cast %parallel_loop3A_232 : i32 to index
        %parallel_loop3A_234 = arith.index_cast %parallel_loop3A_179 : i32 to index
        %parallel_loop3A_235 = tpu.vector_load %arg5[%parallel_loop3A_233, %parallel_loop3A_234] {strides = array<i32>} : memref<16x256xf32, #tpu.memory_space<vmem>>, vector<16xf32>,
        %parallel_loop3A_236 = arith.constant 14 : i32
        %parallel_loop3A_237 = arith.index_cast %parallel_loop3A_236 : i32 to index
        %parallel_loop3A_238 = arith.index_cast %parallel_loop3A_179 : i32 to index
        %parallel_loop3A_239 = tpu.vector_load %arg5[%parallel_loop3A_237, %parallel_loop3A_238] {strides = array<i32>} : memref<16x256xf32, #tpu.memory_space<vmem>>, vector<16xf32>,
        %parallel_loop3A_240 = arith.constant 15 : i32
        %parallel_loop3A_241 = arith.index_cast %parallel_loop3A_240 : i32 to index
        %parallel_loop3A_242 = arith.index_cast %parallel_loop3A_179 : i32 to index
        %parallel_loop3A_243 = tpu.vector_load %arg5[%parallel_loop3A_241, %parallel_loop3A_242] {strides = array<i32>} : memref<16x256xf32, #tpu.memory_space<vmem>>, vector<16xf32>,
        %parallel_loop3A_244 = arith.constant 16 : i32
        %parallel_loop3A_245 = arith.muli %parallel_loop3A_179, %parallel_loop3A_244 : i32
        %parallel_loop3A_246 = arith.constant 0 : i32
        %parallel_loop3A_247 = arith.addi %parallel_loop3A_245, %parallel_loop3A_246 : i32
        %parallel_loop3A_248 = vector.broadcast %parallel_loop3A_247 : i32 to vector<16xi32>
        %parallel_loop3A_249 = arith.addi %mul3A_3, %parallel_loop3A_248 : vector<16xi32>
        tpu.vector_store_idx %arg9[%parallel_loop3A_249], %parallel_loop3A_183 : memref<4096xf32, #tpu.memory_space<vmem>>[vector<16xi32>], vector<16xf32>,
        %parallel_loop3A_250 = arith.constant 16 : i32
        %parallel_loop3A_251 = arith.muli %parallel_loop3A_179, %parallel_loop3A_250 : i32
        %parallel_loop3A_252 = arith.constant 1 : i32
        %parallel_loop3A_253 = arith.addi %parallel_loop3A_251, %parallel_loop3A_252 : i32
        %parallel_loop3A_254 = vector.broadcast %parallel_loop3A_253 : i32 to vector<16xi32>
        %parallel_loop3A_255 = arith.addi %mul3A_3, %parallel_loop3A_254 : vector<16xi32>
        tpu.vector_store_idx %arg9[%parallel_loop3A_255], %parallel_loop3A_187 : memref<4096xf32, #tpu.memory_space<vmem>>[vector<16xi32>], vector<16xf32>,
        %parallel_loop3A_256 = arith.constant 16 : i32
        %parallel_loop3A_257 = arith.muli %parallel_loop3A_179, %parallel_loop3A_256 : i32
        %parallel_loop3A_258 = arith.constant 2 : i32
        %parallel_loop3A_259 = arith.addi %parallel_loop3A_257, %parallel_loop3A_258 : i32
        %parallel_loop3A_260 = vector.broadcast %parallel_loop3A_259 : i32 to vector<16xi32>
        %parallel_loop3A_261 = arith.addi %mul3A_3, %parallel_loop3A_260 : vector<16xi32>
        tpu.vector_store_idx %arg9[%parallel_loop3A_261], %parallel_loop3A_191 : memref<4096xf32, #tpu.memory_space<vmem>>[vector<16xi32>], vector<16xf32>,
        %parallel_loop3A_262 = arith.constant 16 : i32
        %parallel_loop3A_263 = arith.muli %parallel_loop3A_179, %parallel_loop3A_262 : i32
        %parallel_loop3A_264 = arith.constant 3 : i32
        %parallel_loop3A_265 = arith.addi %parallel_loop3A_263, %parallel_loop3A_264 : i32
        %parallel_loop3A_266 = vector.broadcast %parallel_loop3A_265 : i32 to vector<16xi32>
        %parallel_loop3A_267 = arith.addi %mul3A_3, %parallel_loop3A_266 : vector<16xi32>
        tpu.vector_store_idx %arg9[%parallel_loop3A_267], %parallel_loop3A_195 : memref<4096xf32, #tpu.memory_space<vmem>>[vector<16xi32>], vector<16xf32>,
        %parallel_loop3A_268 = arith.constant 16 : i32
        %parallel_loop3A_269 = arith.muli %parallel_loop3A_179, %parallel_loop3A_268 : i32
        %parallel_loop3A_270 = arith.constant 4 : i32
        %parallel_loop3A_271 = arith.addi %parallel_loop3A_269, %parallel_loop3A_270 : i32
        %parallel_loop3A_272 = vector.broadcast %parallel_loop3A_271 : i32 to vector<16xi32>
        %parallel_loop3A_273 = arith.addi %mul3A_3, %parallel_loop3A_272 : vector<16xi32>
        tpu.vector_store_idx %arg9[%parallel_loop3A_273], %parallel_loop3A_199 : memref<4096xf32, #tpu.memory_space<vmem>>[vector<16xi32>], vector<16xf32>,
        %parallel_loop3A_274 = arith.constant 16 : i32
        %parallel_loop3A_275 = arith.muli %parallel_loop3A_179, %parallel_loop3A_274 : i32
        %parallel_loop3A_276 = arith.constant 5 : i32
        %parallel_loop3A_277 = arith.addi %parallel_loop3A_275, %parallel_loop3A_276 : i32
        %parallel_loop3A_278 = vector.broadcast %parallel_loop3A_277 : i32 to vector<16xi32>
        %parallel_loop3A_279 = arith.addi %mul3A_3, %parallel_loop3A_278 : vector<16xi32>
        tpu.vector_store_idx %arg9[%parallel_loop3A_279], %parallel_loop3A_203 : memref<4096xf32, #tpu.memory_space<vmem>>[vector<16xi32>], vector<16xf32>,
        %parallel_loop3A_280 = arith.constant 16 : i32
        %parallel_loop3A_281 = arith.muli %parallel_loop3A_179, %parallel_loop3A_280 : i32
        %parallel_loop3A_282 = arith.constant 6 : i32
        %parallel_loop3A_283 = arith.addi %parallel_loop3A_281, %parallel_loop3A_282 : i32
        %parallel_loop3A_284 = vector.broadcast %parallel_loop3A_283 : i32 to vector<16xi32>
        %parallel_loop3A_285 = arith.addi %mul3A_3, %parallel_loop3A_284 : vector<16xi32>
        tpu.vector_store_idx %arg9[%parallel_loop3A_285], %parallel_loop3A_207 : memref<4096xf32, #tpu.memory_space<vmem>>[vector<16xi32>], vector<16xf32>,
        %parallel_loop3A_286 = arith.constant 16 : i32
        %parallel_loop3A_287 = arith.muli %parallel_loop3A_179, %parallel_loop3A_286 : i32
        %parallel_loop3A_288 = arith.constant 7 : i32
        %parallel_loop3A_289 = arith.addi %parallel_loop3A_287, %parallel_loop3A_288 : i32
        %parallel_loop3A_290 = vector.broadcast %parallel_loop3A_289 : i32 to vector<16xi32>
        %parallel_loop3A_291 = arith.addi %mul3A_3, %parallel_loop3A_290 : vector<16xi32>
        tpu.vector_store_idx %arg9[%parallel_loop3A_291], %parallel_loop3A_211 : memref<4096xf32, #tpu.memory_space<vmem>>[vector<16xi32>], vector<16xf32>,
        %parallel_loop3A_292 = arith.constant 16 : i32
        %parallel_loop3A_293 = arith.muli %parallel_loop3A_179, %parallel_loop3A_292 : i32
        %parallel_loop3A_294 = arith.constant 8 : i32
        %parallel_loop3A_295 = arith.addi %parallel_loop3A_293, %parallel_loop3A_294 : i32
        %parallel_loop3A_296 = vector.broadcast %parallel_loop3A_295 : i32 to vector<16xi32>
        %parallel_loop3A_297 = arith.addi %mul3A_3, %parallel_loop3A_296 : vector<16xi32>
        tpu.vector_store_idx %arg9[%parallel_loop3A_297], %parallel_loop3A_215 : memref<4096xf32, #tpu.memory_space<vmem>>[vector<16xi32>], vector<16xf32>,
        %parallel_loop3A_298 = arith.constant 16 : i32
        %parallel_loop3A_299 = arith.muli %parallel_loop3A_179, %parallel_loop3A_298 : i32
        %parallel_loop3A_300 = arith.constant 9 : i32
        %parallel_loop3A_301 = arith.addi %parallel_loop3A_299, %parallel_loop3A_300 : i32
        %parallel_loop3A_302 = vector.broadcast %parallel_loop3A_301 : i32 to vector<16xi32>
        %parallel_loop3A_303 = arith.addi %mul3A_3, %parallel_loop3A_302 : vector<16xi32>
        tpu.vector_store_idx %arg9[%parallel_loop3A_303], %parallel_loop3A_219 : memref<4096xf32, #tpu.memory_space<vmem>>[vector<16xi32>], vector<16xf32>,
        %parallel_loop3A_304 = arith.constant 16 : i32
        %parallel_loop3A_305 = arith.muli %parallel_loop3A_179, %parallel_loop3A_304 : i32
        %parallel_loop3A_306 = arith.constant 10 : i32
        %parallel_loop3A_307 = arith.addi %parallel_loop3A_305, %parallel_loop3A_306 : i32
        %parallel_loop3A_308 = vector.broadcast %parallel_loop3A_307 : i32 to vector<16xi32>
        %parallel_loop3A_309 = arith.addi %mul3A_3, %parallel_loop3A_308 : vector<16xi32>
        tpu.vector_store_idx %arg9[%parallel_loop3A_309], %parallel_loop3A_223 : memref<4096xf32, #tpu.memory_space<vmem>>[vector<16xi32>], vector<16xf32>,
        %parallel_loop3A_310 = arith.constant 16 : i32
        %parallel_loop3A_311 = arith.muli %parallel_loop3A_179, %parallel_loop3A_310 : i32
        %parallel_loop3A_312 = arith.constant 11 : i32
        %parallel_loop3A_313 = arith.addi %parallel_loop3A_311, %parallel_loop3A_312 : i32
        %parallel_loop3A_314 = vector.broadcast %parallel_loop3A_313 : i32 to vector<16xi32>
        %parallel_loop3A_315 = arith.addi %mul3A_3, %parallel_loop3A_314 : vector<16xi32>
        tpu.vector_store_idx %arg9[%parallel_loop3A_315], %parallel_loop3A_227 : memref<4096xf32, #tpu.memory_space<vmem>>[vector<16xi32>], vector<16xf32>,
        %parallel_loop3A_316 = arith.constant 16 : i32
        %parallel_loop3A_317 = arith.muli %parallel_loop3A_179, %parallel_loop3A_316 : i32
        %parallel_loop3A_318 = arith.constant 12 : i32
        %parallel_loop3A_319 = arith.addi %parallel_loop3A_317, %parallel_loop3A_318 : i32
        %parallel_loop3A_320 = vector.broadcast %parallel_loop3A_319 : i32 to vector<16xi32>
        %parallel_loop3A_321 = arith.addi %mul3A_3, %parallel_loop3A_320 : vector<16xi32>
        tpu.vector_store_idx %arg9[%parallel_loop3A_321], %parallel_loop3A_231 : memref<4096xf32, #tpu.memory_space<vmem>>[vector<16xi32>], vector<16xf32>,
        %parallel_loop3A_322 = arith.constant 16 : i32
        %parallel_loop3A_323 = arith.muli %parallel_loop3A_179, %parallel_loop3A_322 : i32
        %parallel_loop3A_324 = arith.constant 13 : i32
        %parallel_loop3A_325 = arith.addi %parallel_loop3A_323, %parallel_loop3A_324 : i32
        %parallel_loop3A_326 = vector.broadcast %parallel_loop3A_325 : i32 to vector<16xi32>
        %parallel_loop3A_327 = arith.addi %mul3A_3, %parallel_loop3A_326 : vector<16xi32>
        tpu.vector_store_idx %arg9[%parallel_loop3A_327], %parallel_loop3A_235 : memref<4096xf32, #tpu.memory_space<vmem>>[vector<16xi32>], vector<16xf32>,
        %parallel_loop3A_328 = arith.constant 16 : i32
        %parallel_loop3A_329 = arith.muli %parallel_loop3A_179, %parallel_loop3A_328 : i32
        %parallel_loop3A_330 = arith.constant 14 : i32
        %parallel_loop3A_331 = arith.addi %parallel_loop3A_329, %parallel_loop3A_330 : i32
        %parallel_loop3A_332 = vector.broadcast %parallel_loop3A_331 : i32 to vector<16xi32>
        %parallel_loop3A_333 = arith.addi %mul3A_3, %parallel_loop3A_332 : vector<16xi32>
        tpu.vector_store_idx %arg9[%parallel_loop3A_333], %parallel_loop3A_239 : memref<4096xf32, #tpu.memory_space<vmem>>[vector<16xi32>], vector<16xf32>,
        %parallel_loop3A_334 = arith.constant 16 : i32
        %parallel_loop3A_335 = arith.muli %parallel_loop3A_179, %parallel_loop3A_334 : i32
        %parallel_loop3A_336 = arith.constant 15 : i32
        %parallel_loop3A_337 = arith.addi %parallel_loop3A_335, %parallel_loop3A_336 : i32
        %parallel_loop3A_338 = vector.broadcast %parallel_loop3A_337 : i32 to vector<16xi32>
        %parallel_loop3A_339 = arith.addi %mul3A_3, %parallel_loop3A_338 : vector<16xi32>
        tpu.vector_store_idx %arg9[%parallel_loop3A_339], %parallel_loop3A_243 : memref<4096xf32, #tpu.memory_space<vmem>>[vector<16xi32>], vector<16xf32>,
      } {sc.loop_unroll_factor = 4 : i64, sc.parallel_access}
      %add3A_173 = arith.constant 10144 : i32
      %add3A_174 = arith.addi %add3A_173, %add3A : i32
      %mul3A_175 = arith.constant 4096 : i32
      %mul3A_176 = arith.muli %add3A_174, %mul3A_175 : i32
      %multiple_of3A_177 = tpu.assume_multiple %mul3A_176, 4096 : i32
      "tpu.region"() ({
        %run_scoped3A = tpu.sem_alloc : memref<!tpu.dma_semaphore, #tpu.memory_space<semaphore_mem>>
        %dma_start3A_178 = tpu.memref_slice %arg4[%multiple_of3A_177] : memref<41600000xf32, #tpu.memory_space<hbm>> -> memref<4096xf32, #tpu.memory_space<hbm>>
        %dma_start3A_179 = tpu.memref_slice %arg4[%multiple_of3A_177] : memref<41600000xf32, #tpu.memory_space<hbm>> -> memref<4096xf32, #tpu.memory_space<hbm>>
        tpu.enqueue_dma source(%arg9 : memref<4096xf32, #tpu.memory_space<vmem>>) target(%dma_start3A_179 : memref<4096xf32, #tpu.memory_space<hbm>>) target_semaphore(%run_scoped3A : memref<!tpu.dma_semaphore, #tpu.memory_space<semaphore_mem>>)
        %dma_wait3A_180 = tpu.memref_slice %arg4[%multiple_of3A_177] : memref<41600000xf32, #tpu.memory_space<hbm>> -> memref<4096xf32, #tpu.memory_space<hbm>>
        %dma_wait3A_181 = tpu.memref_slice %arg4[%multiple_of3A_177] : memref<41600000xf32, #tpu.memory_space<hbm>> -> memref<4096xf32, #tpu.memory_space<hbm>>
        tpu.wait_dma2 semaphore(%run_scoped3A : memref<!tpu.dma_semaphore, #tpu.memory_space<semaphore_mem>>) src(%arg9 : memref<4096xf32, #tpu.memory_space<vmem>>) dst(%dma_wait3A_181 : memref<4096xf32, #tpu.memory_space<hbm>>)
        tpu.yield
      }) : () -> ()
    } else {
    }
    %eq3A = arith.constant 31 : i32
    %eq3A_161 = arith.cmpi eq, %add3A, %eq3A : i32
    %convert_element_type3A_162 = arith.extui %eq3A_161 : i1 to i32
    %cond3A_163 = arith.constant 0 : i32
    %cond3A_164 = arith.cmpi ne, %convert_element_type3A_162, %cond3A_163 : i32
    scf.if %cond3A_164 {
      "tpu.region"() ({
        %run_scoped3A = tpu.sem_alloc : memref<!tpu.dma_semaphore, #tpu.memory_space<semaphore_mem>>
        %dma_start3A_165 = arith.constant 0 : i32
        %dma_start3A_166 = tpu.memref_slice %arg9[%dma_start3A_165] : memref<4096xf32, #tpu.memory_space<vmem>> -> memref<1024xf32, #tpu.memory_space<vmem>>
        %dma_start3A_167 = arith.constant 0 : i32
        %dma_start3A_168 = tpu.memref_slice %arg9[%dma_start3A_167] : memref<4096xf32, #tpu.memory_space<vmem>> -> memref<1024xf32, #tpu.memory_space<vmem>>
        tpu.enqueue_dma source(%arg3 : memref<1024xf32, #tpu.memory_space<hbm>>) target(%dma_start3A_168 : memref<1024xf32, #tpu.memory_space<vmem>>) target_semaphore(%run_scoped3A : memref<!tpu.dma_semaphore, #tpu.memory_space<semaphore_mem>>)
        %dma_wait3A_169 = arith.constant 0 : i32
        %dma_wait3A_170 = tpu.memref_slice %arg9[%dma_wait3A_169] : memref<4096xf32, #tpu.memory_space<vmem>> -> memref<1024xf32, #tpu.memory_space<vmem>>
        %dma_wait3A_171 = arith.constant 0 : i32
        %dma_wait3A_172 = tpu.memref_slice %arg9[%dma_wait3A_171] : memref<4096xf32, #tpu.memory_space<vmem>> -> memref<1024xf32, #tpu.memory_space<vmem>>
        tpu.wait_dma2 semaphore(%run_scoped3A : memref<!tpu.dma_semaphore, #tpu.memory_space<semaphore_mem>>) src(%arg3 : memref<1024xf32, #tpu.memory_space<hbm>>) dst(%dma_wait3A_172 : memref<1024xf32, #tpu.memory_space<vmem>>)
        tpu.yield
      }) : () -> ()
      "tpu.region"() ({
        %run_scoped3A = tpu.sem_alloc : memref<!tpu.dma_semaphore, #tpu.memory_space<semaphore_mem>>
        %dma_start3A_165 = arith.constant 0 : i32
        %dma_start3A_166 = tpu.memref_slice %arg9[%dma_start3A_165] : memref<4096xf32, #tpu.memory_space<vmem>> -> memref<1024xf32, #tpu.memory_space<vmem>>
        %dma_start3A_167 = arith.constant 41598976 : i32
        %dma_start3A_168 = tpu.memref_slice %arg4[%dma_start3A_167] : memref<41600000xf32, #tpu.memory_space<hbm>> -> memref<1024xf32, #tpu.memory_space<hbm>>
        %dma_start3A_169 = arith.constant 41598976 : i32
        %dma_start3A_170 = tpu.memref_slice %arg4[%dma_start3A_169] : memref<41600000xf32, #tpu.memory_space<hbm>> -> memref<1024xf32, #tpu.memory_space<hbm>>
        %dma_start3A_171 = arith.constant 0 : i32
        %dma_start3A_172 = tpu.memref_slice %arg9[%dma_start3A_171] : memref<4096xf32, #tpu.memory_space<vmem>> -> memref<1024xf32, #tpu.memory_space<vmem>>
        tpu.enqueue_dma source(%dma_start3A_172 : memref<1024xf32, #tpu.memory_space<vmem>>) target(%dma_start3A_170 : memref<1024xf32, #tpu.memory_space<hbm>>) target_semaphore(%run_scoped3A : memref<!tpu.dma_semaphore, #tpu.memory_space<semaphore_mem>>)
        %dma_wait3A_173 = arith.constant 0 : i32
        %dma_wait3A_174 = tpu.memref_slice %arg9[%dma_wait3A_173] : memref<4096xf32, #tpu.memory_space<vmem>> -> memref<1024xf32, #tpu.memory_space<vmem>>
        %dma_wait3A_175 = arith.constant 41598976 : i32
        %dma_wait3A_176 = tpu.memref_slice %arg4[%dma_wait3A_175] : memref<41600000xf32, #tpu.memory_space<hbm>> -> memref<1024xf32, #tpu.memory_space<hbm>>
        %dma_wait3A_177 = arith.constant 41598976 : i32
        %dma_wait3A_178 = tpu.memref_slice %arg4[%dma_wait3A_177] : memref<41600000xf32, #tpu.memory_space<hbm>> -> memref<1024xf32, #tpu.memory_space<hbm>>
        %dma_wait3A_179 = arith.constant 0 : i32
        %dma_wait3A_180 = tpu.memref_slice %arg9[%dma_wait3A_179] : memref<4096xf32, #tpu.memory_space<vmem>> -> memref<1024xf32, #tpu.memory_space<vmem>>
        tpu.wait_dma2 semaphore(%run_scoped3A : memref<!tpu.dma_semaphore, #tpu.memory_space<semaphore_mem>>) src(%dma_wait3A_180 : memref<1024xf32, #tpu.memory_space<vmem>>) dst(%dma_wait3A_178 : memref<1024xf32, #tpu.memory_space<hbm>>)
        tpu.yield
      }) : () -> ()
    } else {
    }
    return
  }
}

</mosaic_0001>

<sc_bundles>
// kernel: _detile.3.cloned.1.call-start
scs
__scs_entry_jumppad:
0x0: {  	(pc) =	sbr.rel $0x88, $3  }
0x1: {  	(tag) =	ssettag $0x0;
	lr =	simm.s32 $0x1  }
0x2: {  	[smem:$0x3F9F] =	sst lr;
	_ =	strace $0xD0000000  }
0x3: {  	_ = 	snop  }
0x4: {  	_ = 	snop  }
0x5: {  	_ = 	snop  }
0x6: {  	_ = 	snop  }
0x7: {  	_ = 	snop  }
__scs_overlays_trampoline_lowered:
0x8: {  	[smem:$0x3FAE] =	sst s0  }
0x9: {  	[smem:$0x3FAF] =	sst s1  }
0xa: {  	[smem:$0x3FB0] =	sst s2  }
0xb: {  	[smem:$0x3FB1] =	sst s3  }
0xc: {  	[smem:$0x3FB2] =	sst s4  }
0xd: {  	[smem:$0x3FB3] =	sst s5  }
0xe: {  	[smem:$0x3FB4] =	sst s6  }
0xf: {  	[smem:$0x3FB5] =	sst s7  }
0x10: {  	[smem:$0x3FB6] =	sst s8  }
0x11: {  	[smem:$0x3FB7] =	sst s9;
	s0 =	simm.s32 @!p0 $0x0  }
0x12: {  	s1 =	sld [smem:$0x3F9D];
	s0 =	simm.s32 @p0 $0x1  }
0x13: {  	[smem:$0x3FB8] =	sst s0;
	s0 =	simm.s32 @!p1 $0x0  }
0x14: {  	s2 =	sld [smem:$0x3F9C];
	s0 =	simm.s32 @p1 $0x1  }
0x15: {  	[smem:$0x3FB9] =	sst s0;
	s0 =	simm.s32 @!p2 $0x0  }
0x16: {  	s3 =	sld [smem:$0x3FDB];
	s0 =	simm.s32 @p2 $0x1  }
0x17: {  	s4 =	simm.s32 $0x1BF5;
	[smem:$0x3FBB] =	sst s0  }
0x18: {  	s0 =	sld [smem:$0x3F9E];
	_ =	swait.ge [sflag:s4], $0x0  }
0x19: {  	s7 =	sld [smem:$0x3F9F]  }
0x1a: {  	s8 =	sadd.s32 $0xFFFFE003, lr  }
0x1b: {  	s9 =	sadd.s32 $0xFFFFFEF7, lr;
	s5 =	simm.s32 $0xFFFFFFFF;
	p2 =	slt.u32 s8, $0xFFFFF086  }
0x1c: {  	p1 =	slt.u32 s9, $0xF7A;
	s5 =	simm.s32 @!p2 $0x0  }
0x1d: {  	s5 =	simm.s32 @p1 $0x1;
	p0 =	seq.s32 s7, s2  }
0x1e: {  	s7 =	smul.u32 @!p0 $0xF7A, s2;
	p2 =	seq.s32 @!p0 s5, $0x0  }
0x1f: {  	s9 =	smul.u32 $0xF7A, s1;
	s8 =	simm.s32 @!p0 $0x1BF5;
	p2 =	por !p2, p0  }
0x20: {  	[sflag:s8] =	ssyncset.s32 @!p0 $0xFFFFF086;
	s6 =	sadd.s32 @!p0 s3, s7;
	s7 =	simm.s32 @!p0 $0x108  }
0x21: {  	s3 =	sadd.s32 s3, s9;
	s6 =	sadd.s32 @!p0 $0x88, s6;
	s7 =	simm.s32 @p2 $0x1082  }
0x22: {  	[simem:s7], [sflag:s8] =	dma.local @!p0 [hbm:s6], $0xF7A  }
0x23: {  	s9 =	sor.u32 $0xD0000000, s2;
	s6 =	simm.s32 $0x108;
	_ =	swait.ge @!p0 [sflag:s8], $0x0  }
0x24: {  	s3 =	sadd.s32 $0x88, s3;
	s6 =	simm.s32 @!p1 $0x1082;
	[sflag:s4] =	ssyncset.s32 $0xFFFFF086  }
0x25: {  	[simem:s6], [sflag:s4] =	dma.local [hbm:s3], $0xF7A  }
0x26: {  	[smem:$0x3F9F] =	sst s1;
	(tag) =	ssettag s2;
	_ =	strace s9  }
0x27: {  	s1 =	sld [smem:$0x3FAF]  }
0x28: {  	s2 =	sld [smem:$0x3FB0]  }
0x29: {  	s4 =	sld [smem:$0x3FB2]  }
0x2a: {  	p0 =	seq.s32 s5, $0x0;
	s5 =	sld [smem:$0x3FB3]  }
0x2b: {  	s6 =	sld [smem:$0x3FB4]  }
0x2c: {  	s7 =	sld [smem:$0x3FB5]  }
0x2d: {  	s3 =	simm.s32 $0x108;
	s8 =	sld [smem:$0x3FB6]  }
0x2e: {  	s3 =	simm.s32 @!p0 $0x1082;
	s9 =	sld [smem:$0x3FB7]  }
0x2f: {  	lr =	sadd.s32 s0, s3;
	s0 =	sld [smem:$0x3FAE]  }
0x30: {  	s3 =	sld [smem:$0x3FB1]  }
0x31: {  	[smem:$0x3FBA] =	sst s10  }
0x32: {  	s10 =	sld [smem:$0x3FB8];
	_ =	sdelay $0x3  }
0x33: {  	p0 =	seq.s32 s10, $0x1;
	s10 =	sld [smem:$0x3FBA];
	_ =	sdelay $0x3  }
0x34: {  	[smem:$0x3FBA] =	sst s10  }
0x35: {  	s10 =	sld [smem:$0x3FB9];
	_ =	sdelay $0x3  }
0x36: {  	p1 =	seq.s32 s10, $0x1;
	s10 =	sld [smem:$0x3FBA];
	_ =	sdelay $0x3  }
0x37: {  	[smem:$0x3FBA] =	sst s10  }
0x38: {  	s10 =	sld [smem:$0x3FBB]  }
0x39: {  	_ = 	snop;
	(pc) =	sbr.ind lr, $3  }
0x3a: {  	_ = 	snop  }
0x3b: {  	_ = 	snop  }
0x3c: {  	p2 =	seq.s32 s10, $0x1;
	s10 =	sld [smem:$0x3FBA]  }
0x3d: {  	_ =	shalt  }
0x3e: {  	_ =	shalt  }
0x3f: {  	_ =	shalt  }
0x40: {  	_ =	shalt  }
0x41: {  	_ =	shalt  }
0x42: {  	_ =	shalt  }
0x43: {  	_ =	shalt  }
0x44: {  	_ =	shalt  }
0x45: {  	_ =	shalt  }
0x46: {  	_ =	shalt  }
0x47: {  	_ =	shalt  }
0x48: {  	_ =	shalt  }
0x49: {  	_ =	shalt  }
0x4a: {  	_ =	shalt  }
0x4b: {  	_ =	shalt  }
0x4c: {  	_ =	shalt  }
0x4d: {  	_ =	shalt  }
0x4e: {  	_ =	shalt  }
0x4f: {  	_ =	shalt  }
0x50: {  	_ =	shalt  }
0x51: {  	_ =	shalt  }
0x52: {  	_ =	shalt  }
0x53: {  	_ =	shalt  }
0x54: {  	_ =	shalt  }
0x55: {  	_ =	shalt  }
0x56: {  	_ =	shalt  }
0x57: {  	_ =	shalt  }
0x58: {  	_ =	shalt  }
0x59: {  	_ =	shalt  }
0x5a: {  	_ =	shalt  }
0x5b: {  	_ =	shalt  }
0x5c: {  	_ =	shalt  }
0x5d: {  	_ =	shalt  }
0x5e: {  	_ =	shalt  }
0x5f: {  	_ =	shalt  }
0x60: {  	_ =	shalt  }
0x61: {  	_ =	shalt  }
0x62: {  	_ =	shalt  }
0x63: {  	_ =	shalt  }
0x64: {  	_ =	shalt  }
0x65: {  	_ =	shalt  }
0x66: {  	_ =	shalt  }
0x67: {  	_ =	shalt  }
0x68: {  	_ =	shalt  }
0x69: {  	_ =	shalt  }
0x6a: {  	_ =	shalt  }
0x6b: {  	_ =	shalt  }
0x6c: {  	_ =	shalt  }
0x6d: {  	_ =	shalt  }
0x6e: {  	_ =	shalt  }
0x6f: {  	_ =	shalt  }
0x70: {  	_ =	shalt  }
0x71: {  	_ =	shalt  }
0x72: {  	_ =	shalt  }
0x73: {  	_ =	shalt  }
0x74: {  	_ =	shalt  }
0x75: {  	_ =	shalt  }
0x76: {  	_ =	shalt  }
0x77: {  	_ =	shalt  }
0x78: {  	_ =	shalt  }
0x79: {  	_ =	shalt  }
0x7a: {  	_ =	shalt  }
0x7b: {  	_ =	shalt  }
0x7c: {  	_ =	shalt  }
0x7d: {  	_ =	shalt  }
0x7e: {  	_ =	shalt  }
0x7f: {  	_ =	shalt  }
0x80: {  	_ =	shalt  }
0x81: {  	_ =	shalt  }
0x82: {  	_ =	shalt  }
0x83: {  	_ =	shalt  }
0x84: {  	_ =	shalt  }
0x85: {  	_ =	shalt  }
0x86: {  	_ =	shalt  }
0x87: {  	_ =	shalt  }
.Lfunc_end0:
.L_simem_size_0:
called_computation_lowered:
.L_overlay_start_0:
0x88: {  	s2 =	sld [smem:$0x3FD9]  }
0x89: {  	s3 =	sld [smem:$0x3FFE];
	_ =	sdelay $0x1  }
0x8a: {  	s1 =	srdreg.scid  }
0x8b: {  	s0 =	sand.u32 $0x1, s1  }
0x8c: {  	s18 =	sshll.u32 s0, $0xA;
	s2 =	sadd.s32 s3, s2  }
0x8d: {  	s2 =	sadd.s32 s2, s18  }
0x8e: {  	[smem:$0x3FC6] =	sst s2  }
0x8f: {  	_ = 	snop  }
0x90: {  	s2 =	sld [smem:$0x3FC9]  }
0x91: {  	s19 =	sld [smem:$0x3FC8]  }
0x92: {  	s4 =	sld [smem:$0x3FD0];
	(tm) =	ssettm $0x1  }
0x93: {  	s5 =	sld [smem:$0x3FFB];
	_ =	sdelay $0x3  }
0x94: {  	_ =	strace s5  }
0x95: {  	s5 =	sld [smem:$0x3FFC];
	_ =	sdelay $0x3  }
0x96: {  	_ =	strace s5  }
0x97: {  	s5 =	sld [smem:$0x3FFD];
	_ =	sdelay $0x3  }
0x98: {  	_ =	strace s5  }
0x99: {  	_ =	strace $0x8FFFFFFF  }
0x9a: {  	s20 =	sld [smem:$0x3FDB];
	_ =	sdelay $0x1  }
0x9b: {  	s6 =	simm.s32 $_scs_section_size  }
0x9c: {  	s7 =	simm.s32 $_size__tile_overlayer_lowered;
	s8 =	simm.s32 $_tile_overlayer_lowered  }
0x9d: {  	s23 =	simm.s32 $0x1BFF;
	s22 =	sshll.u32 s8, $0x1;
	s5 =	sadd.s32 s6, s20  }
0x9e: {  	s9 =	simm.s32 $0x0;
	s21 =	sshll.u32 s7, $0x1;
	s7 =	sadd.s32 s22, s5  }
0x9f: {  	[timem:s9], [sflag:s23] =	dma.local [hbm:s7], s21  }
0xa0: {  	_ =	swait.ge [sflag:s23], s21  }
0xa1: {  	s6 =	ssub.s32 $0x0, s21;
	[sflag:s23] =	ssyncset.done $0x0  }
0xa2: {  	[sflag:s23] =	ssyncadd.s32 s6;
	_ =	sdelay $0x1  }
0xa3: {  	s24 =	simm.s32 $0x1B8B  }
0xa4: {  	_ =	swait.ge [sflag:s24], $0x1  }
0xa5: {  	[sflag:s24] =	ssyncset.done $0x0  }
0xa6: {  	s25 =	simm.s32 $0x1B8E;
	[sflag:s24] =	ssyncadd.s32 $0xFFFFFFFF  }
0xa7: {  	s26 =	simm.s32 $execute0_lowered;
	[smem:$0x3FD2] =	sst s25  }
0xa8: {  	s6 =	sshll.u32 s26, $0x1;
	_ =	strace $0x80000046;
	[dreg:$0x1] =	wrdreg $0xFFFFFFFF  }
0xa9: {  	s28 =	simm.s32 $_size_execute0_lowered;
	s5 =	sadd.s32 s5, s6;
	[dreg:$0x0] =	wrdreg $0x0  }
0xaa: {  	s6 =	sshll.u32 s28, $0x1;
	[dreg:$0x2] =	wrdreg s5  }
0xab: {  	[dreg:$0x3] =	wrdreg s6  }
0xac: {  	[dreg:$0x4] =	wrdreg $0xC0  }
0xad: {  	_ =	task [dreg:s9], $0x5FFFF  }
0xae: {  	[dreg:$0x1] =	wrdreg $0xFFFFFFFF  }
0xaf: {  	[dreg:$0x0] =	wrdreg $0x60  }
0xb0: {  	[dreg:$0x2] =	wrdreg s2  }
0xb1: {  	[dreg:$0x3] =	wrdreg s19  }
0xb2: {  	[dreg:$0x4] =	wrdreg s4  }
0xb3: {  	[dreg:$0x5] =	wrdreg $0x9  }
0xb4: {  	_ =	task.clear_ibuf [dreg:s9], $0x6FFFF;
	_ =	strace $0x90000046  }
0xb5: {  	s29 =	simm.s32 $0x9;
	_ =	strace $0x80000048  }
0xb6: {  	_ =	swait.ge [sflag:s29], $0x1  }
0xb7: {  	[sflag:s29] =	ssyncadd.s32 $0xFFFFFFFF  }
0xb8: {  	_ =	strace $0x90000048  }
0xb9: {  	_ =	sfence  }
0xba: {  	s30 =	sld [smem:$0x0];
	_ =	sdelay $0x2  }
0xbb: {  	s31 =	sshll.u32 s1, $0xD;
	s1 =	sshrl.u32 s1, $0x2  }
0xbc: {  	s3 =	sand.u32 $0x4000, s31;
	s1 =	sadd.s32 s1, s30  }
0xbd: {  	s0 =	sor.u32 s3, s0;
	s1 =	sshll.u32 s1, $0x11  }
0xbe: {  	s0 =	sor.u32 s1, s0  }
0xbf: {  	s0 =	sadd.s32 $0x8F2B, s0  }
0xc0: {  	[sflag:s0] =	ssyncadd.remote.s32 $0x1  }
0xc1: {  	_ =	sfence.sel $0xFFFF  }
0xc2: {  	[dreg:$0x0] =	wrdreg $0xFFFFFFFF;
	(pc) =	sbr.abs _section_cstart, $3  }
0xc3: {  	[dreg:$0x1] =	wrdreg $0xFFFFFFFF  }
0xc4: {  	_ =	task.clear_ibuf [dreg:s9], $0x2FFFF;
	_ =	strace $0x9FFFFFFF  }
0xc5: {  	(tm) =	ssettm $0x7FFFFFFF  }
tec
execute0_lowered:
.L_overlay_start_1:
0x0: {  	(tag) =	ssettag $0x1  }
0x1: {  	s6 =	rddreg [dreg:$0x0];
	s0 =	srdreg.scid  }
0x2: {  	s5 =	stileid.u32;
	s7 =	rddreg [dreg:$0x2]  }
0x3: {  	s30 =	simm.s32 $0x0;
	s0 =	sand.u32 $0x1, s0;
	s1 =	sshll.u32 s5, $0x1  }
0x4: {  	[smem:$0x7FF] =	sst s30;
	s17 =	sadd.s32 $0x4000, s7;
	s19 =	sadd.s32 $0x8000, s7  }
0x5: {  	s31 =	sadd.s32 $0x4F5800, s7;
	_ =	strace $0x80000047;
	[dreg:$0xf] =	wrdreg s17  }
0x6: {  	s1 =	sor.u32 s0, s1;
	s0 =	ssub.s32 $0x2, s0;
	[dreg:$0x10] =	wrdreg s19  }
0x7: {  	[dreg:$0x19] =	wrdreg s31;
	s4 =	sshll.u32 s1, $0xB;
	s2 =	sshrl.u32 s0, $0x1  }
0x8: {  	s9 =	sshll.u32 s1, $0x8;
	s16 =	sshll.u32 s1, $0x9;
	[dreg:$0x4] =	wrdreg s4  }
0x9: {  	s0 =	ssub.s32 s0, s2;
	s2 =	sadd.s32 s6, s9;
	[dreg:$0xe] =	wrdreg s16  }
0xa: {  	s28 =	simm.s32 $0x800;
	s13 =	sor.u32 $0x40000, s4;
	[dreg:$0x5] =	wrdreg s2  }
0xb: {  	s21 =	sadd.s32 $0x27AC80, s6;
	s14 =	sor.u32 $0x50000, s4;
	[dreg:$0xb] =	wrdreg s13  }
0xc: {  	p1 =	sgt.u32 s5, $0x5;
	s15 =	sor.u32 $0x60000, s4;
	[dreg:$0xc] =	wrdreg s14  }
0xd: {  	s18 =	sor.u32 $0x2780, s1;
	s29 =	sadd.s32 s7, s16;
	[dreg:$0xd] =	wrdreg s15  }
0xe: {  	s22 =	sor.u32 $0x27A0, s1;
	s11 =	sadd.s32 $0x2000, s2;
	[dreg:$0x18] =	wrdreg s29  }
0xf: {  	s20 =	sshll.u32 s18, $0x8;
	s2 =	sadd.s32 $0x4000, s2;
	[dreg:$0x8] =	wrdreg s11  }
0x10: {  	s23 =	sshll.u32 s22, $0x8;
	s9 =	sadd.s32 s6, s20;
	[dreg:$0x9] =	wrdreg s2  }
0x11: {  	p0 =	sne.s32 s1, $0x1F;
	s24 =	sadd.s32 s23, s21;
	[dreg:$0x11] =	wrdreg s9  }
0x12: {  	s25 =	sshll.u32 s22, $0x9;
	s1 =	sadd.s32 s6, s23;
	[dreg:$0x14] =	wrdreg s24  }
0x13: {  	s3 =	sshrl.u32 s4, $0x3;
	s26 =	sadd.s32 s7, s25;
	[dreg:$0x15] =	wrdreg s1  }
0x14: {  	s3 =	sadd.s32 s6, s3;
	s0 =	smax.u32 s0, $0x1;
	[dreg:$0x16] =	wrdreg s26  }
0x15: {  	s5 =	simm.s32 $0x0;
	s8 =	sadd.s32 $0x27AC80, s3;
	[dreg:$0x17] =	wrdreg s0  }
.Ltmp0:
0x16: {  	s10 =	sadd.s32 $0x27CC80, s3;
	[dreg:$0x6] =	wrdreg s8;
	(pc) =	sbr.rel .LBB2_1-.Ltmp0, $4  }
0x17: {  	s22 =	simm.s32 $0x5000;
	s12 =	sadd.s32 $0x27EC80, s3;
	[dreg:$0x7] =	wrdreg s10  }
0x18: {  	s3 =	sadd.s32 s20, s21;
	s2 =	sshll.u32 s18, $0x9;
	[dreg:$0xa] =	wrdreg s12  }
0x19: {  	v0 =	vlaneseq.u32;
	s24 =	simm.s32 $0x6000;
	[dreg:$0x12] =	wrdreg s3;
	s2 =	sadd.s32 s7, s2  }
0x1a: {  	v0 =	vmul.u32 $0x10, v0;
	s9 =	simm.s32 $0x7000;
	[dreg:$0x13] =	wrdreg s2;
	s2 =	simm.s32 $0x4000  }
.LBB2_17:
0x1b: {  	s0 =	simm.s32 @!p0 $0x0;
	s1 =	simm.s32 @!p0 $0x4000;
	s4 =	rddreg [dreg:$0x1]  }
0x1c: {  	[tilespmem:s1], [sflag:$0x9] =	stream.linear.gather @!p0 [hbm4b:s4+s0], $0x400, $0x38;
	[tilespmem:$0x8000] =	vst v63  }
0x1d: {  	s4 =	simm.s32 @!p0 $0x9  }
0x1e: {  	_ =	swait.ge @!p0 [sflag:s4], $0x400  }
0x1f: {  	[sflag:s4] =	ssyncset.done @!p0 $0x0  }
0x20: {  	s3 =	rddreg [dreg:$0x19];
	[sflag:s4] =	ssyncadd.s32 @!p0 $0xFFFFFC00  }
0x21: {  	[hbm4b:s3+s0] =	stream.linear.scatter @!p0 [tilespmem:s1], [sflag:$0x9], $0x400, $0x38;
	[tilespmem:$0x8000] =	vst v63  }
0x22: {  	_ =	swait.ge @!p0 [sflag:s4], $0x400  }
0x23: {  	s5 =	sadd.s32 $0x1, s5;
	s31 =	rddreg [dreg:$0x17]  }
0x24: {  	p2 =	sne.s32 s5, s31  }
.Ltmp1:
0x25: {  	_ = 	snop;
	(pc) =	sbr.rel @!p2 .LBB2_18-.Ltmp1, $3  }
0x26: {  	_ =	sdelay $0x1  }
0x27: {  	[sflag:s4] =	ssyncset.done @!p0 $0x0  }
0x28: {  	[sflag:s4] =	ssyncadd.s32 @!p0 $0xFFFFFC00  }
.LBB2_1:
0x29: {  	[dreg:$0x1a] =	wrdreg s5  }
0x2a: {  	s0 =	rddreg [dreg:$0x5]  }
0x2b: {  	[tilespmem:s30], [sflag:$0x1] =	stream.linear.gather [hbm4b:s0+s30], $0x800, $0x38;
	[tilespmem:$0x8000] =	vst v63  }
0x2c: {  	s20 =	rddreg [dreg:$0x6]  }
0x2d: {  	[tilespmem:s28], [sflag:$0x1] =	stream.linear.gather [hbm4b:s20+s30], $0x800, $0x38;
	[tilespmem:$0x8000] =	vst v63  }
0x2e: {  	s21 =	rddreg [dreg:$0x8];
	s1 =	simm.s32 $0x1000  }
0x2f: {  	[tilespmem:s1], [sflag:$0x2] =	stream.linear.gather [hbm4b:s21+s30], $0x800, $0x38;
	[tilespmem:$0x8000] =	vst v63  }
0x30: {  	s23 =	rddreg [dreg:$0x7];
	s25 =	simm.s32 $0x1800  }
0x31: {  	[tilespmem:s25], [sflag:$0x2] =	stream.linear.gather [hbm4b:s23+s30], $0x800, $0x38;
	[tilespmem:$0x8000] =	vst v63  }
0x32: {  	s26 =	rddreg [dreg:$0x9];
	s28 =	simm.s32 $0x2000  }
0x33: {  	[tilespmem:s28], [sflag:$0x3] =	stream.linear.gather [hbm4b:s26+s30], $0x800, $0x38;
	[tilespmem:$0x8000] =	vst v63  }
0x34: {  	s29 =	rddreg [dreg:$0xa];
	s31 =	simm.s32 $0x2800;
	s25 =	simm.s32 $0x0  }
0x35: {  	[tilespmem:s31], [sflag:$0x3] =	stream.linear.gather [hbm4b:s29+s30], $0x800, $0x38;
	[tilespmem:$0x8000] =	vst v63  }
.LBB2_2:
0x36: {  	s3 =	simm.s32 $0x1  }
0x37: {  	_ =	swait.ge [sflag:s3], $0x800  }
0x38: {  	[sflag:s3] =	ssyncset.done $0x0  }
0x39: {  	[sflag:s3] =	ssyncadd.s32 $0xFFFFF800  }
0x3a: {  	s28 =	sshllo.u32 s25, $0x2;
	_ =	swait.ge [sflag:s3], $0x800  }
0x3b: {  	s1 =	sshll.u32 s28, $0x10;
	s0 =	rddreg [dreg:$0x4];
	[sflag:s3] =	ssyncset.done $0x0  }
0x3c: {  	s1 =	sor.u32 s0, s1;
	[sflag:s3] =	ssyncadd.s32 $0xFFFFF800  }
0x3d: {  	s1 =	sshrl.u32 s1, $0x3;
	s26 =	rddreg [dreg:$0x0]  }
0x3e: {  	s29 =	simm.s32 $0x3000;
	s1 =	sadd.s32 s26, s1  }
0x3f: {  	[tilespmem:s29], [sflag:$0x4] =	stream.linear.gather [hbm4b:s1+s30], $0x800, $0x38;
	[tilespmem:$0x8000] =	vst v63  }
0x40: {  	s31 =	simm.s32 $0x3800;
	p2 =	seq.s32 s25, $0x0;
	s1 =	sadd.s32 $0x27AC80, s1  }
0x41: {  	[tilespmem:s31], [sflag:$0x4] =	stream.linear.gather [hbm4b:s1+s30], $0x800, $0x38;
	[tilespmem:$0x8000] =	vst v63  }
0x42: {  	s16 =	simm.s32 $0xFFFFFFC0;
	s7 =	simm.s32 $0x30;
	s1 =	simm.s32 @!p2 $0x5  }
0x43: {  	s10 =	simm.s32 $0x30F;
	s20 =	simm.s32 $0x0;
	_ =	swait.ge @!p2 [sflag:s1], $0x1000  }
0x44: {  	s4 =	simm.s32 $0x0;
	s21 =	simm.s32 $0x0;
	[sflag:s1] =	ssyncset.done @!p2 $0x0  }
0x45: {  	s3 =	simm.s32 $0x0;
	[sflag:s1] =	ssyncadd.s32 @!p2 $0xFFFFF000;
	p2 =	por $0x0, $0x0  }
.LBB2_3:
0x46: {  	s12 =	sadd.s32 $0xFFFFFFD0, s7  }
0x47: {  	s29 =	sadd.s32 $0x40, s16;
	s30 =	sor.u32 $0x280, s12  }
0x48: {  	s17 =	sand.u32 $0x400, s4;
	s1 =	sand.u32 $0x40, s29;
	s31 =	sor.u32 $0x380, s12;
	v6 =	vld [tilespmem:s30+$0x0]  }
0x49: {  	s11 =	sor.u32 s1, s17;
	v8 =	vld [tilespmem:s31+$0x0]  }
0x4a: {  	v1 =	vld [tilespmem:s11+$0x0]  }
0x4b: {  	v2 =	vld [tilespmem:s11+$0x80]  }
0x4c: {  	s6 =	simm.s32 $0x1;
	s15 =	sor.u32 $0x800, s17;
	v3 =	vld [tilespmem:s11+$0x100]  }
0x4d: {  	s6 =	simm.s32 @!p2 $0x0;
	s12 =	sor.u32 $0x880, s17;
	s0 =	sor.u32 s1, s15;
	v4 =	vld [tilespmem:s11+$0x180]  }
0x4e: {  	s14 =	sor.u32 $0x980, s17;
	s6 =	sshll.u32 s6, $0x6;
	s5 =	sor.u32 s1, s12;
	v9 =	vld [tilespmem:s0+$0x0]  }
0x4f: {  	s8 =	sor.u32 s1, s14;
	s6 =	sadd.s32 s6, s4;
	v10 =	vld [tilespmem:s5+$0x0]  }
0x50: {  	v12 =	vld [tilespmem:s8+$0x0];
	s26 =	sor.u32 $0x200, s6  }
0x51: {  	s19 =	sadd.s32 $0xFFFFFCF1, s10;
	s11 =	sor.u32 $0x900, s17;
	s6 =	sor.u32 $0x300, s6;
	v5 =	vld [tilespmem:s26+$0x0]  }
0x52: {  	s23 =	sadd.s32 $0xFFFFFCF2, s10;
	s30 =	sor.u32 $0xB00, s17;
	s13 =	sor.u32 s1, s11;
	v7 =	vld [tilespmem:s6+$0x0]  }
0x53: {  	v13 =	vor.u32 s19, v0;
	s0 =	sadd.s32 $0xFFFFFCF3, s10;
	v11 =	vld [tilespmem:s13+$0x0];
	s13 =	sor.u32 $0xA80, s17;
	s26 =	sor.u32 s1, s30  }
0x54: {  	v15 =	vor.u32 s23, v0;
	s5 =	sadd.s32 $0xFFFFFCF4, s10;
	s6 =	sor.u32 $0xA00, s17;
	s31 =	sor.u32 s1, s13;
	v18 =	vld [tilespmem:s26+$0x0]  }
0x55: {  	s8 =	sadd.s32 $0x50, s16;
	v17 =	vor.u32 s0, v0;
	s18 =	sor.u32 s1, s6;
	v16 =	vld [tilespmem:s31+$0x0];
	s31 =	sor.u32 $0xB80, s17  }
0x56: {  	v19 =	vor.u32 s5, v0;
	s0 =	sadd.s32 $0xFFFFFCF5, s10;
	v14 =	vld [tilespmem:s18+$0x0];
	s23 =	sor.u32 s1, s31;
	s1 =	sand.u32 $0x50, s8  }
0x57: {  	s5 =	sand.u32 $0x7, s21;
	v21 =	vor.u32 s0, v0;
	s8 =	sadd.s32 $0xFFFFFCF6, s10;
	v20 =	vld [tilespmem:s23+$0x0];
	s26 =	sor.u32 s1, s17  }
0x58: {  	s19 =	sshll.u32 s5, $0x4;
	s0 =	sadd.s32 $0xFFFFFCF7, s10;
	[tilespmem:v13+s2+$0x0] =	vst.idx.msk $0xffff, v1;
	v1 =	vor.u32 s8, v0;
	v55 =	vld [tilespmem:s26+$0x0]  }
0x59: {  	s18 =	sadd.s32 s4, s19;
	s23 =	sadd.s32 $0xFFFFFCF8, s10;
	[tilespmem:v15+s2+$0x0] =	vst.idx.msk $0xffff, v2;
	v2 =	vor.u32 s0, v0;
	v56 =	vld [tilespmem:s26+$0x80]  }
0x5a: {  	s5 =	sadd.s32 $0xFFFFFCF9, s10;
	s19 =	sadd.s32 $0x10, s18;
	v57 =	vld [tilespmem:s26+$0x100];
	[tilespmem:v17+s2+$0x0] =	vst.idx.msk $0xffff, v3;
	v3 =	vor.u32 s23, v0  }
0x5b: {  	v58 =	vor.u32 s5, v0;
	s8 =	sadd.s32 $0xFFFFFCFA, s10;
	s5 =	sor.u32 $0x200, s19;
	v59 =	vld [tilespmem:s26+$0x180];
	[tilespmem:v19+s2+$0x0] =	vst.idx.msk $0xffff, v4  }
0x5c: {  	s19 =	sor.u32 $0x300, s19;
	v60 =	vor.u32 s8, v0;
	s8 =	sadd.s32 $0xFFFFFCFB, s10;
	v61 =	vld [tilespmem:s5+$0x0];
	s23 =	sadd.s32 $0xFFFFFFE0, s7;
	[tilespmem:v21+s2+$0x0] =	vst.idx.msk $0xffff, v5  }
0x5d: {  	v63 =	vld [tilespmem:s19+$0x0];
	s5 =	sor.u32 $0x280, s23;
	[tilespmem:v1+s2+$0x0] =	vst.idx.msk $0xffff, v6;
	v1 =	vor.u32 s8, v0;
	s8 =	sadd.s32 $0xFFFFFCFC, s10  }
0x5e: {  	s26 =	sadd.s32 $0xFFFFFCFD, s10;
	v62 =	vld [tilespmem:s5+$0x0];
	s5 =	sor.u32 $0x380, s23;
	[tilespmem:v2+s2+$0x0] =	vst.idx.msk $0xffff, v7;
	v2 =	vor.u32 s8, v0  }
0x5f: {  	s23 =	sor.u32 s1, s15;
	v24 =	vld [tilespmem:s5+$0x0];
	s8 =	sadd.s32 $0xFFFFFCFE, s10;
	[tilespmem:v3+s2+$0x0] =	vst.idx.msk $0xffff, v8;
	v3 =	vor.u32 s26, v0  }
0x60: {  	v26 =	vld [tilespmem:s23+$0x0];
	s5 =	sor.u32 s1, s12;
	v25 =	vor.u32 s8, v0;
	s26 =	sadd.s32 $0xFFFFFCFF, s10;
	[tilespmem:v58+s2+$0x0] =	vst.idx.msk $0xffff, v9  }
0x61: {  	s23 =	sor.u32 s1, s11;
	v28 =	vld [tilespmem:s5+$0x0];
	s8 =	sadd.s32 $0xFFFFFD00, s10;
	v27 =	vor.u32 s26, v0;
	[tilespmem:v60+s2+$0x0] =	vst.idx.msk $0xffff, v10  }
0x62: {  	v29 =	vld [tilespmem:s23+$0x0];
	s5 =	sadd.s32 $0xFFFFFDF1, s10;
	s26 =	sor.u32 s1, s14;
	[tilespmem:v1+s2+$0x0] =	vst.idx.msk $0xffff, v11;
	v1 =	vor.u32 s8, v0  }
0x63: {  	s23 =	sadd.s32 $0xFFFFFDF2, s10;
	v30 =	vor.u32 s5, v0;
	s8 =	sor.u32 s1, s6;
	[tilespmem:v2+s2+$0x0] =	vst.idx.msk $0xffff, v12;
	v2 =	vld [tilespmem:s26+$0x0]  }
0x64: {  	v31 =	vor.u32 s23, v0;
	s5 =	sadd.s32 $0xFFFFFDF3, s10;
	s26 =	sor.u32 s1, s13;
	[tilespmem:v3+s2+$0x0] =	vst.idx.msk $0xffff, v14;
	v3 =	vld [tilespmem:s8+$0x0]  }
0x65: {  	s23 =	sadd.s32 $0xFFFFFDF4, s10;
	v33 =	vor.u32 s5, v0;
	v32 =	vld [tilespmem:s26+$0x0];
	s8 =	sor.u32 s1, s30;
	[tilespmem:v25+s2+$0x0] =	vst.idx.msk $0xffff, v16  }
0x66: {  	s5 =	sor.u32 s1, s31;
	v35 =	vor.u32 s23, v0;
	s26 =	sadd.s32 $0x60, s16;
	v34 =	vld [tilespmem:s8+$0x0];
	s8 =	sadd.s32 $0xFFFFFDF5, s10;
	[tilespmem:v27+s2+$0x0] =	vst.idx.msk $0xffff, v18  }
0x67: {  	s19 =	sand.u32 $0x60, s26;
	v36 =	vor.u32 s8, v0;
	[tilespmem:v1+s2+$0x0] =	vst.idx.msk $0xffff, v20;
	v1 =	vld [tilespmem:s5+$0x0];
	s5 =	sadd.s32 $0xFFFFFDF6, s10  }
0x68: {  	s26 =	sand.u32 $0x3, s20;
	s1 =	sor.u32 s19, s17;
	s8 =	sadd.s32 $0xFFFFFDF7, s10;
	[tilespmem:v30+s2+$0x0] =	vst.idx.msk $0xffff, v55;
	v37 =	vor.u32 s5, v0  }
0x69: {  	s23 =	sshll.u32 s26, $0x5;
	s26 =	sadd.s32 $0xFFFFFDF8, s10;
	v38 =	vld [tilespmem:s1+$0x0];
	v39 =	vor.u32 s8, v0;
	[tilespmem:v31+s2+$0x0] =	vst.idx.msk $0xffff, v56  }
0x6a: {  	s23 =	sadd.s32 s4, s23;
	v40 =	vld [tilespmem:s1+$0x80];
	v41 =	vor.u32 s26, v0;
	s5 =	sadd.s32 $0xFFFFFDF9, s10;
	[tilespmem:v33+s2+$0x0] =	vst.idx.msk $0xffff, v57  }
0x6b: {  	v42 =	vld [tilespmem:s1+$0x100];
	s8 =	sadd.s32 $0xFFFFFDFA, s10;
	s23 =	sadd.s32 $0x20, s23;
	v43 =	vor.u32 s5, v0;
	[tilespmem:v35+s2+$0x0] =	vst.idx.msk $0xffff, v59  }
0x6c: {  	v44 =	vld [tilespmem:s1+$0x180];
	s26 =	sadd.s32 $0xFFFFFFF0, s7;
	v45 =	vor.u32 s8, v0;
	s8 =	sadd.s32 $0xFFFFFDFB, s10;
	s5 =	sor.u32 $0x200, s23;
	[tilespmem:v36+s2+$0x0] =	vst.idx.msk $0xffff, v61  }
0x6d: {  	v47 =	vor.u32 s8, v0;
	s8 =	sadd.s32 $0xFFFFFDFC, s10;
	v46 =	vld [tilespmem:s5+$0x0];
	s5 =	sor.u32 $0x280, s26;
	[tilespmem:v37+s2+$0x0] =	vst.idx.msk $0xffff, v62  }
0x6e: {  	v49 =	vor.u32 s8, v0;
	s8 =	sadd.s32 $0xFFFFFDFD, s10;
	v48 =	vld [tilespmem:s5+$0x0];
	s5 =	sor.u32 $0x300, s23;
	[tilespmem:v39+s2+$0x0] =	vst.idx.msk $0xffff, v63  }
0x6f: {  	s23 =	sor.u32 $0x380, s26;
	v51 =	vor.u32 s8, v0;
	s26 =	sadd.s32 $0xFFFFFDFE, s10;
	v50 =	vld [tilespmem:s5+$0x0];
	[tilespmem:v41+s2+$0x0] =	vst.idx.msk $0xffff, v24  }
0x70: {  	s8 =	sadd.s32 $0xFFFFFDFF, s10;
	v52 =	vld [tilespmem:s23+$0x0];
	s5 =	sor.u32 s19, s15;
	v53 =	vor.u32 s26, v0;
	[tilespmem:v43+s2+$0x0] =	vst.idx.msk $0xffff, v26  }
0x71: {  	s23 =	sor.u32 s19, s12;
	v55 =	vor.u32 s8, v0;
	s26 =	sadd.s32 $0xFFFFFE00, s10;
	v54 =	vld [tilespmem:s5+$0x0];
	[tilespmem:v45+s2+$0x0] =	vst.idx.msk $0xffff, v28  }
0x72: {  	v56 =	vld [tilespmem:s23+$0x0];
	s5 =	sor.u32 s19, s11;
	v57 =	vor.u32 s26, v0;
	s23 =	sadd.s32 $0xFFFFFEF1, s10;
	[tilespmem:v47+s2+$0x0] =	vst.idx.msk $0xffff, v29  }
0x73: {  	s8 =	sor.u32 s19, s14;
	v58 =	vld [tilespmem:s5+$0x0];
	v59 =	vor.u32 s23, v0;
	s5 =	sadd.s32 $0xFFFFFEF2, s10;
	[tilespmem:v49+s2+$0x0] =	vst.idx.msk $0xffff, v2  }
0x74: {  	s26 =	sor.u32 s19, s6;
	s23 =	sadd.s32 $0xFFFFFEF3, s10;
	v60 =	vor.u32 s5, v0;
	v2 =	vld [tilespmem:s8+$0x0];
	[tilespmem:v51+s2+$0x0] =	vst.idx.msk $0xffff, v3  }
0x75: {  	v62 =	vor.u32 s23, v0;
	s5 =	sadd.s32 $0xFFFFFEF4, s10;
	s8 =	sor.u32 s19, s13;
	v3 =	vld [tilespmem:s26+$0x0];
	[tilespmem:v53+s2+$0x0] =	vst.idx.msk $0xffff, v32  }
0x76: {  	s23 =	sadd.s32 $0xFFFFFEF5, s10;
	v22 =	vor.u32 s5, v0;
	v61 =	vld [tilespmem:s8+$0x0];
	s26 =	sor.u32 s19, s30;
	s8 =	sadd.s32 $0x70, s16;
	[tilespmem:v55+s2+$0x0] =	vst.idx.msk $0xffff, v34  }
0x77: {  	v23 =	vor.u32 s23, v0;
	s19 =	sor.u32 s19, s31;
	v63 =	vld [tilespmem:s26+$0x0];
	s1 =	sand.u32 $0x70, s8;
	s26 =	sadd.s32 $0xFFFFFEF6, s10;
	[tilespmem:v57+s2+$0x0] =	vst.idx.msk $0xffff, v1  }
0x78: {  	s5 =	sadd.s32 $0xFFFFFEF7, s10;
	s16 =	sor.u32 s1, s17;
	v24 =	vor.u32 s26, v0;
	v1 =	vld [tilespmem:s19+$0x0];
	[tilespmem:v59+s2+$0x0] =	vst.idx.msk $0xffff, v38  }
0x79: {  	v26 =	vor.u32 s5, v0;
	s8 =	sadd.s32 $0xFFFFFEF8, s10;
	v25 =	vld [tilespmem:s16+$0x0];
	[tilespmem:v60+s2+$0x0] =	vst.idx.msk $0xffff, v40  }
0x7a: {  	v28 =	vor.u32 s8, v0;
	s17 =	sadd.s32 $0xFFFFFEF9, s10;
	v27 =	vld [tilespmem:s16+$0x80];
	[tilespmem:v62+s2+$0x0] =	vst.idx.msk $0xffff, v42  }
0x7b: {  	s23 =	sadd.s32 $0xFFFFFEFA, s10;
	v29 =	vld [tilespmem:s16+$0x100];
	v30 =	vor.u32 s17, v0;
	[tilespmem:v22+s2+$0x0] =	vst.idx.msk $0xffff, v44  }
0x7c: {  	s5 =	sadd.s32 $0xFFFFFEFB, s10;
	v32 =	vor.u32 s23, v0;
	s8 =	sor.u32 $0x280, s7;
	v31 =	vld [tilespmem:s16+$0x180];
	[tilespmem:v23+s2+$0x0] =	vst.idx.msk $0xffff, v46  }
0x7d: {  	v34 =	vor.u32 s5, v0;
	s15 =	sor.u32 s1, s15;
	s19 =	sadd.s32 $0x30, s18;
	s18 =	sadd.s32 $0xFFFFFEFC, s10;
	v35 =	vld [tilespmem:s8+$0x0];
	[tilespmem:v24+s2+$0x0] =	vst.idx.msk $0xffff, v48  }
0x7e: {  	s23 =	sadd.s32 $0xFFFFFEFD, s10;
	s12 =	sor.u32 s1, s12;
	v41 =	vld [tilespmem:s15+$0x0];
	v36 =	vor.u32 s18, v0;
	[tilespmem:v26+s2+$0x0] =	vst.idx.msk $0xffff, v50  }
0x7f: {  	s5 =	sadd.s32 $0xFFFFFEFE, s10;
	s11 =	sor.u32 s1, s11;
	v38 =	vor.u32 s23, v0;
	v43 =	vld [tilespmem:s12+$0x0];
	[tilespmem:v28+s2+$0x0] =	vst.idx.msk $0xffff, v52  }
0x80: {  	s8 =	sadd.s32 $0xFFFFFEFF, s10;
	v45 =	vld [tilespmem:s11+$0x0];
	s26 =	sor.u32 $0x200, s19;
	v40 =	vor.u32 s5, v0;
	[tilespmem:v30+s2+$0x0] =	vst.idx.msk $0xffff, v54  }
0x81: {  	s16 =	sadd.s32 $0xFFFFFF00, s10;
	s19 =	sor.u32 $0x300, s19;
	v33 =	vld [tilespmem:s26+$0x0];
	v42 =	vor.u32 s8, v0;
	[tilespmem:v32+s2+$0x0] =	vst.idx.msk $0xffff, v56  }
0x82: {  	s18 =	sadd.s32 $0xFFFFFFF1, s10;
	v37 =	vld [tilespmem:s19+$0x0];
	s26 =	sor.u32 $0x380, s7;
	v44 =	vor.u32 s16, v0;
	[tilespmem:v34+s2+$0x0] =	vst.idx.msk $0xffff, v58  }
0x83: {  	s23 =	sadd.s32 $0xFFFFFFF2, s10;
	v39 =	vld [tilespmem:s26+$0x0];
	s26 =	sor.u32 s1, s13;
	v46 =	vor.u32 s18, v0;
	[tilespmem:v36+s2+$0x0] =	vst.idx.msk $0xffff, v2  }
0x84: {  	v47 =	vor.u32 s23, v0;
	s5 =	sadd.s32 $0xFFFFFFF3, s10;
	s8 =	sor.u32 s1, s30;
	v48 =	vld [tilespmem:s26+$0x0];
	[tilespmem:v38+s2+$0x0] =	vst.idx.msk $0xffff, v3  }
0x85: {  	s17 =	sor.u32 s1, s14;
	s11 =	sadd.s32 $0xFFFFFFF4, s10;
	v49 =	vor.u32 s5, v0;
	v50 =	vld [tilespmem:s8+$0x0];
	[tilespmem:v40+s2+$0x0] =	vst.idx.msk $0xffff, v61  }
0x86: {  	v51 =	vor.u32 s11, v0;
	s19 =	sor.u32 s1, s6;
	s13 =	sadd.s32 $0xFFFFFFF5, s10;
	v2 =	vld [tilespmem:s17+$0x0];
	[tilespmem:v42+s2+$0x0] =	vst.idx.msk $0xffff, v63  }
0x87: {  	s12 =	sor.u32 s1, s31;
	s14 =	sadd.s32 $0xFFFFFFF6, s10;
	v52 =	vor.u32 s13, v0;
	v3 =	vld [tilespmem:s19+$0x0];
	[tilespmem:v44+s2+$0x0] =	vst.idx.msk $0xffff, v1  }
0x88: {  	s15 =	sadd.s32 $0xFFFFFFF7, s10;
	v53 =	vor.u32 s14, v0;
	v1 =	vld [tilespmem:s12+$0x0];
	[tilespmem:v46+s2+$0x0] =	vst.idx.msk $0xffff, v25  }
0x89: {  	s16 =	sadd.s32 $0xFFFFFFF8, s10;
	v54 =	vor.u32 s15, v0;
	[tilespmem:v47+s2+$0x0] =	vst.idx.msk $0xffff, v27  }
0x8a: {  	v55 =	vor.u32 s16, v0;
	s17 =	sadd.s32 $0xFFFFFFF9, s10;
	[tilespmem:v49+s2+$0x0] =	vst.idx.msk $0xffff, v29  }
0x8b: {  	s18 =	sadd.s32 $0xFFFFFFFA, s10;
	v56 =	vor.u32 s17, v0;
	[tilespmem:v51+s2+$0x0] =	vst.idx.msk $0xffff, v31  }
0x8c: {  	v57 =	vor.u32 s18, v0;
	s19 =	sadd.s32 $0xFFFFFFFB, s10;
	[tilespmem:v52+s2+$0x0] =	vst.idx.msk $0xffff, v33  }
0x8d: {  	s23 =	sadd.s32 $0xFFFFFFFC, s10;
	v58 =	vor.u32 s19, v0;
	[tilespmem:v53+s2+$0x0] =	vst.idx.msk $0xffff, v35  }
0x8e: {  	v59 =	vor.u32 s23, v0;
	s26 =	sadd.s32 $0xFFFFFFFD, s10;
	[tilespmem:v54+s2+$0x0] =	vst.idx.msk $0xffff, v37  }
0x8f: {  	s30 =	sadd.s32 $0xFFFFFFFE, s10;
	v60 =	vor.u32 s26, v0;
	[tilespmem:v55+s2+$0x0] =	vst.idx.msk $0xffff, v39  }
0x90: {  	s31 =	sadd.s32 $0xFFFFFFFF, s10;
	v61 =	vor.u32 s30, v0;
	[tilespmem:v56+s2+$0x0] =	vst.idx.msk $0xffff, v41  }
0x91: {  	v62 =	vor.u32 s31, v0;
	[tilespmem:v57+s2+$0x0] =	vst.idx.msk $0xffff, v43  }
0x92: {  	p3 =	slt.u32 s29, $0xC0;
	v63 =	vor.u32 s10, v0;
	[tilespmem:v58+s2+$0x0] =	vst.idx.msk $0xffff, v45  }
.Ltmp2:
0x93: {  	[tilespmem:v59+s2+$0x0] =	vst.idx.msk $0xffff, v2;
	(pc) =	sbr.rel @p3 .LBB2_3-.Ltmp2, $4  }
0x94: {  	[tilespmem:v60+s2+$0x0] =	vst.idx.msk $0xffff, v3  }
0x95: {  	p2 =	por !p2, !p2;
	[tilespmem:v61+s2+$0x0] =	vst.idx.msk $0xffff, v48  }
0x96: {  	s21 =	sadd.s32 $0x4, s21;
	s20 =	sadd.s32 $0x2, s20;
	s4 =	sadd.s32 $0x200, s4;
	[tilespmem:v62+s2+$0x0] =	vst.idx.msk $0xffff, v50  }
0x97: {  	s7 =	sadd.s32 $0x240, s7;
	s16 =	smov.u32 s29;
	s10 =	sadd.s32 $0x400, s10;
	[tilespmem:v63+s2+$0x0] =	vst.idx.msk $0xffff, v1  }
0x98: {  	s0 =	sshll.u32 s25, $0x10;
	s1 =	rddreg [dreg:$0xe]  }
0x99: {  	s23 =	rddreg [dreg:$0x2];
	s7 =	sor.u32 s1, s0  }
0x9a: {  	s26 =	simm.s32 $0x2;
	s0 =	sadd.s32 s23, s7  }
0x9b: {  	[hbm4b:s0+s3] =	stream.linear.scatter [tilespmem:s2], [sflag:$0x5], $0x1000, $0x38;
	[tilespmem:$0x8000] =	vst v63  }
0x9c: {  	_ =	swait.ge [sflag:s26], $0x800  }
0x9d: {  	[sflag:s26] =	ssyncset.done $0x0  }
0x9e: {  	[sflag:s26] =	ssyncadd.s32 $0xFFFFF800  }
0x9f: {  	p2 =	seq.s32 s25, $0x4E;
	_ =	swait.ge [sflag:s26], $0x800  }
0xa0: {  	s29 =	sshll.u32 @!p2 s25, $0x12;
	s0 =	rddreg [dreg:$0xb];
	[sflag:s26] =	ssyncset.done $0x0  }
0xa1: {  	s0 =	sadd.s32 @!p2 s0, s29;
	[sflag:s26] =	ssyncadd.s32 $0xFFFFF800  }
0xa2: {  	s0 =	sshrl.u32 @!p2 s0, $0x3;
	s1 =	rddreg [dreg:$0x0]  }
0xa3: {  	p3 =	seq.s32 @!p2 s25, $0x0;
	s0 =	sadd.s32 @!p2 s1, s0;
	s1 =	simm.s32 @!p2 $0x0  }
0xa4: {  	[tilespmem:s1], [sflag:$0x1] =	stream.linear.gather @!p2 [hbm4b:s0+s1], $0x800, $0x38;
	[tilespmem:$0x8000] =	vst v63  }
0xa5: {  	s4 =	simm.s32 @!p2 $0x800;
	p3 =	por p2, !p3;
	s0 =	sadd.s32 @!p2 $0x27AC80, s0  }
0xa6: {  	[tilespmem:s4], [sflag:$0x1] =	stream.linear.gather @!p2 [hbm4b:s0+s1], $0x800, $0x38;
	[tilespmem:$0x8000] =	vst v63  }
0xa7: {  	s31 =	simm.s32 $0xFFFFFFC0;
	s0 =	simm.s32 @p3 $0x6  }
0xa8: {  	s20 =	simm.s32 $0x30;
	s10 =	simm.s32 $0x30F;
	_ =	swait.ge @p3 [sflag:s0], $0x1000  }
0xa9: {  	s21 =	simm.s32 $0x0;
	p4 =	por $0x0, $0x0;
	[sflag:s0] =	ssyncset.done @p3 $0x0  }
0xaa: {  	s30 =	simm.s32 $0x0;
	s4 =	simm.s32 $0x0;
	[sflag:s0] =	ssyncadd.s32 @p3 $0xFFFFF000  }
.LBB2_5:
0xab: {  	s12 =	sadd.s32 $0xFFFFFFD0, s20  }
0xac: {  	s19 =	sadd.s32 $0x40, s31;
	s0 =	sand.u32 $0x400, s4;
	s13 =	sor.u32 $0x280, s12  }
0xad: {  	s1 =	sand.u32 $0x40, s19;
	s18 =	sor.u32 $0x1000, s0;
	s14 =	sor.u32 $0x380, s12;
	v6 =	vld [tilespmem:s13+$0x1000]  }
0xae: {  	s11 =	sor.u32 s1, s18;
	v8 =	vld [tilespmem:s14+$0x1000]  }
0xaf: {  	v1 =	vld [tilespmem:s11+$0x0]  }
0xb0: {  	v2 =	vld [tilespmem:s11+$0x80]  }
0xb1: {  	s16 =	sor.u32 $0x1800, s0;
	v3 =	vld [tilespmem:s11+$0x100]  }
0xb2: {  	s6 =	simm.s32 $0x1;
	s17 =	sor.u32 $0x1880, s0;
	s15 =	sor.u32 s1, s16;
	v4 =	vld [tilespmem:s11+$0x180]  }
0xb3: {  	s6 =	simm.s32 @!p4 $0x0;
	s12 =	sor.u32 $0x1900, s0;
	s23 =	sor.u32 s1, s17;
	v9 =	vld [tilespmem:s15+$0x0]  }
0xb4: {  	s6 =	sshll.u32 s6, $0x6;
	s26 =	sor.u32 s1, s12;
	s13 =	sor.u32 $0x1A00, s0;
	v10 =	vld [tilespmem:s23+$0x0]  }
0xb5: {  	s6 =	sadd.s32 s6, s4;
	v11 =	vld [tilespmem:s26+$0x0];
	s15 =	sor.u32 s1, s13  }
0xb6: {  	s8 =	sor.u32 $0x200, s6;
	v14 =	vld [tilespmem:s15+$0x0]  }
0xb7: {  	s11 =	sor.u32 $0x1980, s0;
	s23 =	sadd.s32 $0xFFFFFCF1, s10;
	s6 =	sor.u32 $0x300, s6;
	v5 =	vld [tilespmem:s8+$0x1000]  }
0xb8: {  	s14 =	sor.u32 $0x1A80, s0;
	s5 =	sor.u32 s1, s11;
	v13 =	vor.u32 s23, v0;
	v7 =	vld [tilespmem:s6+$0x1000];
	s8 =	sadd.s32 $0xFFFFFCF2, s10  }
0xb9: {  	v12 =	vld [tilespmem:s5+$0x0];
	s6 =	sor.u32 $0x1B00, s0;
	s5 =	sor.u32 s1, s14;
	v15 =	vor.u32 s8, v0;
	s8 =	sadd.s32 $0xFFFFFCF3, s10  }
0xba: {  	s15 =	sor.u32 $0x1B80, s0;
	s23 =	sadd.s32 $0xFFFFFCF4, s10;
	s26 =	sor.u32 s1, s6;
	v16 =	vld [tilespmem:s5+$0x0];
	v17 =	vor.u32 s8, v0  }
0xbb: {  	v19 =	vor.u32 s23, v0;
	s5 =	sadd.s32 $0x50, s31;
	v18 =	vld [tilespmem:s26+$0x0];
	s26 =	sor.u32 s1, s15;
	s8 =	sadd.s32 $0xFFFFFCF5, s10  }
0xbc: {  	s1 =	sand.u32 $0x50, s5;
	s5 =	sand.u32 $0x7, s30;
	v20 =	vld [tilespmem:s26+$0x0];
	v21 =	vor.u32 s8, v0;
	s26 =	sadd.s32 $0xFFFFFCF6, s10  }
0xbd: {  	s8 =	sor.u32 s1, s18;
	s23 =	sshll.u32 s5, $0x4;
	s5 =	sadd.s32 $0xFFFFFCF7, s10;
	[tilespmem:v13+s22+$0x0] =	vst.idx.msk $0xffff, v1;
	v1 =	vor.u32 s26, v0  }
0xbe: {  	v55 =	vld [tilespmem:s8+$0x0];
	s26 =	sadd.s32 s4, s23;
	s23 =	sadd.s32 $0xFFFFFCF8, s10;
	[tilespmem:v15+s22+$0x0] =	vst.idx.msk $0xffff, v2;
	v2 =	vor.u32 s5, v0  }
0xbf: {  	v56 =	vld [tilespmem:s8+$0x80];
	s5 =	sadd.s32 $0xFFFFFCF9, s10;
	[tilespmem:v17+s22+$0x0] =	vst.idx.msk $0xffff, v3;
	v3 =	vor.u32 s23, v0  }
0xc0: {  	s0 =	sadd.s32 $0xFFFFFCFA, s10;
	v57 =	vld [tilespmem:s8+$0x100];
	s23 =	sadd.s32 $0x10, s26;
	v58 =	vor.u32 s5, v0;
	[tilespmem:v19+s22+$0x0] =	vst.idx.msk $0xffff, v4  }
0xc1: {  	v60 =	vor.u32 s0, v0;
	s0 =	sadd.s32 $0xFFFFFCFB, s10;
	v59 =	vld [tilespmem:s8+$0x180];
	s5 =	sadd.s32 $0xFFFFFFE0, s20;
	s8 =	sor.u32 $0x200, s23;
	[tilespmem:v21+s22+$0x0] =	vst.idx.msk $0xffff, v5  }
0xc2: {  	v61 =	vld [tilespmem:s8+$0x1000];
	s8 =	sor.u32 $0x280, s5;
	[tilespmem:v1+s22+$0x0] =	vst.idx.msk $0xffff, v6;
	v1 =	vor.u32 s0, v0;
	s0 =	sadd.s32 $0xFFFFFCFC, s10  }
0xc3: {  	v62 =	vld [tilespmem:s8+$0x1000];
	s8 =	sor.u32 $0x300, s23;
	s23 =	sadd.s32 $0xFFFFFCFD, s10;
	[tilespmem:v2+s22+$0x0] =	vst.idx.msk $0xffff, v7;
	v2 =	vor.u32 s0, v0  }
0xc4: {  	s5 =	sor.u32 $0x380, s5;
	v63 =	vld [tilespmem:s8+$0x1000];
	s8 =	sadd.s32 $0xFFFFFCFE, s10;
	[tilespmem:v3+s22+$0x0] =	vst.idx.msk $0xffff, v8;
	v3 =	vor.u32 s23, v0  }
0xc5: {  	v24 =	vld [tilespmem:s5+$0x1000];
	s23 =	sor.u32 s1, s16;
	v25 =	vor.u32 s8, v0;
	s8 =	sadd.s32 $0xFFFFFCFF, s10;
	[tilespmem:v58+s22+$0x0] =	vst.idx.msk $0xffff, v9  }
0xc6: {  	v26 =	vld [tilespmem:s23+$0x0];
	s23 =	sor.u32 s1, s17;
	v27 =	vor.u32 s8, v0;
	s8 =	sadd.s32 $0xFFFFFD00, s10;
	[tilespmem:v60+s22+$0x0] =	vst.idx.msk $0xffff, v10  }
0xc7: {  	v28 =	vld [tilespmem:s23+$0x0];
	s23 =	sor.u32 s1, s12;
	[tilespmem:v1+s22+$0x0] =	vst.idx.msk $0xffff, v11;
	v1 =	vor.u32 s8, v0;
	s8 =	sadd.s32 $0xFFFFFDF1, s10  }
0xc8: {  	v29 =	vld [tilespmem:s23+$0x0];
	s23 =	sor.u32 s1, s13;
	[tilespmem:v2+s22+$0x0] =	vst.idx.msk $0xffff, v12;
	v30 =	vor.u32 s8, v0;
	s8 =	sadd.s32 $0xFFFFFDF2, s10  }
0xc9: {  	[tilespmem:v3+s22+$0x0] =	vst.idx.msk $0xffff, v14;
	v3 =	vld [tilespmem:s23+$0x0];
	s23 =	sor.u32 s1, s14;
	v31 =	vor.u32 s8, v0;
	s8 =	sadd.s32 $0xFFFFFDF3, s10  }
0xca: {  	s0 =	sor.u32 s1, s6;
	[tilespmem:v25+s22+$0x0] =	vst.idx.msk $0xffff, v16;
	v32 =	vld [tilespmem:s23+$0x0];
	v33 =	vor.u32 s8, v0;
	s23 =	sadd.s32 $0xFFFFFDF4, s10  }
0xcb: {  	s5 =	sor.u32 s1, s11;
	v34 =	vld [tilespmem:s0+$0x0];
	s8 =	sadd.s32 $0x60, s31;
	[tilespmem:v27+s22+$0x0] =	vst.idx.msk $0xffff, v18;
	v35 =	vor.u32 s23, v0;
	s23 =	sadd.s32 $0xFFFFFDF5, s10  }
0xcc: {  	s0 =	sor.u32 s1, s15;
	v2 =	vld [tilespmem:s5+$0x0];
	s1 =	sand.u32 $0x60, s8;
	[tilespmem:v1+s22+$0x0] =	vst.idx.msk $0xffff, v20;
	v36 =	vor.u32 s23, v0;
	s23 =	sadd.s32 $0xFFFFFDF6, s10  }
0xcd: {  	s8 =	sand.u32 $0x3, s21;
	v1 =	vld [tilespmem:s0+$0x0];
	s5 =	sor.u32 s1, s18;
	[tilespmem:v30+s22+$0x0] =	vst.idx.msk $0xffff, v55;
	v37 =	vor.u32 s23, v0;
	s23 =	sadd.s32 $0xFFFFFDF7, s10  }
0xce: {  	s8 =	sshll.u32 s8, $0x5;
	v38 =	vld [tilespmem:s5+$0x0];
	[tilespmem:v31+s22+$0x0] =	vst.idx.msk $0xffff, v56;
	v39 =	vor.u32 s23, v0;
	s23 =	sadd.s32 $0xFFFFFDF8, s10  }
0xcf: {  	s8 =	sadd.s32 s4, s8;
	v40 =	vld [tilespmem:s5+$0x80];
	[tilespmem:v33+s22+$0x0] =	vst.idx.msk $0xffff, v57;
	v41 =	vor.u32 s23, v0;
	s23 =	sadd.s32 $0xFFFFFDF9, s10  }
0xd0: {  	s0 =	sadd.s32 $0xFFFFFDFA, s10;
	v42 =	vld [tilespmem:s5+$0x100];
	s8 =	sadd.s32 $0x20, s8;
	[tilespmem:v35+s22+$0x0] =	vst.idx.msk $0xffff, v59;
	v43 =	vor.u32 s23, v0  }
0xd1: {  	v44 =	vld [tilespmem:s5+$0x180];
	v45 =	vor.u32 s0, v0;
	s0 =	sadd.s32 $0xFFFFFDFB, s10;
	s5 =	sor.u32 $0x200, s8;
	s23 =	sadd.s32 $0xFFFFFFF0, s20;
	[tilespmem:v36+s22+$0x0] =	vst.idx.msk $0xffff, v61  }
0xd2: {  	v47 =	vor.u32 s0, v0;
	s0 =	sadd.s32 $0xFFFFFDFC, s10;
	v46 =	vld [tilespmem:s5+$0x1000];
	s5 =	sor.u32 $0x280, s23;
	[tilespmem:v37+s22+$0x0] =	vst.idx.msk $0xffff, v62  }
0xd3: {  	v49 =	vor.u32 s0, v0;
	s23 =	sor.u32 $0x380, s23;
	v48 =	vld [tilespmem:s5+$0x1000];
	s5 =	sor.u32 $0x300, s8;
	s8 =	sadd.s32 $0xFFFFFDFD, s10;
	[tilespmem:v39+s22+$0x0] =	vst.idx.msk $0xffff, v63  }
0xd4: {  	v52 =	vld [tilespmem:s23+$0x1000];
	v51 =	vor.u32 s8, v0;
	s8 =	sadd.s32 $0xFFFFFDFE, s10;
	[tilespmem:v41+s22+$0x0] =	vst.idx.msk $0xffff, v24  }
0xd5: {  	s23 =	sor.u32 s1, s16;
	v50 =	vld [tilespmem:s5+$0x1000];
	v53 =	vor.u32 s8, v0;
	s8 =	sadd.s32 $0xFFFFFDFF, s10;
	[tilespmem:v43+s22+$0x0] =	vst.idx.msk $0xffff, v26  }
0xd6: {  	v54 =	vld [tilespmem:s23+$0x0];
	s23 =	sor.u32 s1, s17;
	v55 =	vor.u32 s8, v0;
	s8 =	sadd.s32 $0xFFFFFE00, s10;
	[tilespmem:v45+s22+$0x0] =	vst.idx.msk $0xffff, v28  }
0xd7: {  	v56 =	vld [tilespmem:s23+$0x0];
	s23 =	sor.u32 s1, s12;
	v57 =	vor.u32 s8, v0;
	s8 =	sadd.s32 $0xFFFFFEF1, s10;
	[tilespmem:v47+s22+$0x0] =	vst.idx.msk $0xffff, v29  }
0xd8: {  	v58 =	vld [tilespmem:s23+$0x0];
	s23 =	sor.u32 s1, s13;
	v59 =	vor.u32 s8, v0;
	s8 =	sadd.s32 $0xFFFFFEF2, s10;
	[tilespmem:v49+s22+$0x0] =	vst.idx.msk $0xffff, v2  }
0xd9: {  	v60 =	vor.u32 s8, v0;
	s8 =	sadd.s32 $0xFFFFFEF3, s10;
	[tilespmem:v51+s22+$0x0] =	vst.idx.msk $0xffff, v3;
	v3 =	vld [tilespmem:s23+$0x0];
	s23 =	sor.u32 s1, s14  }
0xda: {  	s0 =	sor.u32 s1, s6;
	v62 =	vor.u32 s8, v0;
	[tilespmem:v53+s22+$0x0] =	vst.idx.msk $0xffff, v32;
	v61 =	vld [tilespmem:s23+$0x0];
	s23 =	sadd.s32 $0xFFFFFEF4, s10  }
0xdb: {  	s5 =	sor.u32 s1, s11;
	v63 =	vld [tilespmem:s0+$0x0];
	s8 =	sadd.s32 $0x70, s31;
	[tilespmem:v55+s22+$0x0] =	vst.idx.msk $0xffff, v34;
	v22 =	vor.u32 s23, v0;
	s23 =	sadd.s32 $0xFFFFFEF5, s10  }
0xdc: {  	s0 =	sor.u32 s1, s15;
	v2 =	vld [tilespmem:s5+$0x0];
	s1 =	sand.u32 $0x70, s8;
	s8 =	sadd.s32 $0xFFFFFEF6, s10;
	[tilespmem:v57+s22+$0x0] =	vst.idx.msk $0xffff, v1;
	v23 =	vor.u32 s23, v0  }
0xdd: {  	s5 =	sor.u32 s1, s18;
	v24 =	vor.u32 s8, v0;
	v1 =	vld [tilespmem:s0+$0x0];
	[tilespmem:v59+s22+$0x0] =	vst.idx.msk $0xffff, v38;
	s23 =	sadd.s32 $0xFFFFFEF7, s10  }
0xde: {  	s8 =	sadd.s32 $0xFFFFFEF8, s10;
	v25 =	vld [tilespmem:s5+$0x0];
	[tilespmem:v60+s22+$0x0] =	vst.idx.msk $0xffff, v40;
	v26 =	vor.u32 s23, v0  }
0xdf: {  	s18 =	sadd.s32 $0xFFFFFEF9, s10;
	v27 =	vld [tilespmem:s5+$0x80];
	v28 =	vor.u32 s8, v0;
	[tilespmem:v62+s22+$0x0] =	vst.idx.msk $0xffff, v42  }
0xe0: {  	v29 =	vld [tilespmem:s5+$0x100];
	s8 =	sadd.s32 $0x30, s26;
	v30 =	vor.u32 s18, v0;
	s23 =	sadd.s32 $0xFFFFFEFA, s10;
	[tilespmem:v22+s22+$0x0] =	vst.idx.msk $0xffff, v44  }
0xe1: {  	v31 =	vld [tilespmem:s5+$0x180];
	s18 =	sadd.s32 $0xFFFFFEFB, s10;
	s26 =	sor.u32 $0x200, s8;
	v32 =	vor.u32 s23, v0;
	[tilespmem:v23+s22+$0x0] =	vst.idx.msk $0xffff, v46  }
0xe2: {  	v34 =	vor.u32 s18, v0;
	v33 =	vld [tilespmem:s26+$0x1000];
	s23 =	sor.u32 $0x280, s20;
	s26 =	sadd.s32 $0xFFFFFEFC, s10;
	[tilespmem:v24+s22+$0x0] =	vst.idx.msk $0xffff, v48  }
0xe3: {  	s16 =	sor.u32 s1, s16;
	v35 =	vld [tilespmem:s23+$0x1000];
	v36 =	vor.u32 s26, v0;
	s23 =	sadd.s32 $0xFFFFFEFD, s10;
	[tilespmem:v26+s22+$0x0] =	vst.idx.msk $0xffff, v50  }
0xe4: {  	v41 =	vld [tilespmem:s16+$0x0];
	s18 =	sor.u32 $0x300, s8;
	s8 =	sadd.s32 $0xFFFFFEFE, s10;
	v38 =	vor.u32 s23, v0;
	[tilespmem:v28+s22+$0x0] =	vst.idx.msk $0xffff, v52  }
0xe5: {  	v37 =	vld [tilespmem:s18+$0x1000];
	v40 =	vor.u32 s8, v0;
	s18 =	sadd.s32 $0xFFFFFEFF, s10;
	s26 =	sor.u32 $0x380, s20;
	[tilespmem:v30+s22+$0x0] =	vst.idx.msk $0xffff, v54  }
0xe6: {  	s8 =	sor.u32 s1, s12;
	v42 =	vor.u32 s18, v0;
	v39 =	vld [tilespmem:s26+$0x1000];
	s26 =	sadd.s32 $0xFFFFFF00, s10;
	[tilespmem:v32+s22+$0x0] =	vst.idx.msk $0xffff, v56  }
0xe7: {  	s12 =	sadd.s32 $0xFFFFFFF1, s10;
	v45 =	vld [tilespmem:s8+$0x0];
	s23 =	sor.u32 s1, s17;
	v44 =	vor.u32 s26, v0;
	[tilespmem:v34+s22+$0x0] =	vst.idx.msk $0xffff, v58  }
0xe8: {  	s16 =	sadd.s32 $0xFFFFFFF2, s10;
	s17 =	sor.u32 s1, s14;
	v43 =	vld [tilespmem:s23+$0x0];
	v46 =	vor.u32 s12, v0;
	[tilespmem:v36+s22+$0x0] =	vst.idx.msk $0xffff, v2  }
0xe9: {  	v47 =	vor.u32 s16, v0;
	s18 =	sadd.s32 $0xFFFFFFF3, s10;
	s23 =	sor.u32 s1, s6;
	v48 =	vld [tilespmem:s17+$0x0];
	[tilespmem:v38+s22+$0x0] =	vst.idx.msk $0xffff, v3  }
0xea: {  	s11 =	sor.u32 s1, s11;
	v49 =	vor.u32 s18, v0;
	s26 =	sadd.s32 $0xFFFFFFF4, s10;
	v50 =	vld [tilespmem:s23+$0x0];
	[tilespmem:v40+s22+$0x0] =	vst.idx.msk $0xffff, v61  }
0xeb: {  	s13 =	sor.u32 s1, s13;
	s8 =	sadd.s32 $0xFFFFFFF5, s10;
	v51 =	vor.u32 s26, v0;
	v2 =	vld [tilespmem:s11+$0x0];
	[tilespmem:v42+s22+$0x0] =	vst.idx.msk $0xffff, v63  }
0xec: {  	s6 =	sor.u32 s1, s15;
	v52 =	vor.u32 s8, v0;
	s11 =	sadd.s32 $0xFFFFFFF6, s10;
	v3 =	vld [tilespmem:s13+$0x0];
	[tilespmem:v44+s22+$0x0] =	vst.idx.msk $0xffff, v1  }
0xed: {  	s12 =	sadd.s32 $0xFFFFFFF7, s10;
	v53 =	vor.u32 s11, v0;
	v1 =	vld [tilespmem:s6+$0x0];
	[tilespmem:v46+s22+$0x0] =	vst.idx.msk $0xffff, v25  }
0xee: {  	v54 =	vor.u32 s12, v0;
	s13 =	sadd.s32 $0xFFFFFFF8, s10;
	[tilespmem:v47+s22+$0x0] =	vst.idx.msk $0xffff, v27  }
0xef: {  	s14 =	sadd.s32 $0xFFFFFFF9, s10;
	v55 =	vor.u32 s13, v0;
	[tilespmem:v49+s22+$0x0] =	vst.idx.msk $0xffff, v29  }
0xf0: {  	s15 =	sadd.s32 $0xFFFFFFFA, s10;
	v56 =	vor.u32 s14, v0;
	[tilespmem:v51+s22+$0x0] =	vst.idx.msk $0xffff, v31  }
0xf1: {  	s16 =	sadd.s32 $0xFFFFFFFB, s10;
	v57 =	vor.u32 s15, v0;
	[tilespmem:v52+s22+$0x0] =	vst.idx.msk $0xffff, v33  }
0xf2: {  	s17 =	sadd.s32 $0xFFFFFFFC, s10;
	v58 =	vor.u32 s16, v0;
	[tilespmem:v53+s22+$0x0] =	vst.idx.msk $0xffff, v35  }
0xf3: {  	s18 =	sadd.s32 $0xFFFFFFFD, s10;
	v59 =	vor.u32 s17, v0;
	[tilespmem:v54+s22+$0x0] =	vst.idx.msk $0xffff, v37  }
0xf4: {  	v60 =	vor.u32 s18, v0;
	s23 =	sadd.s32 $0xFFFFFFFE, s10;
	[tilespmem:v55+s22+$0x0] =	vst.idx.msk $0xffff, v39  }
0xf5: {  	s26 =	sadd.s32 $0xFFFFFFFF, s10;
	v61 =	vor.u32 s23, v0;
	[tilespmem:v56+s22+$0x0] =	vst.idx.msk $0xffff, v41  }
0xf6: {  	v62 =	vor.u32 s26, v0;
	[tilespmem:v57+s22+$0x0] =	vst.idx.msk $0xffff, v43  }
0xf7: {  	p5 =	slt.u32 s19, $0xC0;
	v63 =	vor.u32 s10, v0;
	[tilespmem:v58+s22+$0x0] =	vst.idx.msk $0xffff, v45  }
.Ltmp3:
0xf8: {  	[tilespmem:v59+s22+$0x0] =	vst.idx.msk $0xffff, v2;
	(pc) =	sbr.rel @p5 .LBB2_5-.Ltmp3, $4  }
0xf9: {  	[tilespmem:v60+s22+$0x0] =	vst.idx.msk $0xffff, v3  }
0xfa: {  	p4 =	por !p4, !p4;
	[tilespmem:v61+s22+$0x0] =	vst.idx.msk $0xffff, v48  }
0xfb: {  	s30 =	sadd.s32 $0x4, s30;
	s21 =	sadd.s32 $0x2, s21;
	s4 =	sadd.s32 $0x200, s4;
	[tilespmem:v62+s22+$0x0] =	vst.idx.msk $0xffff, v50  }
0xfc: {  	s31 =	smov.u32 s19;
	s20 =	sadd.s32 $0x240, s20;
	s10 =	sadd.s32 $0x400, s10;
	[tilespmem:v63+s22+$0x0] =	vst.idx.msk $0xffff, v1  }
0xfd: {  	s0 =	rddreg [dreg:$0xf]  }
0xfe: {  	s1 =	simm.s32 $0x3;
	s0 =	sadd.s32 s7, s0  }
0xff: {  	[hbm4b:s0+s3] =	stream.linear.scatter [tilespmem:s22], [sflag:$0x6], $0x1000, $0x38;
	[tilespmem:$0x8000] =	vst v63  }
0x100: {  	_ =	swait.ge [sflag:s1], $0x800  }
0x101: {  	[sflag:s1] =	ssyncset.done $0x0  }
0x102: {  	[sflag:s1] =	ssyncadd.s32 $0xFFFFF800  }
0x103: {  	_ =	swait.ge [sflag:s1], $0x800  }
0x104: {  	[sflag:s1] =	ssyncset.done $0x0;
	s0 =	rddreg [dreg:$0xc]  }
0x105: {  	s0 =	sadd.s32 @!p2 s0, s29;
	[sflag:s1] =	ssyncadd.s32 $0xFFFFF800  }
0x106: {  	s0 =	sshrl.u32 @!p2 s0, $0x3;
	s1 =	rddreg [dreg:$0x0]  }
0x107: {  	s4 =	simm.s32 @!p2 $0x1000;
	s0 =	sadd.s32 @!p2 s1, s0;
	s1 =	simm.s32 @!p2 $0x0  }
0x108: {  	[tilespmem:s4], [sflag:$0x2] =	stream.linear.gather @!p2 [hbm4b:s0+s1], $0x800, $0x38;
	[tilespmem:$0x8000] =	vst v63  }
0x109: {  	s0 =	sadd.s32 @!p2 $0x27AC80, s0;
	s4 =	simm.s32 @!p2 $0x1800  }
0x10a: {  	[tilespmem:s4], [sflag:$0x2] =	stream.linear.gather @!p2 [hbm4b:s0+s1], $0x800, $0x38;
	[tilespmem:$0x8000] =	vst v63  }
0x10b: {  	s19 =	simm.s32 $0xFFFFFFC0;
	s0 =	simm.s32 @p3 $0x7  }
0x10c: {  	s20 =	simm.s32 $0x30;
	s10 =	simm.s32 $0x30F;
	_ =	swait.ge @p3 [sflag:s0], $0x1000  }
0x10d: {  	s21 =	simm.s32 $0x0;
	p4 =	por $0x0, $0x0;
	[sflag:s0] =	ssyncset.done @p3 $0x0  }
0x10e: {  	s30 =	simm.s32 $0x0;
	s4 =	simm.s32 $0x0;
	[sflag:s0] =	ssyncadd.s32 @p3 $0xFFFFF000  }
.LBB2_7:
0x10f: {  	s8 =	sadd.s32 $0xFFFFFFD0, s20  }
0x110: {  	s31 =	sadd.s32 $0x40, s19;
	s0 =	sand.u32 $0x400, s4;
	s12 =	sor.u32 $0x280, s8  }
0x111: {  	s1 =	sand.u32 $0x40, s31;
	s18 =	sor.u32 $0x2000, s0;
	s13 =	sor.u32 $0x380, s8;
	v6 =	vld [tilespmem:s12+$0x2000]  }
0x112: {  	s6 =	sor.u32 s1, s18;
	v8 =	vld [tilespmem:s13+$0x2000]  }
0x113: {  	v1 =	vld [tilespmem:s6+$0x0]  }
0x114: {  	v2 =	vld [tilespmem:s6+$0x80]  }
0x115: {  	s16 =	sor.u32 $0x2800, s0;
	v3 =	vld [tilespmem:s6+$0x100]  }
0x116: {  	s5 =	simm.s32 $0x1;
	s17 =	sor.u32 $0x2880, s0;
	s14 =	sor.u32 s1, s16;
	v4 =	vld [tilespmem:s6+$0x180]  }
0x117: {  	s5 =	simm.s32 @!p4 $0x0;
	s15 =	sor.u32 s1, s17;
	s12 =	sor.u32 $0x2900, s0;
	v9 =	vld [tilespmem:s14+$0x0]  }
0x118: {  	s5 =	sshll.u32 s5, $0x6;
	s13 =	sor.u32 $0x2A00, s0;
	v10 =	vld [tilespmem:s15+$0x0];
	s23 =	sor.u32 s1, s12  }
0x119: {  	s5 =	sadd.s32 s5, s4;
	s3 =	sor.u32 s1, s13;
	v11 =	vld [tilespmem:s23+$0x0]  }
0x11a: {  	s11 =	sor.u32 $0x200, s5;
	v14 =	vld [tilespmem:s3+$0x0]  }
0x11b: {  	s15 =	sadd.s32 $0xFFFFFCF1, s10;
	s6 =	sor.u32 $0x2B00, s0;
	s5 =	sor.u32 $0x300, s5;
	v5 =	vld [tilespmem:s11+$0x2000]  }
0x11c: {  	v13 =	vor.u32 s15, v0;
	s15 =	sadd.s32 $0xFFFFFCF2, s10;
	s23 =	sor.u32 s1, s6;
	v7 =	vld [tilespmem:s5+$0x2000];
	s11 =	sor.u32 $0x2980, s0  }
0x11d: {  	s14 =	sor.u32 $0x2A80, s0;
	s3 =	sadd.s32 $0xFFFFFCF3, s10;
	v15 =	vor.u32 s15, v0;
	v18 =	vld [tilespmem:s23+$0x0];
	s26 =	sor.u32 s1, s11  }
0x11e: {  	s15 =	sor.u32 $0x2B80, s0;
	v17 =	vor.u32 s3, v0;
	s5 =	sadd.s32 $0xFFFFFCF4, s10;
	v12 =	vld [tilespmem:s26+$0x0];
	s26 =	sor.u32 s1, s14  }
0x11f: {  	s8 =	sadd.s32 $0x50, s19;
	s3 =	sadd.s32 $0xFFFFFCF5, s10;
	v19 =	vor.u32 s5, v0;
	v16 =	vld [tilespmem:s26+$0x0];
	s26 =	sor.u32 s1, s15  }
0x120: {  	s23 =	sand.u32 $0x7, s30;
	v21 =	vor.u32 s3, v0;
	s1 =	sand.u32 $0x50, s8;
	v20 =	vld [tilespmem:s26+$0x0];
	s26 =	sadd.s32 $0xFFFFFCF6, s10  }
0x121: {  	s5 =	sshll.u32 s23, $0x4;
	s3 =	sadd.s32 $0xFFFFFCF7, s10;
	s8 =	sor.u32 s1, s18;
	[tilespmem:v13+s24+$0x0] =	vst.idx.msk $0xffff, v1;
	v1 =	vor.u32 s26, v0  }
0x122: {  	v55 =	vld [tilespmem:s8+$0x0];
	s26 =	sadd.s32 s4, s5;
	[tilespmem:v15+s24+$0x0] =	vst.idx.msk $0xffff, v2;
	v2 =	vor.u32 s3, v0;
	s5 =	sadd.s32 $0xFFFFFCF8, s10  }
0x123: {  	s23 =	sadd.s32 $0xFFFFFCF9, s10;
	v56 =	vld [tilespmem:s8+$0x80];
	[tilespmem:v17+s24+$0x0] =	vst.idx.msk $0xffff, v3;
	v3 =	vor.u32 s5, v0  }
0x124: {  	v58 =	vor.u32 s23, v0;
	v57 =	vld [tilespmem:s8+$0x100];
	s3 =	sadd.s32 $0xFFFFFCFA, s10;
	s5 =	sadd.s32 $0x10, s26;
	[tilespmem:v19+s24+$0x0] =	vst.idx.msk $0xffff, v4  }
0x125: {  	s23 =	sadd.s32 $0xFFFFFFE0, s20;
	v59 =	vld [tilespmem:s8+$0x180];
	v60 =	vor.u32 s3, v0;
	s3 =	sadd.s32 $0xFFFFFCFB, s10;
	s8 =	sor.u32 $0x200, s5;
	[tilespmem:v21+s24+$0x0] =	vst.idx.msk $0xffff, v5  }
0x126: {  	v61 =	vld [tilespmem:s8+$0x2000];
	s8 =	sor.u32 $0x280, s23;
	[tilespmem:v1+s24+$0x0] =	vst.idx.msk $0xffff, v6;
	v1 =	vor.u32 s3, v0;
	s3 =	sadd.s32 $0xFFFFFCFC, s10  }
0x127: {  	s5 =	sor.u32 $0x300, s5;
	v62 =	vld [tilespmem:s8+$0x2000];
	s8 =	sadd.s32 $0xFFFFFCFD, s10;
	[tilespmem:v2+s24+$0x0] =	vst.idx.msk $0xffff, v7;
	v2 =	vor.u32 s3, v0  }
0x128: {  	v63 =	vld [tilespmem:s5+$0x2000];
	s3 =	sor.u32 $0x380, s23;
	[tilespmem:v3+s24+$0x0] =	vst.idx.msk $0xffff, v8;
	v3 =	vor.u32 s8, v0;
	s8 =	sadd.s32 $0xFFFFFCFE, s10  }
0x129: {  	s23 =	sor.u32 s1, s16;
	v24 =	vld [tilespmem:s3+$0x2000];
	s3 =	sadd.s32 $0xFFFFFCFF, s10;
	[tilespmem:v58+s24+$0x0] =	vst.idx.msk $0xffff, v9;
	v25 =	vor.u32 s8, v0  }
0x12a: {  	v26 =	vld [tilespmem:s23+$0x0];
	s23 =	sadd.s32 $0xFFFFFD00, s10;
	s8 =	sor.u32 s1, s17;
	v27 =	vor.u32 s3, v0;
	[tilespmem:v60+s24+$0x0] =	vst.idx.msk $0xffff, v10  }
0x12b: {  	s3 =	sor.u32 s1, s12;
	v28 =	vld [tilespmem:s8+$0x0];
	s8 =	sadd.s32 $0xFFFFFDF1, s10;
	[tilespmem:v1+s24+$0x0] =	vst.idx.msk $0xffff, v11;
	v1 =	vor.u32 s23, v0  }
0x12c: {  	v29 =	vld [tilespmem:s3+$0x0];
	s3 =	sadd.s32 $0xFFFFFDF2, s10;
	s23 =	sor.u32 s1, s13;
	v30 =	vor.u32 s8, v0;
	[tilespmem:v2+s24+$0x0] =	vst.idx.msk $0xffff, v12  }
0x12d: {  	s8 =	sor.u32 s1, s14;
	v31 =	vor.u32 s3, v0;
	[tilespmem:v3+s24+$0x0] =	vst.idx.msk $0xffff, v14;
	v3 =	vld [tilespmem:s23+$0x0];
	s23 =	sadd.s32 $0xFFFFFDF3, s10  }
0x12e: {  	s0 =	sor.u32 s1, s15;
	s3 =	sor.u32 s1, s6;
	v32 =	vld [tilespmem:s8+$0x0];
	s8 =	sadd.s32 $0xFFFFFDF4, s10;
	[tilespmem:v25+s24+$0x0] =	vst.idx.msk $0xffff, v16;
	v33 =	vor.u32 s23, v0  }
0x12f: {  	s5 =	sor.u32 s1, s11;
	v34 =	vld [tilespmem:s3+$0x0];
	s3 =	sadd.s32 $0xFFFFFDF5, s10;
	v35 =	vor.u32 s8, v0;
	s23 =	sadd.s32 $0x60, s19;
	[tilespmem:v27+s24+$0x0] =	vst.idx.msk $0xffff, v18  }
0x130: {  	v2 =	vld [tilespmem:s5+$0x0];
	v36 =	vor.u32 s3, v0;
	s3 =	sadd.s32 $0xFFFFFDF6, s10;
	s1 =	sand.u32 $0x60, s23;
	s23 =	sand.u32 $0x3, s21;
	[tilespmem:v1+s24+$0x0] =	vst.idx.msk $0xffff, v20  }
0x131: {  	v37 =	vor.u32 s3, v0;
	v1 =	vld [tilespmem:s0+$0x0];
	s5 =	sor.u32 s1, s18;
	s8 =	sshll.u32 s23, $0x5;
	[tilespmem:v30+s24+$0x0] =	vst.idx.msk $0xffff, v55;
	s23 =	sadd.s32 $0xFFFFFDF7, s10  }
0x132: {  	s3 =	sadd.s32 $0xFFFFFDF8, s10;
	v38 =	vld [tilespmem:s5+$0x0];
	s8 =	sadd.s32 s4, s8;
	[tilespmem:v31+s24+$0x0] =	vst.idx.msk $0xffff, v56;
	v39 =	vor.u32 s23, v0  }
0x133: {  	v41 =	vor.u32 s3, v0;
	v40 =	vld [tilespmem:s5+$0x80];
	s23 =	sadd.s32 $0xFFFFFDF9, s10;
	s8 =	sadd.s32 $0x20, s8;
	[tilespmem:v33+s24+$0x0] =	vst.idx.msk $0xffff, v57  }
0x134: {  	s0 =	sadd.s32 $0xFFFFFDFA, s10;
	v42 =	vld [tilespmem:s5+$0x100];
	v43 =	vor.u32 s23, v0;
	s23 =	sadd.s32 $0xFFFFFFF0, s20;
	s3 =	sor.u32 $0x200, s8;
	[tilespmem:v35+s24+$0x0] =	vst.idx.msk $0xffff, v59  }
0x135: {  	v45 =	vor.u32 s0, v0;
	s0 =	sadd.s32 $0xFFFFFDFB, s10;
	v46 =	vld [tilespmem:s3+$0x2000];
	s3 =	sor.u32 $0x280, s23;
	[tilespmem:v36+s24+$0x0] =	vst.idx.msk $0xffff, v61  }
0x136: {  	v47 =	vor.u32 s0, v0;
	s0 =	sadd.s32 $0xFFFFFDFC, s10;
	v48 =	vld [tilespmem:s3+$0x2000];
	s3 =	sor.u32 $0x300, s8;
	[tilespmem:v37+s24+$0x0] =	vst.idx.msk $0xffff, v62  }
0x137: {  	v49 =	vor.u32 s0, v0;
	s8 =	sadd.s32 $0xFFFFFDFD, s10;
	v50 =	vld [tilespmem:s3+$0x2000];
	s3 =	sor.u32 $0x380, s23;
	[tilespmem:v39+s24+$0x0] =	vst.idx.msk $0xffff, v63  }
0x138: {  	v51 =	vor.u32 s8, v0;
	s8 =	sadd.s32 $0xFFFFFDFE, s10;
	s23 =	sor.u32 s1, s16;
	v52 =	vld [tilespmem:s3+$0x2000];
	[tilespmem:v41+s24+$0x0] =	vst.idx.msk $0xffff, v24  }
0x139: {  	v53 =	vor.u32 s8, v0;
	s3 =	sadd.s32 $0xFFFFFDFF, s10;
	v54 =	vld [tilespmem:s23+$0x0];
	s8 =	sor.u32 s1, s17;
	[tilespmem:v43+s24+$0x0] =	vst.idx.msk $0xffff, v26  }
0x13a: {  	s23 =	sadd.s32 $0xFFFFFE00, s10;
	v55 =	vor.u32 s3, v0;
	v56 =	vld [tilespmem:s8+$0x0];
	s3 =	sor.u32 s1, s12;
	s8 =	sadd.s32 $0xFFFFFEF1, s10;
	[tilespmem:v45+s24+$0x0] =	vst.idx.msk $0xffff, v28  }
0x13b: {  	v57 =	vor.u32 s23, v0;
	v58 =	vld [tilespmem:s3+$0x0];
	v59 =	vor.u32 s8, v0;
	s8 =	sor.u32 s1, s14;
	[tilespmem:v47+s24+$0x0] =	vst.idx.msk $0xffff, v29  }
0x13c: {  	s23 =	sor.u32 s1, s13;
	s3 =	sadd.s32 $0xFFFFFEF2, s10;
	v61 =	vld [tilespmem:s8+$0x0];
	[tilespmem:v49+s24+$0x0] =	vst.idx.msk $0xffff, v2  }
0x13d: {  	v60 =	vor.u32 s3, v0;
	s8 =	sadd.s32 $0xFFFFFEF4, s10;
	[tilespmem:v51+s24+$0x0] =	vst.idx.msk $0xffff, v3;
	v3 =	vld [tilespmem:s23+$0x0];
	s23 =	sadd.s32 $0xFFFFFEF3, s10  }
0x13e: {  	s19 =	sadd.s32 $0x70, s19;
	v44 =	vld [tilespmem:s5+$0x180];
	s3 =	sor.u32 s1, s6;
	v22 =	vor.u32 s8, v0;
	s8 =	sadd.s32 $0xFFFFFEF6, s10;
	[tilespmem:v53+s24+$0x0] =	vst.idx.msk $0xffff, v32;
	v62 =	vor.u32 s23, v0  }
0x13f: {  	s5 =	sor.u32 s1, s11;
	v63 =	vld [tilespmem:s3+$0x0];
	s3 =	sadd.s32 $0xFFFFFEF5, s10;
	v24 =	vor.u32 s8, v0;
	s8 =	sadd.s32 $0x30, s26;
	[tilespmem:v55+s24+$0x0] =	vst.idx.msk $0xffff, v34  }
0x140: {  	v2 =	vld [tilespmem:s5+$0x0];
	v23 =	vor.u32 s3, v0;
	s3 =	sadd.s32 $0xFFFFFEFA, s10;
	s23 =	sor.u32 s1, s15;
	s1 =	sand.u32 $0x70, s19;
	[tilespmem:v57+s24+$0x0] =	vst.idx.msk $0xffff, v1  }
0x141: {  	v32 =	vor.u32 s3, v0;
	s3 =	sor.u32 $0x300, s8;
	s5 =	sor.u32 s1, s18;
	s18 =	sadd.s32 $0xFFFFFEF7, s10;
	v1 =	vld [tilespmem:s23+$0x0];
	[tilespmem:v59+s24+$0x0] =	vst.idx.msk $0xffff, v38  }
0x142: {  	s19 =	sadd.s32 $0xFFFFFEF8, s10;
	v37 =	vld [tilespmem:s3+$0x2000];
	v26 =	vor.u32 s18, v0;
	[tilespmem:v60+s24+$0x0] =	vst.idx.msk $0xffff, v40  }
0x143: {  	v28 =	vor.u32 s19, v0;
	v25 =	vld [tilespmem:s5+$0x0];
	s23 =	sadd.s32 $0xFFFFFEF9, s10;
	[tilespmem:v62+s24+$0x0] =	vst.idx.msk $0xffff, v42  }
0x144: {  	v27 =	vld [tilespmem:s5+$0x80];
	v30 =	vor.u32 s23, v0;
	[tilespmem:v22+s24+$0x0] =	vst.idx.msk $0xffff, v44  }
0x145: {  	s19 =	sadd.s32 $0xFFFFFEFB, s10;
	v29 =	vld [tilespmem:s5+$0x100];
	[tilespmem:v23+s24+$0x0] =	vst.idx.msk $0xffff, v46  }
0x146: {  	s26 =	sadd.s32 $0xFFFFFEFC, s10;
	s3 =	sor.u32 s1, s17;
	v31 =	vld [tilespmem:s5+$0x180];
	v34 =	vor.u32 s19, v0;
	[tilespmem:v24+s24+$0x0] =	vst.idx.msk $0xffff, v48  }
0x147: {  	v36 =	vor.u32 s26, v0;
	s12 =	sor.u32 s1, s12;
	s18 =	sor.u32 $0x200, s8;
	s8 =	sadd.s32 $0xFFFFFEFD, s10;
	v43 =	vld [tilespmem:s3+$0x0];
	[tilespmem:v26+s24+$0x0] =	vst.idx.msk $0xffff, v50  }
0x148: {  	s19 =	sadd.s32 $0xFFFFFEFE, s10;
	v45 =	vld [tilespmem:s12+$0x0];
	v38 =	vor.u32 s8, v0;
	[tilespmem:v28+s24+$0x0] =	vst.idx.msk $0xffff, v52  }
0x149: {  	s26 =	sadd.s32 $0xFFFFFEFF, s10;
	v33 =	vld [tilespmem:s18+$0x2000];
	s23 =	sor.u32 $0x280, s20;
	v40 =	vor.u32 s19, v0;
	[tilespmem:v30+s24+$0x0] =	vst.idx.msk $0xffff, v54  }
0x14a: {  	s18 =	sor.u32 $0x380, s20;
	s8 =	sadd.s32 $0xFFFFFF00, s10;
	v35 =	vld [tilespmem:s23+$0x2000];
	v42 =	vor.u32 s26, v0;
	[tilespmem:v32+s24+$0x0] =	vst.idx.msk $0xffff, v56  }
0x14b: {  	s17 =	sadd.s32 $0xFFFFFFF1, s10;
	v39 =	vld [tilespmem:s18+$0x2000];
	s23 =	sor.u32 s1, s16;
	v44 =	vor.u32 s8, v0;
	[tilespmem:v34+s24+$0x0] =	vst.idx.msk $0xffff, v58  }
0x14c: {  	s19 =	sadd.s32 $0xFFFFFFF2, s10;
	v41 =	vld [tilespmem:s23+$0x0];
	s23 =	sor.u32 s1, s14;
	v46 =	vor.u32 s17, v0;
	[tilespmem:v36+s24+$0x0] =	vst.idx.msk $0xffff, v2  }
0x14d: {  	s3 =	sor.u32 s1, s6;
	v47 =	vor.u32 s19, v0;
	s26 =	sadd.s32 $0xFFFFFFF3, s10;
	v48 =	vld [tilespmem:s23+$0x0];
	[tilespmem:v38+s24+$0x0] =	vst.idx.msk $0xffff, v3  }
0x14e: {  	s6 =	sadd.s32 $0xFFFFFFF4, s10;
	s16 =	sor.u32 s1, s11;
	v49 =	vor.u32 s26, v0;
	v50 =	vld [tilespmem:s3+$0x0];
	[tilespmem:v40+s24+$0x0] =	vst.idx.msk $0xffff, v61  }
0x14f: {  	v51 =	vor.u32 s6, v0;
	s18 =	sor.u32 s1, s13;
	s11 =	sadd.s32 $0xFFFFFFF5, s10;
	v2 =	vld [tilespmem:s16+$0x0];
	[tilespmem:v42+s24+$0x0] =	vst.idx.msk $0xffff, v63  }
0x150: {  	s12 =	sadd.s32 $0xFFFFFFF6, s10;
	s8 =	sor.u32 s1, s15;
	v52 =	vor.u32 s11, v0;
	v3 =	vld [tilespmem:s18+$0x0];
	[tilespmem:v44+s24+$0x0] =	vst.idx.msk $0xffff, v1  }
0x151: {  	v53 =	vor.u32 s12, v0;
	s13 =	sadd.s32 $0xFFFFFFF7, s10;
	v1 =	vld [tilespmem:s8+$0x0];
	[tilespmem:v46+s24+$0x0] =	vst.idx.msk $0xffff, v25  }
0x152: {  	s14 =	sadd.s32 $0xFFFFFFF8, s10;
	v54 =	vor.u32 s13, v0;
	[tilespmem:v47+s24+$0x0] =	vst.idx.msk $0xffff, v27  }
0x153: {  	v55 =	vor.u32 s14, v0;
	s15 =	sadd.s32 $0xFFFFFFF9, s10;
	[tilespmem:v49+s24+$0x0] =	vst.idx.msk $0xffff, v29  }
0x154: {  	v56 =	vor.u32 s15, v0;
	s16 =	sadd.s32 $0xFFFFFFFA, s10;
	[tilespmem:v51+s24+$0x0] =	vst.idx.msk $0xffff, v31  }
0x155: {  	s17 =	sadd.s32 $0xFFFFFFFB, s10;
	v57 =	vor.u32 s16, v0;
	[tilespmem:v52+s24+$0x0] =	vst.idx.msk $0xffff, v33  }
0x156: {  	v58 =	vor.u32 s17, v0;
	s18 =	sadd.s32 $0xFFFFFFFC, s10;
	[tilespmem:v53+s24+$0x0] =	vst.idx.msk $0xffff, v35  }
0x157: {  	s19 =	sadd.s32 $0xFFFFFFFD, s10;
	v59 =	vor.u32 s18, v0;
	[tilespmem:v54+s24+$0x0] =	vst.idx.msk $0xffff, v37  }
0x158: {  	v60 =	vor.u32 s19, v0;
	s23 =	sadd.s32 $0xFFFFFFFE, s10;
	[tilespmem:v55+s24+$0x0] =	vst.idx.msk $0xffff, v39  }
0x159: {  	s26 =	sadd.s32 $0xFFFFFFFF, s10;
	v61 =	vor.u32 s23, v0;
	[tilespmem:v56+s24+$0x0] =	vst.idx.msk $0xffff, v41  }
0x15a: {  	v62 =	vor.u32 s26, v0;
	[tilespmem:v57+s24+$0x0] =	vst.idx.msk $0xffff, v43  }
0x15b: {  	p5 =	slt.u32 s31, $0xC0;
	v63 =	vor.u32 s10, v0;
	[tilespmem:v58+s24+$0x0] =	vst.idx.msk $0xffff, v45  }
.Ltmp4:
0x15c: {  	[tilespmem:v59+s24+$0x0] =	vst.idx.msk $0xffff, v2;
	(pc) =	sbr.rel @p5 .LBB2_7-.Ltmp4, $4  }
0x15d: {  	[tilespmem:v60+s24+$0x0] =	vst.idx.msk $0xffff, v3  }
0x15e: {  	p4 =	por !p4, !p4;
	[tilespmem:v61+s24+$0x0] =	vst.idx.msk $0xffff, v48  }
0x15f: {  	s30 =	sadd.s32 $0x4, s30;
	s21 =	sadd.s32 $0x2, s21;
	s4 =	sadd.s32 $0x200, s4;
	[tilespmem:v62+s24+$0x0] =	vst.idx.msk $0xffff, v50  }
0x160: {  	s20 =	sadd.s32 $0x240, s20;
	s19 =	smov.u32 s31;
	s10 =	sadd.s32 $0x400, s10;
	[tilespmem:v63+s24+$0x0] =	vst.idx.msk $0xffff, v1  }
0x161: {  	s0 =	rddreg [dreg:$0x10]  }
0x162: {  	s30 =	simm.s32 $0x0;
	s1 =	simm.s32 $0x4;
	s0 =	sadd.s32 s7, s0  }
0x163: {  	[hbm4b:s0+s30] =	stream.linear.scatter [tilespmem:s24], [sflag:$0x7], $0x1000, $0x38;
	[tilespmem:$0x8000] =	vst v63  }
0x164: {  	_ =	swait.ge [sflag:s1], $0x800  }
0x165: {  	[sflag:s1] =	ssyncset.done $0x0  }
0x166: {  	[sflag:s1] =	ssyncadd.s32 $0xFFFFF800  }
0x167: {  	_ =	swait.ge [sflag:s1], $0x800  }
0x168: {  	[sflag:s1] =	ssyncset.done $0x0;
	s0 =	rddreg [dreg:$0xd]  }
0x169: {  	s0 =	sadd.s32 @!p2 s0, s29;
	[sflag:s1] =	ssyncadd.s32 $0xFFFFF800  }
0x16a: {  	s0 =	sshrl.u32 @!p2 s0, $0x3;
	s1 =	rddreg [dreg:$0x0]  }
0x16b: {  	s4 =	simm.s32 @!p2 $0x2000;
	s0 =	sadd.s32 @!p2 s1, s0;
	s1 =	simm.s32 @!p2 $0x0  }
0x16c: {  	[tilespmem:s4], [sflag:$0x3] =	stream.linear.gather @!p2 [hbm4b:s0+s1], $0x800, $0x38;
	[tilespmem:$0x8000] =	vst v63  }
0x16d: {  	s0 =	sadd.s32 @!p2 $0x27AC80, s0;
	s4 =	simm.s32 @!p2 $0x2800  }
0x16e: {  	[tilespmem:s4], [sflag:$0x3] =	stream.linear.gather @!p2 [hbm4b:s0+s1], $0x800, $0x38;
	[tilespmem:$0x8000] =	vst v63  }
0x16f: {  	s19 =	simm.s32 $0xFFFFFFC0;
	s0 =	simm.s32 @p3 $0x8  }
0x170: {  	s10 =	simm.s32 $0x30F;
	s20 =	simm.s32 $0x0;
	_ =	swait.ge @p3 [sflag:s0], $0x1000  }
0x171: {  	s21 =	simm.s32 $0x0;
	s7 =	simm.s32 $0x30;
	[sflag:s0] =	ssyncset.done @p3 $0x0  }
0x172: {  	p2 =	por $0x0, $0x0;
	s4 =	simm.s32 $0x0;
	[sflag:s0] =	ssyncadd.s32 @p3 $0xFFFFF000  }
.LBB2_9:
0x173: {  	s8 =	sadd.s32 $0xFFFFFFD0, s7  }
0x174: {  	s29 =	sadd.s32 $0x40, s19;
	s0 =	sand.u32 $0x400, s4;
	s26 =	sor.u32 $0x280, s8  }
0x175: {  	s1 =	sand.u32 $0x40, s29;
	s18 =	sor.u32 $0x3000, s0;
	s31 =	sor.u32 $0x380, s8;
	v6 =	vld [tilespmem:s26+$0x3000]  }
0x176: {  	s6 =	sor.u32 s1, s18;
	v8 =	vld [tilespmem:s31+$0x3000]  }
0x177: {  	v1 =	vld [tilespmem:s6+$0x0]  }
0x178: {  	v2 =	vld [tilespmem:s6+$0x80]  }
0x179: {  	s16 =	sor.u32 $0x3800, s0;
	v3 =	vld [tilespmem:s6+$0x100]  }
0x17a: {  	s5 =	simm.s32 $0x1;
	s12 =	sor.u32 $0x3900, s0;
	s3 =	sor.u32 s1, s16;
	v4 =	vld [tilespmem:s6+$0x180]  }
0x17b: {  	s5 =	simm.s32 @!p2 $0x0;
	s11 =	sor.u32 $0x3980, s0;
	s8 =	sor.u32 s1, s12;
	v9 =	vld [tilespmem:s3+$0x0]  }
0x17c: {  	s17 =	sor.u32 $0x3880, s0;
	s5 =	sshll.u32 s5, $0x6;
	s14 =	sor.u32 s1, s11;
	v11 =	vld [tilespmem:s8+$0x0]  }
0x17d: {  	s5 =	sadd.s32 s5, s4;
	s6 =	sor.u32 s1, s17;
	v12 =	vld [tilespmem:s14+$0x0]  }
0x17e: {  	s15 =	sadd.s32 $0xFFFFFCF1, s10;
	s23 =	sor.u32 $0x200, s5;
	v10 =	vld [tilespmem:s6+$0x0]  }
0x17f: {  	s13 =	sor.u32 $0x3A00, s0;
	s14 =	sor.u32 $0x3A80, s0;
	s5 =	sor.u32 $0x300, s5;
	v5 =	vld [tilespmem:s23+$0x3000]  }
0x180: {  	v13 =	vor.u32 s15, v0;
	s15 =	sor.u32 $0x3B80, s0;
	s26 =	sadd.s32 $0xFFFFFCF2, s10;
	s31 =	sor.u32 s1, s14;
	v7 =	vld [tilespmem:s5+$0x3000]  }
0x181: {  	v15 =	vor.u32 s26, v0;
	s3 =	sadd.s32 $0xFFFFFCF3, s10;
	s6 =	sor.u32 $0x3B00, s0;
	s23 =	sor.u32 s1, s13;
	v16 =	vld [tilespmem:s31+$0x0]  }
0x182: {  	s26 =	sadd.s32 $0xFFFFFCF4, s10;
	v17 =	vor.u32 s3, v0;
	s31 =	sadd.s32 $0x50, s19;
	v14 =	vld [tilespmem:s23+$0x0];
	s23 =	sor.u32 s1, s6  }
0x183: {  	s3 =	sor.u32 s1, s15;
	v19 =	vor.u32 s26, v0;
	s1 =	sand.u32 $0x50, s31;
	v18 =	vld [tilespmem:s23+$0x0];
	s23 =	sadd.s32 $0xFFFFFCF5, s10  }
0x184: {  	s26 =	sand.u32 $0x7, s21;
	v20 =	vld [tilespmem:s3+$0x0];
	s31 =	sadd.s32 $0xFFFFFCF6, s10;
	s8 =	sor.u32 s1, s18;
	v21 =	vor.u32 s23, v0  }
0x185: {  	s5 =	sshll.u32 s26, $0x4;
	s3 =	sadd.s32 $0xFFFFFCF7, s10;
	[tilespmem:v13+s9+$0x0] =	vst.idx.msk $0xffff, v1;
	v1 =	vor.u32 s31, v0;
	v55 =	vld [tilespmem:s8+$0x0]  }
0x186: {  	s26 =	sadd.s32 s4, s5;
	s23 =	sadd.s32 $0xFFFFFCF8, s10;
	v56 =	vld [tilespmem:s8+$0x80];
	[tilespmem:v15+s9+$0x0] =	vst.idx.msk $0xffff, v2;
	v2 =	vor.u32 s3, v0  }
0x187: {  	s5 =	sadd.s32 $0x10, s26;
	s31 =	sadd.s32 $0xFFFFFCF9, s10;
	v57 =	vld [tilespmem:s8+$0x100];
	[tilespmem:v17+s9+$0x0] =	vst.idx.msk $0xffff, v3;
	v3 =	vor.u32 s23, v0  }
0x188: {  	v59 =	vld [tilespmem:s8+$0x180];
	v58 =	vor.u32 s31, v0;
	s3 =	sadd.s32 $0xFFFFFCFA, s10;
	s31 =	sor.u32 $0x200, s5;
	[tilespmem:v19+s9+$0x0] =	vst.idx.msk $0xffff, v4  }
0x189: {  	s5 =	sor.u32 $0x300, s5;
	s23 =	sadd.s32 $0xFFFFFFE0, s7;
	v60 =	vor.u32 s3, v0;
	s3 =	sadd.s32 $0xFFFFFCFB, s10;
	v61 =	vld [tilespmem:s31+$0x3000];
	[tilespmem:v21+s9+$0x0] =	vst.idx.msk $0xffff, v5  }
0x18a: {  	v63 =	vld [tilespmem:s5+$0x3000];
	s31 =	sor.u32 $0x280, s23;
	[tilespmem:v1+s9+$0x0] =	vst.idx.msk $0xffff, v6;
	v1 =	vor.u32 s3, v0;
	s3 =	sadd.s32 $0xFFFFFCFC, s10  }
0x18b: {  	s8 =	sadd.s32 $0xFFFFFCFD, s10;
	s23 =	sor.u32 $0x380, s23;
	v62 =	vld [tilespmem:s31+$0x3000];
	[tilespmem:v2+s9+$0x0] =	vst.idx.msk $0xffff, v7;
	v2 =	vor.u32 s3, v0  }
0x18c: {  	s31 =	sadd.s32 $0xFFFFFCFE, s10;
	v24 =	vld [tilespmem:s23+$0x3000];
	s23 =	sor.u32 s1, s17;
	[tilespmem:v3+s9+$0x0] =	vst.idx.msk $0xffff, v8;
	v3 =	vor.u32 s8, v0  }
0x18d: {  	v25 =	vor.u32 s31, v0;
	v28 =	vld [tilespmem:s23+$0x0];
	s3 =	sor.u32 s1, s16;
	s8 =	sadd.s32 $0xFFFFFCFF, s10;
	[tilespmem:v58+s9+$0x0] =	vst.idx.msk $0xffff, v9  }
0x18e: {  	s31 =	sadd.s32 $0xFFFFFD00, s10;
	v26 =	vld [tilespmem:s3+$0x0];
	s3 =	sor.u32 s1, s12;
	v27 =	vor.u32 s8, v0;
	[tilespmem:v60+s9+$0x0] =	vst.idx.msk $0xffff, v10  }
0x18f: {  	v29 =	vld [tilespmem:s3+$0x0];
	s8 =	sadd.s32 $0xFFFFFDF1, s10;
	s3 =	sor.u32 s1, s14;
	[tilespmem:v1+s9+$0x0] =	vst.idx.msk $0xffff, v11;
	v1 =	vor.u32 s31, v0  }
0x190: {  	s5 =	sor.u32 s1, s11;
	v30 =	vor.u32 s8, v0;
	v32 =	vld [tilespmem:s3+$0x0];
	s31 =	sadd.s32 $0xFFFFFDF2, s10;
	[tilespmem:v2+s9+$0x0] =	vst.idx.msk $0xffff, v12  }
0x191: {  	s23 =	sor.u32 s1, s13;
	s8 =	sadd.s32 $0xFFFFFDF3, s10;
	v2 =	vld [tilespmem:s5+$0x0];
	v31 =	vor.u32 s31, v0;
	[tilespmem:v3+s9+$0x0] =	vst.idx.msk $0xffff, v14  }
0x192: {  	s3 =	sadd.s32 $0x60, s19;
	v33 =	vor.u32 s8, v0;
	s31 =	sadd.s32 $0xFFFFFDF4, s10;
	v3 =	vld [tilespmem:s23+$0x0];
	s23 =	sor.u32 s1, s6;
	[tilespmem:v25+s9+$0x0] =	vst.idx.msk $0xffff, v16  }
0x193: {  	v35 =	vor.u32 s31, v0;
	s31 =	sadd.s32 $0xFFFFFDF5, s10;
	v34 =	vld [tilespmem:s23+$0x0];
	s23 =	sor.u32 s1, s15;
	s1 =	sand.u32 $0x60, s3;
	[tilespmem:v27+s9+$0x0] =	vst.idx.msk $0xffff, v18  }
0x194: {  	s3 =	sand.u32 $0x3, s20;
	v36 =	vor.u32 s31, v0;
	s5 =	sor.u32 s1, s18;
	[tilespmem:v1+s9+$0x0] =	vst.idx.msk $0xffff, v20;
	v1 =	vld [tilespmem:s23+$0x0];
	s23 =	sadd.s32 $0xFFFFFDF6, s10  }
0x195: {  	s31 =	sadd.s32 $0xFFFFFDF7, s10;
	s8 =	sshll.u32 s3, $0x5;
	[tilespmem:v30+s9+$0x0] =	vst.idx.msk $0xffff, v55;
	v38 =	vld [tilespmem:s5+$0x0];
	v37 =	vor.u32 s23, v0  }
0x196: {  	v39 =	vor.u32 s31, v0;
	s3 =	sadd.s32 $0xFFFFFDF8, s10;
	s8 =	sadd.s32 s4, s8;
	v40 =	vld [tilespmem:s5+$0x80];
	[tilespmem:v31+s9+$0x0] =	vst.idx.msk $0xffff, v56  }
0x197: {  	s31 =	sadd.s32 $0xFFFFFDFA, s10;
	v41 =	vor.u32 s3, v0;
	v42 =	vld [tilespmem:s5+$0x100];
	s23 =	sadd.s32 $0xFFFFFDF9, s10;
	s8 =	sadd.s32 $0x20, s8;
	[tilespmem:v33+s9+$0x0] =	vst.idx.msk $0xffff, v57  }
0x198: {  	v44 =	vld [tilespmem:s5+$0x180];
	v45 =	vor.u32 s31, v0;
	s31 =	sadd.s32 $0xFFFFFDFB, s10;
	v43 =	vor.u32 s23, v0;
	s3 =	sor.u32 $0x200, s8;
	s23 =	sadd.s32 $0xFFFFFFF0, s7;
	[tilespmem:v35+s9+$0x0] =	vst.idx.msk $0xffff, v59  }
0x199: {  	v47 =	vor.u32 s31, v0;
	s31 =	sadd.s32 $0xFFFFFDFC, s10;
	v46 =	vld [tilespmem:s3+$0x3000];
	s3 =	sor.u32 $0x280, s23;
	[tilespmem:v36+s9+$0x0] =	vst.idx.msk $0xffff, v61  }
0x19a: {  	v49 =	vor.u32 s31, v0;
	s31 =	sor.u32 $0x380, s23;
	v48 =	vld [tilespmem:s3+$0x3000];
	[tilespmem:v37+s9+$0x0] =	vst.idx.msk $0xffff, v62  }
0x19b: {  	s3 =	sor.u32 $0x300, s8;
	s8 =	sadd.s32 $0xFFFFFDFD, s10;
	v52 =	vld [tilespmem:s31+$0x3000];
	[tilespmem:v39+s9+$0x0] =	vst.idx.msk $0xffff, v63  }
0x19c: {  	s31 =	sor.u32 s1, s17;
	v50 =	vld [tilespmem:s3+$0x3000];
	v51 =	vor.u32 s8, v0;
	s3 =	sadd.s32 $0xFFFFFDFE, s10;
	[tilespmem:v41+s9+$0x0] =	vst.idx.msk $0xffff, v24  }
0x19d: {  	s23 =	sadd.s32 $0xFFFFFDFF, s10;
	s8 =	sor.u32 s1, s16;
	v56 =	vld [tilespmem:s31+$0x0];
	v53 =	vor.u32 s3, v0;
	[tilespmem:v43+s9+$0x0] =	vst.idx.msk $0xffff, v26  }
0x19e: {  	v55 =	vor.u32 s23, v0;
	v54 =	vld [tilespmem:s8+$0x0];
	s3 =	sadd.s32 $0xFFFFFE00, s10;
	s8 =	sor.u32 s1, s12;
	[tilespmem:v45+s9+$0x0] =	vst.idx.msk $0xffff, v28  }
0x19f: {  	s23 =	sor.u32 s1, s11;
	s31 =	sadd.s32 $0xFFFFFEF1, s10;
	v57 =	vor.u32 s3, v0;
	v58 =	vld [tilespmem:s8+$0x0];
	[tilespmem:v47+s9+$0x0] =	vst.idx.msk $0xffff, v29  }
0x1a0: {  	v59 =	vor.u32 s31, v0;
	s3 =	sor.u32 s1, s13;
	s8 =	sadd.s32 $0xFFFFFEF2, s10;
	[tilespmem:v49+s9+$0x0] =	vst.idx.msk $0xffff, v2;
	v2 =	vld [tilespmem:s23+$0x0]  }
0x1a1: {  	s31 =	sadd.s32 $0xFFFFFEF3, s10;
	v60 =	vor.u32 s8, v0;
	s23 =	sor.u32 s1, s14;
	[tilespmem:v51+s9+$0x0] =	vst.idx.msk $0xffff, v3;
	v3 =	vld [tilespmem:s3+$0x0]  }
0x1a2: {  	v62 =	vor.u32 s31, v0;
	s8 =	sadd.s32 $0xFFFFFEF4, s10;
	v61 =	vld [tilespmem:s23+$0x0];
	s3 =	sor.u32 s1, s6;
	[tilespmem:v53+s9+$0x0] =	vst.idx.msk $0xffff, v32  }
0x1a3: {  	v22 =	vor.u32 s8, v0;
	s23 =	sadd.s32 $0x70, s19;
	v63 =	vld [tilespmem:s3+$0x0];
	s3 =	sadd.s32 $0xFFFFFEF5, s10;
	[tilespmem:v55+s9+$0x0] =	vst.idx.msk $0xffff, v34  }
0x1a4: {  	s31 =	sor.u32 s1, s15;
	s19 =	sadd.s32 $0xFFFFFEF6, s10;
	s1 =	sand.u32 $0x70, s23;
	v23 =	vor.u32 s3, v0;
	[tilespmem:v57+s9+$0x0] =	vst.idx.msk $0xffff, v1  }
0x1a5: {  	v24 =	vor.u32 s19, v0;
	s23 =	sor.u32 s1, s18;
	v1 =	vld [tilespmem:s31+$0x0];
	[tilespmem:v59+s9+$0x0] =	vst.idx.msk $0xffff, v38;
	s31 =	sadd.s32 $0xFFFFFEF7, s10  }
0x1a6: {  	s3 =	sadd.s32 $0xFFFFFEF8, s10;
	v25 =	vld [tilespmem:s23+$0x0];
	[tilespmem:v60+s9+$0x0] =	vst.idx.msk $0xffff, v40;
	v26 =	vor.u32 s31, v0  }
0x1a7: {  	s8 =	sadd.s32 $0xFFFFFEF9, s10;
	v27 =	vld [tilespmem:s23+$0x80];
	v28 =	vor.u32 s3, v0;
	[tilespmem:v62+s9+$0x0] =	vst.idx.msk $0xffff, v42  }
0x1a8: {  	v30 =	vor.u32 s8, v0;
	s19 =	sadd.s32 $0xFFFFFEFA, s10;
	v29 =	vld [tilespmem:s23+$0x100];
	[tilespmem:v22+s9+$0x0] =	vst.idx.msk $0xffff, v44  }
0x1a9: {  	s18 =	sadd.s32 $0x30, s26;
	v32 =	vor.u32 s19, v0;
	s26 =	sadd.s32 $0xFFFFFEFB, s10;
	s8 =	sor.u32 s1, s17;
	v31 =	vld [tilespmem:s23+$0x180];
	[tilespmem:v23+s9+$0x0] =	vst.idx.msk $0xffff, v46  }
0x1aa: {  	s17 =	sor.u32 s1, s12;
	v34 =	vor.u32 s26, v0;
	s3 =	sadd.s32 $0xFFFFFEFC, s10;
	v43 =	vld [tilespmem:s8+$0x0];
	[tilespmem:v24+s9+$0x0] =	vst.idx.msk $0xffff, v48  }
0x1ab: {  	s19 =	sadd.s32 $0xFFFFFEFD, s10;
	s23 =	sor.u32 $0x200, s18;
	v45 =	vld [tilespmem:s17+$0x0];
	v36 =	vor.u32 s3, v0;
	[tilespmem:v26+s9+$0x0] =	vst.idx.msk $0xffff, v50  }
0x1ac: {  	s18 =	sor.u32 $0x300, s18;
	v38 =	vor.u32 s19, v0;
	s26 =	sadd.s32 $0xFFFFFEFE, s10;
	v33 =	vld [tilespmem:s23+$0x3000];
	[tilespmem:v28+s9+$0x0] =	vst.idx.msk $0xffff, v52  }
0x1ad: {  	s31 =	sor.u32 $0x280, s7;
	v37 =	vld [tilespmem:s18+$0x3000];
	v40 =	vor.u32 s26, v0;
	s3 =	sadd.s32 $0xFFFFFEFF, s10;
	[tilespmem:v30+s9+$0x0] =	vst.idx.msk $0xffff, v54  }
0x1ae: {  	s23 =	sor.u32 $0x380, s7;
	v35 =	vld [tilespmem:s31+$0x3000];
	s31 =	sor.u32 s1, s16;
	v42 =	vor.u32 s3, v0;
	s16 =	sadd.s32 $0xFFFFFF00, s10;
	[tilespmem:v32+s9+$0x0] =	vst.idx.msk $0xffff, v56  }
0x1af: {  	s19 =	sadd.s32 $0xFFFFFFF1, s10;
	v39 =	vld [tilespmem:s23+$0x3000];
	v44 =	vor.u32 s16, v0;
	[tilespmem:v34+s9+$0x0] =	vst.idx.msk $0xffff, v58  }
0x1b0: {  	s26 =	sadd.s32 $0xFFFFFFF2, s10;
	v41 =	vld [tilespmem:s31+$0x0];
	s31 =	sor.u32 s1, s14;
	v46 =	vor.u32 s19, v0;
	[tilespmem:v36+s9+$0x0] =	vst.idx.msk $0xffff, v2  }
0x1b1: {  	s6 =	sor.u32 s1, s6;
	v47 =	vor.u32 s26, v0;
	s3 =	sadd.s32 $0xFFFFFFF3, s10;
	v48 =	vld [tilespmem:s31+$0x0];
	[tilespmem:v38+s9+$0x0] =	vst.idx.msk $0xffff, v3  }
0x1b2: {  	s8 =	sadd.s32 $0xFFFFFFF4, s10;
	s18 =	sor.u32 s1, s11;
	v49 =	vor.u32 s3, v0;
	v50 =	vld [tilespmem:s6+$0x0];
	[tilespmem:v40+s9+$0x0] =	vst.idx.msk $0xffff, v61  }
0x1b3: {  	s12 =	sadd.s32 $0xFFFFFFF5, s10;
	v51 =	vor.u32 s8, v0;
	s23 =	sor.u32 s1, s13;
	v2 =	vld [tilespmem:s18+$0x0];
	[tilespmem:v42+s9+$0x0] =	vst.idx.msk $0xffff, v63  }
0x1b4: {  	s11 =	sor.u32 s1, s15;
	s13 =	sadd.s32 $0xFFFFFFF6, s10;
	v52 =	vor.u32 s12, v0;
	v3 =	vld [tilespmem:s23+$0x0];
	[tilespmem:v44+s9+$0x0] =	vst.idx.msk $0xffff, v1  }
0x1b5: {  	v53 =	vor.u32 s13, v0;
	s14 =	sadd.s32 $0xFFFFFFF7, s10;
	v1 =	vld [tilespmem:s11+$0x0];
	[tilespmem:v46+s9+$0x0] =	vst.idx.msk $0xffff, v25  }
0x1b6: {  	s15 =	sadd.s32 $0xFFFFFFF8, s10;
	v54 =	vor.u32 s14, v0;
	[tilespmem:v47+s9+$0x0] =	vst.idx.msk $0xffff, v27  }
0x1b7: {  	v55 =	vor.u32 s15, v0;
	s16 =	sadd.s32 $0xFFFFFFF9, s10;
	[tilespmem:v49+s9+$0x0] =	vst.idx.msk $0xffff, v29  }
0x1b8: {  	s17 =	sadd.s32 $0xFFFFFFFA, s10;
	v56 =	vor.u32 s16, v0;
	[tilespmem:v51+s9+$0x0] =	vst.idx.msk $0xffff, v31  }
0x1b9: {  	v57 =	vor.u32 s17, v0;
	s18 =	sadd.s32 $0xFFFFFFFB, s10;
	[tilespmem:v52+s9+$0x0] =	vst.idx.msk $0xffff, v33  }
0x1ba: {  	s19 =	sadd.s32 $0xFFFFFFFC, s10;
	v58 =	vor.u32 s18, v0;
	[tilespmem:v53+s9+$0x0] =	vst.idx.msk $0xffff, v35  }
0x1bb: {  	v59 =	vor.u32 s19, v0;
	s23 =	sadd.s32 $0xFFFFFFFD, s10;
	[tilespmem:v54+s9+$0x0] =	vst.idx.msk $0xffff, v37  }
0x1bc: {  	s26 =	sadd.s32 $0xFFFFFFFE, s10;
	v60 =	vor.u32 s23, v0;
	[tilespmem:v55+s9+$0x0] =	vst.idx.msk $0xffff, v39  }
0x1bd: {  	s31 =	sadd.s32 $0xFFFFFFFF, s10;
	v61 =	vor.u32 s26, v0;
	[tilespmem:v56+s9+$0x0] =	vst.idx.msk $0xffff, v41  }
0x1be: {  	v62 =	vor.u32 s31, v0;
	[tilespmem:v57+s9+$0x0] =	vst.idx.msk $0xffff, v43  }
0x1bf: {  	p3 =	slt.u32 s29, $0xC0;
	v63 =	vor.u32 s10, v0;
	[tilespmem:v58+s9+$0x0] =	vst.idx.msk $0xffff, v45  }
.Ltmp5:
0x1c0: {  	[tilespmem:v59+s9+$0x0] =	vst.idx.msk $0xffff, v2;
	(pc) =	sbr.rel @p3 .LBB2_9-.Ltmp5, $4  }
0x1c1: {  	[tilespmem:v60+s9+$0x0] =	vst.idx.msk $0xffff, v3  }
0x1c2: {  	p2 =	por !p2, !p2;
	[tilespmem:v61+s9+$0x0] =	vst.idx.msk $0xffff, v48  }
0x1c3: {  	s21 =	sadd.s32 $0x4, s21;
	s20 =	sadd.s32 $0x2, s20;
	s4 =	sadd.s32 $0x200, s4;
	[tilespmem:v62+s9+$0x0] =	vst.idx.msk $0xffff, v50  }
0x1c4: {  	s7 =	sadd.s32 $0x240, s7;
	s19 =	smov.u32 s29;
	s10 =	sadd.s32 $0x400, s10;
	[tilespmem:v63+s9+$0x0] =	vst.idx.msk $0xffff, v1  }
0x1c5: {  	s25 =	sadd.s32 $0x1, s25  }
0x1c6: {  	p2 =	sne.s32 s25, $0x4F  }
.Ltmp6:
0x1c7: {  	_ = 	snop;
	(pc) =	sbr.rel @p2 .LBB2_2-.Ltmp6, $4  }
0x1c8: {  	_ = 	snop  }
0x1c9: {  	s0 =	sshll.u32 s28, $0xE;
	s1 =	rddreg [dreg:$0x18]  }
0x1ca: {  	s0 =	sadd.s32 s0, s1  }
0x1cb: {  	[hbm4b:s0+s30] =	stream.linear.scatter [tilespmem:s9], [sflag:$0x8], $0x1000, $0x38;
	[tilespmem:$0x8000] =	vst v63  }
0x1cc: {  	s7 =	simm.s32 $0x0;
	s0 =	rddreg [dreg:$0x11]  }
0x1cd: {  	[tilespmem:s7], [sflag:$0x1] =	stream.linear.gather [hbm4b:s0+s7], $0x800, $0x38;
	[tilespmem:$0x8000] =	vst v63  }
0x1ce: {  	s29 =	rddreg [dreg:$0x12];
	s28 =	simm.s32 $0x800;
	s31 =	simm.s32 $0x1  }
0x1cf: {  	[tilespmem:s28], [sflag:$0x1] =	stream.linear.gather [hbm4b:s29+s7], $0x800, $0x38;
	[tilespmem:$0x8000] =	vst v63  }
0x1d0: {  	_ =	swait.ge [sflag:s31], $0x800  }
0x1d1: {  	[sflag:s31] =	ssyncset.done $0x0  }
0x1d2: {  	[sflag:s31] =	ssyncadd.s32 $0xFFFFF800  }
0x1d3: {  	_ =	swait.ge [sflag:s31], $0x800  }
0x1d4: {  	[sflag:s31] =	ssyncset.done $0x0  }
0x1d5: {  	s3 =	simm.s32 $0x5;
	[sflag:s31] =	ssyncadd.s32 $0xFFFFF800  }
0x1d6: {  	s19 =	simm.s32 $0xFFFFFFC0;
	s10 =	simm.s32 $0x30;
	_ =	swait.ge [sflag:s3], $0x1000  }
0x1d7: {  	s20 =	simm.s32 $0x30F;
	p2 =	por $0x0, $0x0;
	[sflag:s3] =	ssyncset.done $0x0  }
0x1d8: {  	s4 =	simm.s32 $0x0;
	s21 =	simm.s32 $0x0;
	[sflag:s3] =	ssyncadd.s32 $0xFFFFF000  }
.LBB2_12:
0x1d9: {  	s6 =	sadd.s32 $0xFFFFFFD0, s10  }
0x1da: {  	s25 =	sadd.s32 $0x40, s19;
	s13 =	sor.u32 $0x280, s6  }
0x1db: {  	s18 =	sand.u32 $0x400, s4;
	s0 =	sand.u32 $0x40, s25;
	s14 =	sor.u32 $0x380, s6;
	v6 =	vld [tilespmem:s13+$0x0]  }
0x1dc: {  	s5 =	sor.u32 s0, s18;
	v8 =	vld [tilespmem:s14+$0x0]  }
0x1dd: {  	v1 =	vld [tilespmem:s5+$0x0]  }
0x1de: {  	v2 =	vld [tilespmem:s5+$0x80]  }
0x1df: {  	s16 =	sor.u32 $0x800, s18;
	v3 =	vld [tilespmem:s5+$0x100]  }
0x1e0: {  	s1 =	simm.s32 $0x1;
	s17 =	sor.u32 $0x880, s18;
	s15 =	sor.u32 s0, s16;
	v4 =	vld [tilespmem:s5+$0x180]  }
0x1e1: {  	s1 =	simm.s32 @!p2 $0x0;
	s11 =	sor.u32 $0x980, s18;
	s23 =	sor.u32 s0, s17;
	v9 =	vld [tilespmem:s15+$0x0]  }
0x1e2: {  	s1 =	sshll.u32 s1, $0x6;
	s13 =	sor.u32 $0xA00, s18;
	s29 =	sor.u32 s0, s11;
	v10 =	vld [tilespmem:s23+$0x0]  }
0x1e3: {  	s1 =	sadd.s32 s1, s4;
	s31 =	sor.u32 s0, s13;
	v12 =	vld [tilespmem:s29+$0x0]  }
0x1e4: {  	s14 =	sor.u32 $0xA80, s18;
	s12 =	sor.u32 $0x200, s1;
	v14 =	vld [tilespmem:s31+$0x0]  }
0x1e5: {  	s8 =	sadd.s32 $0xFFFFFCF1, s20;
	s15 =	sor.u32 s0, s14;
	v5 =	vld [tilespmem:s12+$0x0];
	s12 =	sor.u32 $0x900, s18  }
0x1e6: {  	s6 =	sor.u32 $0xB00, s18;
	v13 =	vor.u32 s8, v0;
	s8 =	sadd.s32 $0xFFFFFCF2, s20;
	v16 =	vld [tilespmem:s15+$0x0];
	s26 =	sor.u32 s0, s12  }
0x1e7: {  	v15 =	vor.u32 s8, v0;
	s23 =	sor.u32 s0, s6;
	s29 =	sadd.s32 $0xFFFFFCF4, s20;
	v11 =	vld [tilespmem:s26+$0x0];
	s26 =	sadd.s32 $0xFFFFFCF3, s20  }
0x1e8: {  	s1 =	sor.u32 $0x300, s1;
	s15 =	sor.u32 $0xB80, s18;
	s31 =	sadd.s32 $0x50, s19;
	v18 =	vld [tilespmem:s23+$0x0];
	v17 =	vor.u32 s26, v0  }
0x1e9: {  	v19 =	vor.u32 s29, v0;
	s23 =	sadd.s32 $0xFFFFFCF5, s20;
	v7 =	vld [tilespmem:s1+$0x0];
	s1 =	sand.u32 $0x50, s31;
	s0 =	sor.u32 s0, s15  }
0x1ea: {  	s29 =	sadd.s32 $0xFFFFFCF6, s20;
	v21 =	vor.u32 s23, v0;
	s8 =	sor.u32 s1, s18;
	v20 =	vld [tilespmem:s0+$0x0];
	s26 =	sand.u32 $0x7, s21  }
0x1eb: {  	s31 =	sadd.s32 $0xFFFFFCF7, s20;
	v55 =	vld [tilespmem:s8+$0x0];
	[tilespmem:v13+s2+$0x0] =	vst.idx.msk $0xffff, v1;
	v1 =	vor.u32 s29, v0;
	s5 =	sshll.u32 s26, $0x4  }
0x1ec: {  	s23 =	sadd.s32 $0xFFFFFCF8, s20;
	v56 =	vld [tilespmem:s8+$0x80];
	[tilespmem:v15+s2+$0x0] =	vst.idx.msk $0xffff, v2;
	v2 =	vor.u32 s31, v0;
	s26 =	sadd.s32 s4, s5  }
0x1ed: {  	v57 =	vld [tilespmem:s8+$0x100];
	s29 =	sadd.s32 $0xFFFFFCF9, s20;
	s5 =	sadd.s32 $0x10, s26;
	[tilespmem:v17+s2+$0x0] =	vst.idx.msk $0xffff, v3;
	v3 =	vor.u32 s23, v0  }
0x1ee: {  	v59 =	vld [tilespmem:s8+$0x180];
	v58 =	vor.u32 s29, v0;
	s31 =	sadd.s32 $0xFFFFFCFA, s20;
	s29 =	sor.u32 $0x200, s5;
	[tilespmem:v19+s2+$0x0] =	vst.idx.msk $0xffff, v4  }
0x1ef: {  	v60 =	vor.u32 s31, v0;
	s31 =	sadd.s32 $0xFFFFFCFB, s20;
	s5 =	sor.u32 $0x300, s5;
	s23 =	sadd.s32 $0xFFFFFFE0, s10;
	v61 =	vld [tilespmem:s29+$0x0];
	[tilespmem:v21+s2+$0x0] =	vst.idx.msk $0xffff, v5  }
0x1f0: {  	v63 =	vld [tilespmem:s5+$0x0];
	s29 =	sor.u32 $0x280, s23;
	[tilespmem:v1+s2+$0x0] =	vst.idx.msk $0xffff, v6;
	v1 =	vor.u32 s31, v0;
	s31 =	sadd.s32 $0xFFFFFCFC, s20  }
0x1f1: {  	s8 =	sadd.s32 $0xFFFFFCFD, s20;
	s23 =	sor.u32 $0x380, s23;
	v62 =	vld [tilespmem:s29+$0x0];
	[tilespmem:v2+s2+$0x0] =	vst.idx.msk $0xffff, v7;
	v2 =	vor.u32 s31, v0  }
0x1f2: {  	s29 =	sadd.s32 $0xFFFFFCFE, s20;
	v24 =	vld [tilespmem:s23+$0x0];
	s23 =	sor.u32 s1, s17;
	[tilespmem:v3+s2+$0x0] =	vst.idx.msk $0xffff, v8;
	v3 =	vor.u32 s8, v0  }
0x1f3: {  	v25 =	vor.u32 s29, v0;
	v28 =	vld [tilespmem:s23+$0x0];
	s31 =	sor.u32 s1, s16;
	s8 =	sadd.s32 $0xFFFFFCFF, s20;
	[tilespmem:v58+s2+$0x0] =	vst.idx.msk $0xffff, v9  }
0x1f4: {  	s29 =	sadd.s32 $0xFFFFFD00, s20;
	v26 =	vld [tilespmem:s31+$0x0];
	s31 =	sor.u32 s1, s12;
	v27 =	vor.u32 s8, v0;
	[tilespmem:v60+s2+$0x0] =	vst.idx.msk $0xffff, v10  }
0x1f5: {  	v29 =	vld [tilespmem:s31+$0x0];
	s8 =	sadd.s32 $0xFFFFFDF1, s20;
	s31 =	sor.u32 s1, s14;
	[tilespmem:v1+s2+$0x0] =	vst.idx.msk $0xffff, v11;
	v1 =	vor.u32 s29, v0  }
0x1f6: {  	s5 =	sor.u32 s1, s11;
	v30 =	vor.u32 s8, v0;
	v32 =	vld [tilespmem:s31+$0x0];
	s29 =	sadd.s32 $0xFFFFFDF2, s20;
	[tilespmem:v2+s2+$0x0] =	vst.idx.msk $0xffff, v12  }
0x1f7: {  	s23 =	sor.u32 s1, s13;
	s8 =	sadd.s32 $0xFFFFFDF3, s20;
	v2 =	vld [tilespmem:s5+$0x0];
	v31 =	vor.u32 s29, v0;
	[tilespmem:v3+s2+$0x0] =	vst.idx.msk $0xffff, v14  }
0x1f8: {  	s31 =	sadd.s32 $0x60, s19;
	v33 =	vor.u32 s8, v0;
	s29 =	sadd.s32 $0xFFFFFDF4, s20;
	v3 =	vld [tilespmem:s23+$0x0];
	s23 =	sor.u32 s1, s6;
	[tilespmem:v25+s2+$0x0] =	vst.idx.msk $0xffff, v16  }
0x1f9: {  	v35 =	vor.u32 s29, v0;
	s29 =	sadd.s32 $0xFFFFFDF5, s20;
	v34 =	vld [tilespmem:s23+$0x0];
	s23 =	sor.u32 s1, s15;
	s1 =	sand.u32 $0x60, s31;
	[tilespmem:v27+s2+$0x0] =	vst.idx.msk $0xffff, v18  }
0x1fa: {  	s31 =	sand.u32 $0x3, s7;
	v36 =	vor.u32 s29, v0;
	s5 =	sor.u32 s1, s18;
	[tilespmem:v1+s2+$0x0] =	vst.idx.msk $0xffff, v20;
	v1 =	vld [tilespmem:s23+$0x0];
	s23 =	sadd.s32 $0xFFFFFDF6, s20  }
0x1fb: {  	s29 =	sadd.s32 $0xFFFFFDF7, s20;
	s8 =	sshll.u32 s31, $0x5;
	[tilespmem:v30+s2+$0x0] =	vst.idx.msk $0xffff, v55;
	v38 =	vld [tilespmem:s5+$0x0];
	v37 =	vor.u32 s23, v0  }
0x1fc: {  	v39 =	vor.u32 s29, v0;
	s31 =	sadd.s32 $0xFFFFFDF8, s20;
	s8 =	sadd.s32 s4, s8;
	v40 =	vld [tilespmem:s5+$0x80];
	[tilespmem:v31+s2+$0x0] =	vst.idx.msk $0xffff, v56  }
0x1fd: {  	s29 =	sadd.s32 $0xFFFFFDFA, s20;
	v41 =	vor.u32 s31, v0;
	v42 =	vld [tilespmem:s5+$0x100];
	s23 =	sadd.s32 $0xFFFFFDF9, s20;
	s8 =	sadd.s32 $0x20, s8;
	[tilespmem:v33+s2+$0x0] =	vst.idx.msk $0xffff, v57  }
0x1fe: {  	v44 =	vld [tilespmem:s5+$0x180];
	v45 =	vor.u32 s29, v0;
	s29 =	sadd.s32 $0xFFFFFDFB, s20;
	v43 =	vor.u32 s23, v0;
	s31 =	sor.u32 $0x200, s8;
	s23 =	sadd.s32 $0xFFFFFFF0, s10;
	[tilespmem:v35+s2+$0x0] =	vst.idx.msk $0xffff, v59  }
0x1ff: {  	v47 =	vor.u32 s29, v0;
	s29 =	sadd.s32 $0xFFFFFDFC, s20;
	v46 =	vld [tilespmem:s31+$0x0];
	s31 =	sor.u32 $0x280, s23;
	[tilespmem:v36+s2+$0x0] =	vst.idx.msk $0xffff, v61  }
0x200: {  	v49 =	vor.u32 s29, v0;
	s29 =	sor.u32 $0x380, s23;
	v48 =	vld [tilespmem:s31+$0x0];
	[tilespmem:v37+s2+$0x0] =	vst.idx.msk $0xffff, v62  }
0x201: {  	s31 =	sor.u32 $0x300, s8;
	s8 =	sadd.s32 $0xFFFFFDFD, s20;
	v52 =	vld [tilespmem:s29+$0x0];
	[tilespmem:v39+s2+$0x0] =	vst.idx.msk $0xffff, v63  }
0x202: {  	s29 =	sor.u32 s1, s17;
	v50 =	vld [tilespmem:s31+$0x0];
	v51 =	vor.u32 s8, v0;
	s31 =	sadd.s32 $0xFFFFFDFE, s20;
	[tilespmem:v41+s2+$0x0] =	vst.idx.msk $0xffff, v24  }
0x203: {  	s23 =	sadd.s32 $0xFFFFFDFF, s20;
	s8 =	sor.u32 s1, s16;
	v56 =	vld [tilespmem:s29+$0x0];
	v53 =	vor.u32 s31, v0;
	[tilespmem:v43+s2+$0x0] =	vst.idx.msk $0xffff, v26  }
0x204: {  	v55 =	vor.u32 s23, v0;
	v54 =	vld [tilespmem:s8+$0x0];
	s31 =	sadd.s32 $0xFFFFFE00, s20;
	s8 =	sor.u32 s1, s12;
	[tilespmem:v45+s2+$0x0] =	vst.idx.msk $0xffff, v28  }
0x205: {  	s23 =	sor.u32 s1, s11;
	s29 =	sadd.s32 $0xFFFFFEF1, s20;
	v57 =	vor.u32 s31, v0;
	v58 =	vld [tilespmem:s8+$0x0];
	[tilespmem:v47+s2+$0x0] =	vst.idx.msk $0xffff, v29  }
0x206: {  	v59 =	vor.u32 s29, v0;
	s31 =	sor.u32 s1, s13;
	s8 =	sadd.s32 $0xFFFFFEF2, s20;
	[tilespmem:v49+s2+$0x0] =	vst.idx.msk $0xffff, v2;
	v2 =	vld [tilespmem:s23+$0x0]  }
0x207: {  	s29 =	sadd.s32 $0xFFFFFEF3, s20;
	v60 =	vor.u32 s8, v0;
	s23 =	sor.u32 s1, s14;
	[tilespmem:v51+s2+$0x0] =	vst.idx.msk $0xffff, v3;
	v3 =	vld [tilespmem:s31+$0x0]  }
0x208: {  	v62 =	vor.u32 s29, v0;
	s8 =	sadd.s32 $0xFFFFFEF4, s20;
	v61 =	vld [tilespmem:s23+$0x0];
	s31 =	sor.u32 s1, s6;
	[tilespmem:v53+s2+$0x0] =	vst.idx.msk $0xffff, v32  }
0x209: {  	v22 =	vor.u32 s8, v0;
	s23 =	sadd.s32 $0x70, s19;
	v63 =	vld [tilespmem:s31+$0x0];
	s31 =	sadd.s32 $0xFFFFFEF5, s20;
	[tilespmem:v55+s2+$0x0] =	vst.idx.msk $0xffff, v34  }
0x20a: {  	s29 =	sor.u32 s1, s15;
	s19 =	sadd.s32 $0xFFFFFEF6, s20;
	s1 =	sand.u32 $0x70, s23;
	v23 =	vor.u32 s31, v0;
	[tilespmem:v57+s2+$0x0] =	vst.idx.msk $0xffff, v1  }
0x20b: {  	v24 =	vor.u32 s19, v0;
	s23 =	sor.u32 s1, s18;
	v1 =	vld [tilespmem:s29+$0x0];
	[tilespmem:v59+s2+$0x0] =	vst.idx.msk $0xffff, v38;
	s29 =	sadd.s32 $0xFFFFFEF7, s20  }
0x20c: {  	s31 =	sadd.s32 $0xFFFFFEF8, s20;
	v25 =	vld [tilespmem:s23+$0x0];
	[tilespmem:v60+s2+$0x0] =	vst.idx.msk $0xffff, v40;
	v26 =	vor.u32 s29, v0  }
0x20d: {  	s8 =	sadd.s32 $0xFFFFFEF9, s20;
	v27 =	vld [tilespmem:s23+$0x80];
	v28 =	vor.u32 s31, v0;
	[tilespmem:v62+s2+$0x0] =	vst.idx.msk $0xffff, v42  }
0x20e: {  	v30 =	vor.u32 s8, v0;
	s19 =	sadd.s32 $0xFFFFFEFA, s20;
	v29 =	vld [tilespmem:s23+$0x100];
	[tilespmem:v22+s2+$0x0] =	vst.idx.msk $0xffff, v44  }
0x20f: {  	s18 =	sadd.s32 $0x30, s26;
	v32 =	vor.u32 s19, v0;
	s26 =	sadd.s32 $0xFFFFFEFB, s20;
	s8 =	sor.u32 s1, s17;
	v31 =	vld [tilespmem:s23+$0x180];
	[tilespmem:v23+s2+$0x0] =	vst.idx.msk $0xffff, v46  }
0x210: {  	s17 =	sor.u32 s1, s12;
	v34 =	vor.u32 s26, v0;
	s31 =	sadd.s32 $0xFFFFFEFC, s20;
	v43 =	vld [tilespmem:s8+$0x0];
	[tilespmem:v24+s2+$0x0] =	vst.idx.msk $0xffff, v48  }
0x211: {  	s19 =	sadd.s32 $0xFFFFFEFD, s20;
	s23 =	sor.u32 $0x200, s18;
	v45 =	vld [tilespmem:s17+$0x0];
	v36 =	vor.u32 s31, v0;
	[tilespmem:v26+s2+$0x0] =	vst.idx.msk $0xffff, v50  }
0x212: {  	s18 =	sor.u32 $0x300, s18;
	v38 =	vor.u32 s19, v0;
	s26 =	sadd.s32 $0xFFFFFEFE, s20;
	v33 =	vld [tilespmem:s23+$0x0];
	[tilespmem:v28+s2+$0x0] =	vst.idx.msk $0xffff, v52  }
0x213: {  	s29 =	sor.u32 $0x280, s10;
	v37 =	vld [tilespmem:s18+$0x0];
	v40 =	vor.u32 s26, v0;
	s31 =	sadd.s32 $0xFFFFFEFF, s20;
	[tilespmem:v30+s2+$0x0] =	vst.idx.msk $0xffff, v54  }
0x214: {  	s23 =	sor.u32 $0x380, s10;
	v35 =	vld [tilespmem:s29+$0x0];
	s29 =	sor.u32 s1, s16;
	v42 =	vor.u32 s31, v0;
	s16 =	sadd.s32 $0xFFFFFF00, s20;
	[tilespmem:v32+s2+$0x0] =	vst.idx.msk $0xffff, v56  }
0x215: {  	s19 =	sadd.s32 $0xFFFFFFF1, s20;
	v39 =	vld [tilespmem:s23+$0x0];
	v44 =	vor.u32 s16, v0;
	[tilespmem:v34+s2+$0x0] =	vst.idx.msk $0xffff, v58  }
0x216: {  	s26 =	sadd.s32 $0xFFFFFFF2, s20;
	v41 =	vld [tilespmem:s29+$0x0];
	s29 =	sor.u32 s1, s14;
	v46 =	vor.u32 s19, v0;
	[tilespmem:v36+s2+$0x0] =	vst.idx.msk $0xffff, v2  }
0x217: {  	s8 =	sor.u32 s1, s6;
	v47 =	vor.u32 s26, v0;
	s31 =	sadd.s32 $0xFFFFFFF3, s20;
	v48 =	vld [tilespmem:s29+$0x0];
	[tilespmem:v38+s2+$0x0] =	vst.idx.msk $0xffff, v3  }
0x218: {  	s18 =	sor.u32 s1, s11;
	s11 =	sadd.s32 $0xFFFFFFF4, s20;
	v49 =	vor.u32 s31, v0;
	v50 =	vld [tilespmem:s8+$0x0];
	[tilespmem:v40+s2+$0x0] =	vst.idx.msk $0xffff, v61  }
0x219: {  	s23 =	sor.u32 s1, s13;
	v51 =	vor.u32 s11, v0;
	s13 =	sadd.s32 $0xFFFFFFF5, s20;
	v2 =	vld [tilespmem:s18+$0x0];
	[tilespmem:v42+s2+$0x0] =	vst.idx.msk $0xffff, v63  }
0x21a: {  	s12 =	sor.u32 s1, s15;
	s14 =	sadd.s32 $0xFFFFFFF6, s20;
	v52 =	vor.u32 s13, v0;
	v3 =	vld [tilespmem:s23+$0x0];
	[tilespmem:v44+s2+$0x0] =	vst.idx.msk $0xffff, v1  }
0x21b: {  	s15 =	sadd.s32 $0xFFFFFFF7, s20;
	v53 =	vor.u32 s14, v0;
	v1 =	vld [tilespmem:s12+$0x0];
	[tilespmem:v46+s2+$0x0] =	vst.idx.msk $0xffff, v25  }
0x21c: {  	s16 =	sadd.s32 $0xFFFFFFF8, s20;
	v54 =	vor.u32 s15, v0;
	[tilespmem:v47+s2+$0x0] =	vst.idx.msk $0xffff, v27  }
0x21d: {  	s17 =	sadd.s32 $0xFFFFFFF9, s20;
	v55 =	vor.u32 s16, v0;
	[tilespmem:v49+s2+$0x0] =	vst.idx.msk $0xffff, v29  }
0x21e: {  	v56 =	vor.u32 s17, v0;
	s18 =	sadd.s32 $0xFFFFFFFA, s20;
	[tilespmem:v51+s2+$0x0] =	vst.idx.msk $0xffff, v31  }
0x21f: {  	s19 =	sadd.s32 $0xFFFFFFFB, s20;
	v57 =	vor.u32 s18, v0;
	[tilespmem:v52+s2+$0x0] =	vst.idx.msk $0xffff, v33  }
0x220: {  	v58 =	vor.u32 s19, v0;
	s23 =	sadd.s32 $0xFFFFFFFC, s20;
	[tilespmem:v53+s2+$0x0] =	vst.idx.msk $0xffff, v35  }
0x221: {  	s26 =	sadd.s32 $0xFFFFFFFD, s20;
	v59 =	vor.u32 s23, v0;
	[tilespmem:v54+s2+$0x0] =	vst.idx.msk $0xffff, v37  }
0x222: {  	v60 =	vor.u32 s26, v0;
	s29 =	sadd.s32 $0xFFFFFFFE, s20;
	[tilespmem:v55+s2+$0x0] =	vst.idx.msk $0xffff, v39  }
0x223: {  	s31 =	sadd.s32 $0xFFFFFFFF, s20;
	v61 =	vor.u32 s29, v0;
	[tilespmem:v56+s2+$0x0] =	vst.idx.msk $0xffff, v41  }
0x224: {  	v62 =	vor.u32 s31, v0;
	[tilespmem:v57+s2+$0x0] =	vst.idx.msk $0xffff, v43  }
0x225: {  	p3 =	slt.u32 s25, $0xC0;
	v63 =	vor.u32 s20, v0;
	[tilespmem:v58+s2+$0x0] =	vst.idx.msk $0xffff, v45  }
.Ltmp7:
0x226: {  	[tilespmem:v59+s2+$0x0] =	vst.idx.msk $0xffff, v2;
	(pc) =	sbr.rel @p3 .LBB2_12-.Ltmp7, $4  }
0x227: {  	[tilespmem:v60+s2+$0x0] =	vst.idx.msk $0xffff, v3  }
0x228: {  	p2 =	por !p2, !p2;
	[tilespmem:v61+s2+$0x0] =	vst.idx.msk $0xffff, v48  }
0x229: {  	s21 =	sadd.s32 $0x4, s21;
	s7 =	sadd.s32 $0x2, s7;
	s4 =	sadd.s32 $0x200, s4;
	[tilespmem:v62+s2+$0x0] =	vst.idx.msk $0xffff, v50  }
0x22a: {  	s10 =	sadd.s32 $0x240, s10;
	s19 =	smov.u32 s25;
	s20 =	sadd.s32 $0x400, s20;
	[tilespmem:v63+s2+$0x0] =	vst.idx.msk $0xffff, v1  }
0x22b: {  	s0 =	rddreg [dreg:$0x13];
	s26 =	simm.s32 $0x6  }
0x22c: {  	[hbm4b:s0+s30] =	stream.linear.scatter [tilespmem:s2], [sflag:$0x5], $0x1000, $0x38;
	[tilespmem:$0x8000] =	vst v63  }
0x22d: {  	_ =	swait.ge [sflag:s26], $0x1000  }
0x22e: {  	[sflag:s26] =	ssyncset.done $0x0  }
0x22f: {  	s29 =	simm.s32 $0x7;
	[sflag:s26] =	ssyncadd.s32 $0xFFFFF000  }
0x230: {  	_ =	swait.ge [sflag:s29], $0x1000  }
0x231: {  	[sflag:s29] =	ssyncset.done $0x0  }
0x232: {  	s31 =	simm.s32 $0x8;
	[sflag:s29] =	ssyncadd.s32 $0xFFFFF000  }
0x233: {  	_ =	swait.ge [sflag:s31], $0x1000  }
.Ltmp8:
0x234: {  	[sflag:s31] =	ssyncset.done $0x0;
	(pc) =	sbr.rel @p1 .LBB2_17-.Ltmp8, $4  }
0x235: {  	[sflag:s31] =	ssyncadd.s32 $0xFFFFF000  }
0x236: {  	_ =	swait.ge [sflag:s3], $0x1000  }
0x237: {  	[sflag:s3] =	ssyncset.done $0x0  }
0x238: {  	s5 =	rddreg [dreg:$0x1a];
	[sflag:s3] =	ssyncadd.s32 $0xFFFFF000  }
0x239: {  	s7 =	simm.s32 $0x0;
	s0 =	rddreg [dreg:$0x15];
	s1 =	simm.s32 $0x9  }
0x23a: {  	[tilespmem:s7], [sflag:$0x9] =	stream.linear.gather [hbm4b:s0+s7], $0x800, $0x38;
	[tilespmem:$0x8000] =	vst v63  }
0x23b: {  	_ =	swait.ge [sflag:s1], $0x800  }
0x23c: {  	[sflag:s1] =	ssyncset.done $0x0  }
0x23d: {  	s31 =	rddreg [dreg:$0x14];
	[sflag:s1] =	ssyncadd.s32 $0xFFFFF800  }
0x23e: {  	[tilespmem:s28], [sflag:$0x9] =	stream.linear.gather [hbm4b:s31+s7], $0x800, $0x38;
	[tilespmem:$0x8000] =	vst v63  }
0x23f: {  	s19 =	simm.s32 $0xFFFFFFC0;
	s10 =	simm.s32 $0x30;
	_ =	swait.ge [sflag:s1], $0x800  }
0x240: {  	s20 =	simm.s32 $0x30F;
	p2 =	por $0x0, $0x0;
	[sflag:s1] =	ssyncset.done $0x0  }
0x241: {  	s4 =	simm.s32 $0x0;
	s21 =	simm.s32 $0x0;
	[sflag:s1] =	ssyncadd.s32 $0xFFFFF800  }
.LBB2_15:
0x242: {  	s6 =	sadd.s32 $0xFFFFFFD0, s10  }
0x243: {  	s25 =	sadd.s32 $0x40, s19;
	s8 =	sor.u32 $0x280, s6  }
0x244: {  	s18 =	sand.u32 $0x400, s4;
	s0 =	sand.u32 $0x40, s25;
	s11 =	sor.u32 $0x380, s6;
	v6 =	vld [tilespmem:s8+$0x0]  }
0x245: {  	s5 =	sor.u32 s0, s18;
	v8 =	vld [tilespmem:s11+$0x0]  }
0x246: {  	v1 =	vld [tilespmem:s5+$0x0]  }
0x247: {  	v2 =	vld [tilespmem:s5+$0x80]  }
0x248: {  	s16 =	sor.u32 $0x800, s18;
	v3 =	vld [tilespmem:s5+$0x100]  }
0x249: {  	s1 =	simm.s32 $0x1;
	s17 =	sor.u32 $0x880, s18;
	s12 =	sor.u32 s0, s16;
	v4 =	vld [tilespmem:s5+$0x180]  }
0x24a: {  	s1 =	simm.s32 @!p2 $0x0;
	s6 =	sor.u32 $0xB00, s18;
	s13 =	sor.u32 s0, s17;
	v9 =	vld [tilespmem:s12+$0x0]  }
0x24b: {  	s1 =	sshll.u32 s1, $0x6;
	s11 =	sor.u32 $0x980, s18;
	s31 =	sor.u32 s0, s6;
	v10 =	vld [tilespmem:s13+$0x0]  }
0x24c: {  	s1 =	sadd.s32 s1, s4;
	s15 =	sor.u32 s0, s11;
	v18 =	vld [tilespmem:s31+$0x0]  }
0x24d: {  	s26 =	sadd.s32 $0xFFFFFCF2, s20;
	s8 =	sadd.s32 $0xFFFFFCF1, s20;
	s3 =	sor.u32 $0x200, s1;
	v12 =	vld [tilespmem:s15+$0x0]  }
0x24e: {  	v15 =	vor.u32 s26, v0;
	s26 =	sadd.s32 $0xFFFFFCF5, s20;
	s12 =	sor.u32 $0x900, s18;
	v13 =	vor.u32 s8, v0;
	s1 =	sor.u32 $0x300, s1;
	v5 =	vld [tilespmem:s3+$0x0]  }
0x24f: {  	s13 =	sor.u32 $0xA00, s18;
	s14 =	sor.u32 s0, s12;
	v7 =	vld [tilespmem:s1+$0x0];
	s3 =	sadd.s32 $0xFFFFFCF3, s20  }
0x250: {  	s5 =	sadd.s32 $0xFFFFFCF4, s20;
	s23 =	sor.u32 s0, s13;
	v11 =	vld [tilespmem:s14+$0x0];
	s14 =	sor.u32 $0xA80, s18;
	v17 =	vor.u32 s3, v0  }
0x251: {  	s15 =	sor.u32 $0xB80, s18;
	v19 =	vor.u32 s5, v0;
	v14 =	vld [tilespmem:s23+$0x0];
	s23 =	sadd.s32 $0x50, s19;
	s29 =	sor.u32 s0, s14  }
0x252: {  	v21 =	vor.u32 s26, v0;
	s31 =	sadd.s32 $0xFFFFFCF6, s20;
	s0 =	sor.u32 s0, s15;
	s1 =	sand.u32 $0x50, s23;
	v16 =	vld [tilespmem:s29+$0x0]  }
0x253: {  	s3 =	sadd.s32 $0xFFFFFCF7, s20;
	s29 =	sand.u32 $0x7, s21;
	v20 =	vld [tilespmem:s0+$0x0];
	s8 =	sor.u32 s1, s18;
	[tilespmem:v13+s2+$0x0] =	vst.idx.msk $0xffff, v1;
	v1 =	vor.u32 s31, v0  }
0x254: {  	s23 =	sadd.s32 $0xFFFFFCF8, s20;
	s5 =	sshll.u32 s29, $0x4;
	v55 =	vld [tilespmem:s8+$0x0];
	[tilespmem:v15+s2+$0x0] =	vst.idx.msk $0xffff, v2;
	v2 =	vor.u32 s3, v0  }
0x255: {  	v56 =	vld [tilespmem:s8+$0x80];
	s29 =	sadd.s32 $0xFFFFFCF9, s20;
	s26 =	sadd.s32 s4, s5;
	[tilespmem:v17+s2+$0x0] =	vst.idx.msk $0xffff, v3;
	v3 =	vor.u32 s23, v0  }
0x256: {  	v57 =	vld [tilespmem:s8+$0x100];
	s31 =	sadd.s32 $0xFFFFFCFA, s20;
	v58 =	vor.u32 s29, v0;
	s5 =	sadd.s32 $0x10, s26;
	[tilespmem:v19+s2+$0x0] =	vst.idx.msk $0xffff, v4  }
0x257: {  	v59 =	vld [tilespmem:s8+$0x180];
	v60 =	vor.u32 s31, v0;
	s29 =	sadd.s32 $0xFFFFFCFB, s20;
	s3 =	sor.u32 $0x200, s5;
	[tilespmem:v21+s2+$0x0] =	vst.idx.msk $0xffff, v5  }
0x258: {  	s8 =	sor.u32 s1, s16;
	s23 =	sadd.s32 $0xFFFFFFE0, s10;
	v61 =	vld [tilespmem:s3+$0x0];
	s3 =	sadd.s32 $0xFFFFFCFC, s20;
	[tilespmem:v1+s2+$0x0] =	vst.idx.msk $0xffff, v6;
	v1 =	vor.u32 s29, v0  }
0x259: {  	v26 =	vld [tilespmem:s8+$0x0];
	s5 =	sor.u32 $0x300, s5;
	s31 =	sor.u32 $0x280, s23;
	s29 =	sadd.s32 $0xFFFFFCFD, s20;
	[tilespmem:v2+s2+$0x0] =	vst.idx.msk $0xffff, v7;
	v2 =	vor.u32 s3, v0  }
0x25a: {  	v62 =	vld [tilespmem:s31+$0x0];
	s31 =	sor.u32 $0x380, s23;
	s23 =	sadd.s32 $0xFFFFFCFF, s20;
	s3 =	sadd.s32 $0xFFFFFCFE, s20;
	[tilespmem:v3+s2+$0x0] =	vst.idx.msk $0xffff, v8;
	v3 =	vor.u32 s29, v0  }
0x25b: {  	v63 =	vld [tilespmem:s5+$0x0];
	v27 =	vor.u32 s23, v0;
	s23 =	sadd.s32 $0xFFFFFDF1, s20;
	v25 =	vor.u32 s3, v0;
	[tilespmem:v58+s2+$0x0] =	vst.idx.msk $0xffff, v9  }
0x25c: {  	v24 =	vld [tilespmem:s31+$0x0];
	s31 =	sadd.s32 $0xFFFFFD00, s20;
	v30 =	vor.u32 s23, v0;
	s23 =	sor.u32 s1, s6;
	[tilespmem:v60+s2+$0x0] =	vst.idx.msk $0xffff, v10  }
0x25d: {  	s29 =	sor.u32 s1, s17;
	v34 =	vld [tilespmem:s23+$0x0];
	[tilespmem:v1+s2+$0x0] =	vst.idx.msk $0xffff, v11;
	v1 =	vor.u32 s31, v0  }
0x25e: {  	s8 =	sor.u32 s1, s11;
	v28 =	vld [tilespmem:s29+$0x0];
	s31 =	sadd.s32 $0xFFFFFDF2, s20;
	[tilespmem:v2+s2+$0x0] =	vst.idx.msk $0xffff, v12  }
0x25f: {  	s29 =	sor.u32 s1, s13;
	v2 =	vld [tilespmem:s8+$0x0];
	v31 =	vor.u32 s31, v0;
	s8 =	sadd.s32 $0xFFFFFDF3, s20;
	[tilespmem:v3+s2+$0x0] =	vst.idx.msk $0xffff, v14  }
0x260: {  	s3 =	sor.u32 s1, s12;
	v3 =	vld [tilespmem:s29+$0x0];
	v33 =	vor.u32 s8, v0;
	s29 =	sadd.s32 $0xFFFFFDF4, s20;
	[tilespmem:v25+s2+$0x0] =	vst.idx.msk $0xffff, v16  }
0x261: {  	s23 =	sadd.s32 $0xFFFFFDF5, s20;
	v29 =	vld [tilespmem:s3+$0x0];
	s3 =	sor.u32 s1, s14;
	s31 =	sadd.s32 $0x60, s19;
	v35 =	vor.u32 s29, v0;
	[tilespmem:v27+s2+$0x0] =	vst.idx.msk $0xffff, v18  }
0x262: {  	v36 =	vor.u32 s23, v0;
	v32 =	vld [tilespmem:s3+$0x0];
	s3 =	sor.u32 s1, s15;
	s1 =	sand.u32 $0x60, s31;
	s31 =	sadd.s32 $0xFFFFFDF6, s20;
	[tilespmem:v1+s2+$0x0] =	vst.idx.msk $0xffff, v20  }
0x263: {  	s29 =	sand.u32 $0x3, s7;
	s5 =	sor.u32 s1, s18;
	v37 =	vor.u32 s31, v0;
	v1 =	vld [tilespmem:s3+$0x0];
	[tilespmem:v30+s2+$0x0] =	vst.idx.msk $0xffff, v55;
	s3 =	sadd.s32 $0xFFFFFDF7, s20  }
0x264: {  	s23 =	sadd.s32 $0xFFFFFDF8, s20;
	s8 =	sshll.u32 s29, $0x5;
	v38 =	vld [tilespmem:s5+$0x0];
	[tilespmem:v31+s2+$0x0] =	vst.idx.msk $0xffff, v56;
	v39 =	vor.u32 s3, v0  }
0x265: {  	v41 =	vor.u32 s23, v0;
	v40 =	vld [tilespmem:s5+$0x80];
	s29 =	sadd.s32 $0xFFFFFDF9, s20;
	s8 =	sadd.s32 s4, s8;
	[tilespmem:v33+s2+$0x0] =	vst.idx.msk $0xffff, v57  }
0x266: {  	s31 =	sadd.s32 $0xFFFFFDFA, s20;
	v42 =	vld [tilespmem:s5+$0x100];
	v43 =	vor.u32 s29, v0;
	s8 =	sadd.s32 $0x20, s8;
	[tilespmem:v35+s2+$0x0] =	vst.idx.msk $0xffff, v59  }
0x267: {  	s23 =	sadd.s32 $0xFFFFFFF0, s10;
	v44 =	vld [tilespmem:s5+$0x180];
	v45 =	vor.u32 s31, v0;
	s29 =	sadd.s32 $0xFFFFFDFB, s20;
	s3 =	sor.u32 $0x200, s8;
	[tilespmem:v36+s2+$0x0] =	vst.idx.msk $0xffff, v61  }
0x268: {  	s31 =	sor.u32 $0x280, s23;
	v47 =	vor.u32 s29, v0;
	v46 =	vld [tilespmem:s3+$0x0];
	s3 =	sadd.s32 $0xFFFFFDFC, s20;
	[tilespmem:v37+s2+$0x0] =	vst.idx.msk $0xffff, v62  }
0x269: {  	v48 =	vld [tilespmem:s31+$0x0];
	s31 =	sor.u32 $0x380, s23;
	s29 =	sadd.s32 $0xFFFFFDFD, s20;
	v49 =	vor.u32 s3, v0;
	[tilespmem:v39+s2+$0x0] =	vst.idx.msk $0xffff, v63  }
0x26a: {  	v52 =	vld [tilespmem:s31+$0x0];
	s8 =	sor.u32 $0x300, s8;
	v51 =	vor.u32 s29, v0;
	s3 =	sadd.s32 $0xFFFFFDFE, s20;
	[tilespmem:v41+s2+$0x0] =	vst.idx.msk $0xffff, v24  }
0x26b: {  	s23 =	sadd.s32 $0xFFFFFDFF, s20;
	s29 =	sor.u32 s1, s17;
	v50 =	vld [tilespmem:s8+$0x0];
	v53 =	vor.u32 s3, v0;
	[tilespmem:v43+s2+$0x0] =	vst.idx.msk $0xffff, v26  }
0x26c: {  	v55 =	vor.u32 s23, v0;
	s31 =	sadd.s32 $0xFFFFFE00, s20;
	s8 =	sor.u32 s1, s16;
	v56 =	vld [tilespmem:s29+$0x0];
	[tilespmem:v45+s2+$0x0] =	vst.idx.msk $0xffff, v28  }
0x26d: {  	v57 =	vor.u32 s31, v0;
	s31 =	sor.u32 s1, s14;
	v54 =	vld [tilespmem:s8+$0x0];
	s8 =	sadd.s32 $0xFFFFFEF1, s20;
	[tilespmem:v47+s2+$0x0] =	vst.idx.msk $0xffff, v29  }
0x26e: {  	s29 =	sadd.s32 $0xFFFFFEF2, s20;
	v61 =	vld [tilespmem:s31+$0x0];
	s3 =	sor.u32 s1, s12;
	v59 =	vor.u32 s8, v0;
	[tilespmem:v49+s2+$0x0] =	vst.idx.msk $0xffff, v2  }
0x26f: {  	s23 =	sor.u32 s1, s13;
	v60 =	vor.u32 s29, v0;
	v58 =	vld [tilespmem:s3+$0x0];
	s3 =	sadd.s32 $0xFFFFFEF3, s20;
	[tilespmem:v51+s2+$0x0] =	vst.idx.msk $0xffff, v3  }
0x270: {  	s8 =	sor.u32 s1, s6;
	v62 =	vor.u32 s3, v0;
	v3 =	vld [tilespmem:s23+$0x0];
	s23 =	sadd.s32 $0xFFFFFEF4, s20;
	[tilespmem:v53+s2+$0x0] =	vst.idx.msk $0xffff, v32  }
0x271: {  	s5 =	sor.u32 s1, s11;
	s29 =	sadd.s32 $0x70, s19;
	v63 =	vld [tilespmem:s8+$0x0];
	s3 =	sadd.s32 $0xFFFFFEF5, s20;
	v22 =	vor.u32 s23, v0;
	[tilespmem:v55+s2+$0x0] =	vst.idx.msk $0xffff, v34  }
0x272: {  	s31 =	sor.u32 s1, s15;
	s1 =	sand.u32 $0x70, s29;
	v23 =	vor.u32 s3, v0;
	v2 =	vld [tilespmem:s5+$0x0];
	s5 =	sadd.s32 $0xFFFFFEF6, s20;
	[tilespmem:v57+s2+$0x0] =	vst.idx.msk $0xffff, v1  }
0x273: {  	s8 =	sor.u32 s1, s18;
	s18 =	sadd.s32 $0xFFFFFEF7, s20;
	v24 =	vor.u32 s5, v0;
	v1 =	vld [tilespmem:s31+$0x0];
	[tilespmem:v59+s2+$0x0] =	vst.idx.msk $0xffff, v38  }
0x274: {  	s19 =	sadd.s32 $0xFFFFFEF8, s20;
	v25 =	vld [tilespmem:s8+$0x0];
	v26 =	vor.u32 s18, v0;
	[tilespmem:v60+s2+$0x0] =	vst.idx.msk $0xffff, v40  }
0x275: {  	v27 =	vld [tilespmem:s8+$0x80];
	v28 =	vor.u32 s19, v0;
	s23 =	sadd.s32 $0xFFFFFEF9, s20;
	[tilespmem:v62+s2+$0x0] =	vst.idx.msk $0xffff, v42  }
0x276: {  	s29 =	sadd.s32 $0xFFFFFEFA, s20;
	v31 =	vld [tilespmem:s8+$0x180];
	s18 =	sor.u32 $0x280, s10;
	v30 =	vor.u32 s23, v0;
	[tilespmem:v22+s2+$0x0] =	vst.idx.msk $0xffff, v44  }
0x277: {  	s3 =	sadd.s32 $0xFFFFFEFB, s20;
	v35 =	vld [tilespmem:s18+$0x0];
	v32 =	vor.u32 s29, v0;
	[tilespmem:v23+s2+$0x0] =	vst.idx.msk $0xffff, v46  }
0x278: {  	s26 =	sadd.s32 $0x30, s26;
	s19 =	sadd.s32 $0xFFFFFEFC, s20;
	s18 =	sor.u32 s1, s12;
	v29 =	vld [tilespmem:s8+$0x100];
	v34 =	vor.u32 s3, v0;
	[tilespmem:v24+s2+$0x0] =	vst.idx.msk $0xffff, v48  }
0x279: {  	v36 =	vor.u32 s19, v0;
	v45 =	vld [tilespmem:s18+$0x0];
	s23 =	sor.u32 $0x300, s26;
	s31 =	sor.u32 $0x200, s26;
	s26 =	sadd.s32 $0xFFFFFEFD, s20;
	[tilespmem:v26+s2+$0x0] =	vst.idx.msk $0xffff, v50  }
0x27a: {  	s29 =	sor.u32 $0x380, s10;
	v33 =	vld [tilespmem:s31+$0x0];
	v38 =	vor.u32 s26, v0;
	s31 =	sadd.s32 $0xFFFFFEFE, s20;
	[tilespmem:v28+s2+$0x0] =	vst.idx.msk $0xffff, v52  }
0x27b: {  	s8 =	sadd.s32 $0xFFFFFEFF, s20;
	v39 =	vld [tilespmem:s29+$0x0];
	v40 =	vor.u32 s31, v0;
	[tilespmem:v30+s2+$0x0] =	vst.idx.msk $0xffff, v54  }
0x27c: {  	s3 =	sor.u32 s1, s16;
	s16 =	sor.u32 s1, s17;
	s17 =	sadd.s32 $0xFFFFFF00, s20;
	v37 =	vld [tilespmem:s23+$0x0];
	v42 =	vor.u32 s8, v0;
	[tilespmem:v32+s2+$0x0] =	vst.idx.msk $0xffff, v56  }
0x27d: {  	v41 =	vld [tilespmem:s3+$0x0];
	s23 =	sadd.s32 $0xFFFFFFF1, s20;
	v44 =	vor.u32 s17, v0;
	[tilespmem:v34+s2+$0x0] =	vst.idx.msk $0xffff, v58  }
0x27e: {  	s29 =	sadd.s32 $0xFFFFFFF2, s20;
	v43 =	vld [tilespmem:s16+$0x0];
	s31 =	sor.u32 s1, s14;
	v46 =	vor.u32 s23, v0;
	[tilespmem:v36+s2+$0x0] =	vst.idx.msk $0xffff, v2  }
0x27f: {  	v47 =	vor.u32 s29, v0;
	s3 =	sadd.s32 $0xFFFFFFF3, s20;
	s8 =	sor.u32 s1, s6;
	v48 =	vld [tilespmem:s31+$0x0];
	[tilespmem:v38+s2+$0x0] =	vst.idx.msk $0xffff, v3  }
0x280: {  	s19 =	sor.u32 s1, s11;
	s11 =	sadd.s32 $0xFFFFFFF4, s20;
	v49 =	vor.u32 s3, v0;
	v50 =	vld [tilespmem:s8+$0x0];
	[tilespmem:v40+s2+$0x0] =	vst.idx.msk $0xffff, v61  }
0x281: {  	v51 =	vor.u32 s11, v0;
	s26 =	sor.u32 s1, s13;
	s13 =	sadd.s32 $0xFFFFFFF5, s20;
	v2 =	vld [tilespmem:s19+$0x0];
	[tilespmem:v42+s2+$0x0] =	vst.idx.msk $0xffff, v63  }
0x282: {  	s12 =	sor.u32 s1, s15;
	s14 =	sadd.s32 $0xFFFFFFF6, s20;
	v52 =	vor.u32 s13, v0;
	v3 =	vld [tilespmem:s26+$0x0];
	[tilespmem:v44+s2+$0x0] =	vst.idx.msk $0xffff, v1  }
0x283: {  	s15 =	sadd.s32 $0xFFFFFFF7, s20;
	v53 =	vor.u32 s14, v0;
	v1 =	vld [tilespmem:s12+$0x0];
	[tilespmem:v46+s2+$0x0] =	vst.idx.msk $0xffff, v25  }
0x284: {  	s16 =	sadd.s32 $0xFFFFFFF8, s20;
	v54 =	vor.u32 s15, v0;
	[tilespmem:v47+s2+$0x0] =	vst.idx.msk $0xffff, v27  }
0x285: {  	v55 =	vor.u32 s16, v0;
	s17 =	sadd.s32 $0xFFFFFFF9, s20;
	[tilespmem:v49+s2+$0x0] =	vst.idx.msk $0xffff, v29  }
0x286: {  	s18 =	sadd.s32 $0xFFFFFFFA, s20;
	v56 =	vor.u32 s17, v0;
	[tilespmem:v51+s2+$0x0] =	vst.idx.msk $0xffff, v31  }
0x287: {  	v57 =	vor.u32 s18, v0;
	s19 =	sadd.s32 $0xFFFFFFFB, s20;
	[tilespmem:v52+s2+$0x0] =	vst.idx.msk $0xffff, v33  }
0x288: {  	s23 =	sadd.s32 $0xFFFFFFFC, s20;
	v58 =	vor.u32 s19, v0;
	[tilespmem:v53+s2+$0x0] =	vst.idx.msk $0xffff, v35  }
0x289: {  	v59 =	vor.u32 s23, v0;
	s26 =	sadd.s32 $0xFFFFFFFD, s20;
	[tilespmem:v54+s2+$0x0] =	vst.idx.msk $0xffff, v37  }
0x28a: {  	s29 =	sadd.s32 $0xFFFFFFFE, s20;
	v60 =	vor.u32 s26, v0;
	[tilespmem:v55+s2+$0x0] =	vst.idx.msk $0xffff, v39  }
0x28b: {  	s31 =	sadd.s32 $0xFFFFFFFF, s20;
	v61 =	vor.u32 s29, v0;
	[tilespmem:v56+s2+$0x0] =	vst.idx.msk $0xffff, v41  }
0x28c: {  	v62 =	vor.u32 s31, v0;
	[tilespmem:v57+s2+$0x0] =	vst.idx.msk $0xffff, v43  }
0x28d: {  	p3 =	slt.u32 s25, $0xC0;
	v63 =	vor.u32 s20, v0;
	[tilespmem:v58+s2+$0x0] =	vst.idx.msk $0xffff, v45  }
.Ltmp9:
0x28e: {  	[tilespmem:v59+s2+$0x0] =	vst.idx.msk $0xffff, v2;
	(pc) =	sbr.rel @p3 .LBB2_15-.Ltmp9, $4  }
0x28f: {  	[tilespmem:v60+s2+$0x0] =	vst.idx.msk $0xffff, v3  }
0x290: {  	p2 =	por !p2, !p2;
	[tilespmem:v61+s2+$0x0] =	vst.idx.msk $0xffff, v48  }
0x291: {  	s21 =	sadd.s32 $0x4, s21;
	s7 =	sadd.s32 $0x2, s7;
	s4 =	sadd.s32 $0x200, s4;
	[tilespmem:v62+s2+$0x0] =	vst.idx.msk $0xffff, v50  }
0x292: {  	s10 =	sadd.s32 $0x240, s10;
	s19 =	smov.u32 s25;
	s20 =	sadd.s32 $0x400, s20;
	[tilespmem:v63+s2+$0x0] =	vst.idx.msk $0xffff, v1  }
.Ltmp10:
0x293: {  	s0 =	rddreg [dreg:$0x16];
	s31 =	simm.s32 $0x9;
	(pc) =	sbr.rel .LBB2_17-.Ltmp10, $4  }
0x294: {  	[hbm4b:s0+s30] =	stream.linear.scatter [tilespmem:s2], [sflag:$0x9], $0x1000, $0x38;
	[tilespmem:$0x8000] =	vst v63  }
0x295: {  	_ =	swait.ge [sflag:s31], $0x1000  }
0x296: {  	[sflag:s31] =	ssyncset.done $0x0  }
0x297: {  	s5 =	rddreg [dreg:$0x1a];
	[sflag:s31] =	ssyncadd.s32 $0xFFFFF000  }
.LBB2_18:
0x298: {  	_ =	sfence.sel $0x180000  }
0x299: {  	[bflag:$0x0] =	sbarrier.arrive $0xFFFF  }
0x29a: {  	_ =	strace $0x90000047  }
0x29b: {  	s0 =	stileid.u32;
	[bflag:$0x2] =	sbarrier.arrive $0xFFFF  }
0x29c: {  	p0 =	sne.s32 s0, $0x0;
	s0 =	rddreg [dreg:$0x3]  }
0x29d: {  	s0 =	sadd.s32 @!p0 $0x100000, s0  }
0x29e: {  	[sflag:s0] =	ssyncadd.tile.s32 @!p0 $0x1;
	_ =	shalt  }
.Lfunc_end2:
_tile_overlayer_lowered:
.L_overlay_start_2:
0x29f: {  	(tag) =	ssettag $0x2  }
0x2a0: {  	s0 =	rddreg [dreg:$0x0];
	s2 =	stileid.u32  }
0x2a1: {  	s1 =	rddreg [dreg:$0x1];
	p0 =	sne.s32 s2, $0x0  }
0x2a2: {  	s3 =	rddreg [dreg:$0x2];
	[bflag:$0x3] =	sbarrier.arrive $0xFFFF;
	s2 =	simm.s32 @!p0 $0x1C09  }
0x2a3: {  	[timem:s3], [sflag:s2] =	dma.local @!p0 [hbm:s0], s1  }
0x2a4: {  	s0 =	simm.s32 @!p0 $0x9  }
0x2a5: {  	_ =	swait.ge @!p0 [sflag:s0], s1  }
0x2a6: {  	s1 =	ssub.s32 @!p0 $0x0, s1;
	[sflag:s0] =	ssyncset.done @!p0 $0x0  }
0x2a7: {  	[sflag:s0] =	ssyncadd.s32 @!p0 s1  }
0x2a8: {  	[bflag:$0x3] =	sbarrier.arrive $0xFFFF  }
0x2a9: {  	_ =	shalt  }

</sc_bundles>
